<compile_context>
chip_gen: v7x
topology: tpu7x:2x2x1
jax: 0.10.2.dev20260603
libtpu: 0.0.44.dev20260713+nightly
codegen_flags: <defaults>
</compile_context>

<pallas_src>
import functools

import jax
import jax.numpy as jnp
from jax import lax
from jax.experimental import pallas as pl
from jax.experimental.pallas import tpu as pltpu
from jax.experimental.pallas import tpu_sc as plsc

N = 10000
C = 256
CW = C // 2
K = 16
K1 = K + 1
NEG_SLOPE = 0.2

NC, NS, L = 2, 16, 16
NW = NC * NS
NPAD = 10240
NPW = NPAD // NW
CH16 = NPW // L
SB = 4
ROWS = SB * K
GS = NPW // SB
NBUF = 2
NJ = C // L
NJW = CW // L
BN = 512


def _tc_stage(x_ref, w_ref, a_ref, h_ref, s_ref):
    xb = x_ref[...]
    hb = lax.dot_general(xb, w_ref[...], (((0,), (1,)), ((), ())),
                         preferred_element_type=jnp.float32)
    hb = jnp.maximum(hb, 0.0)
    h_ref[...] = hb
    s_ref[...] = lax.dot_general(hb, a_ref[...], (((1,), (0,)), ((), ())),
                                 preferred_element_type=jnp.float32)


def _compute_h_s(xp, W, att8):
    return pl.pallas_call(
        _tc_stage,
        grid=(NPAD // BN,),
        in_specs=[
            pl.BlockSpec((C, BN), lambda i: (0, i)),
            pl.BlockSpec((C, C), lambda i: (0, 0)),
            pl.BlockSpec((C, 8), lambda i: (0, 0)),
        ],
        out_specs=[
            pl.BlockSpec((BN, C), lambda i: (i, 0)),
            pl.BlockSpec((BN, 8), lambda i: (i, 0)),
        ],
        out_shape=[
            jax.ShapeDtypeStruct((NPAD, C), jnp.float32),
            jax.ShapeDtypeStruct((NPAD, 8), jnp.float32),
        ],
    )(xp, W, att8)


def _decode(word_vec):
    lo = plsc.bitcast(word_vec << 16, jnp.float32)
    hi = plsc.bitcast(word_vec & jnp.int32(-65536), jnp.float32)
    return lo, hi


def _sc_body(h_hbm, si_hbm, sj_hbm, gd_hbm, ga0_hbm, ga1_hbm, bias_hbm,
             out_hbm,
             si_v, sj_v, gd_v, ga0_v, ga1_v, alpha_v, bias_v, *rest):
    hsp = rest[-1]
    rest = rest[:-1]
    rows = rest[:NBUF]
    selfs = rest[NBUF:2 * NBUF]
    obs = rest[2 * NBUF:3 * NBUF]
    gsems = rest[3 * NBUF:4 * NBUF]
    ssems = rest[4 * NBUF:5 * NBUF]
    osems = rest[5 * NBUF:6 * NBUF]
    cid = lax.axis_index("c")
    sid = lax.axis_index("s")
    wid = cid * NS + sid
    base = wid * NPW

    pltpu.sync_copy(si_hbm, si_v)
    pltpu.sync_copy(sj_hbm, sj_v)
    pltpu.sync_copy(gd_hbm.at[wid], gd_v)
    pltpu.sync_copy(ga0_hbm.at[wid], ga0_v)
    pltpu.sync_copy(ga1_hbm.at[wid], ga1_v)
    pltpu.sync_copy(bias_hbm, bias_v)
    pltpu.sync_copy(h_hbm.at[pl.ds(sid * 128, 128)], hsp.at[pl.ds(sid * 128, 128)])
    plsc.subcore_barrier()

    def gather_start(g, b):
        pltpu.make_async_copy(hsp.at[gd_v.at[g]], rows[b], gsems[b]).start()
        pltpu.make_async_copy(h_hbm.at[pl.ds(base + g * SB, SB)], selfs[b],
                              ssems[b]).start()

    def gather_wait(g, b):
        pltpu.make_async_copy(hsp.at[gd_v.at[g]], rows[b], gsems[b]).wait()
        pltpu.make_async_copy(h_hbm.at[pl.ds(base + g * SB, SB)], selfs[b],
                              ssems[b]).wait()

    for b in range(NBUF):
        gather_start(b, b)

    def alpha_chunk(c, carry):
        cb = c * (K1 * L)
        vs = []
        m = jnp.full((L,), -3.4e38, jnp.float32)
        for k in range(K1):
            i0 = ga0_v[pl.ds(cb + k * L, L)]
            i1 = ga1_v[pl.ds(cb + k * L, L)]
            lg = plsc.load_gather(si_v, [i1]) + plsc.load_gather(sj_v, [i0])
            lg = jnp.maximum(lg, NEG_SLOPE * lg)
            vs.append(lg)
            m = jnp.maximum(m, lg)
        tot = jnp.zeros((L,), jnp.float32)
        es = []
        for k in range(K1):
            e = jnp.exp(vs[k] - m)
            es.append(e)
            tot = tot + e
        inv = 1.0 / tot
        for k in range(K1):
            alpha_v[pl.ds(cb + k * L, L)] = es[k] * inv
        return carry

    lax.fori_loop(0, CH16, alpha_chunk, 0)

    bias_regs = tuple(bias_v[j * L:(j + 1) * L] for j in range(NJ))

    def outer(go, carry):
        go4 = go * NBUF
        for b in range(NBUF):
            g = go4 + b
            cb = (g // (L // SB)) * (K1 * L)
            lane_b = (g % (L // SB)) * SB
            gather_wait(g, b)

            @pl.when(go > 0)
            def _(g=g, b=b):
                pltpu.make_async_copy(
                    obs[b], out_hbm.at[pl.ds(base + g * SB, SB)],
                    osems[b]).wait()

            kiota = lax.iota(jnp.int32, L) * L
            for n in range(SB):
                aidx = kiota + (cb + lane_b + n)
                avec = plsc.load_gather(alpha_v, [aidx])
                sidx = jnp.zeros((L,), jnp.int32) + (cb + K * L + lane_b + n)
                sa = plsc.load_gather(alpha_v, [sidx])[0]
                acc = list(bias_regs)
                for w in range(NJW):
                    slo, shi = _decode(selfs[b][n, w * L:(w + 1) * L])
                    acc[2 * w] = acc[2 * w] + sa * slo
                    acc[2 * w + 1] = acc[2 * w + 1] + sa * shi
                for k in range(0):
                    a = avec[k]
                    row = n * K + k
                    for w in range(NJW):
                        lo, hi = _decode(rows[b][row, w * L:(w + 1) * L])
                        acc[2 * w] = acc[2 * w] + a * lo
                        acc[2 * w + 1] = acc[2 * w + 1] + a * hi
                for j in range(NJ):
                    obs[b][n, j * L:(j + 1) * L] = acc[j]

            @pl.when(g + NBUF < GS)
            def _(g=g, b=b):
                gather_start(g + NBUF, b)

            pltpu.make_async_copy(
                obs[b], out_hbm.at[pl.ds(base + g * SB, SB)],
                osems[b]).start()
        return carry

    lax.fori_loop(0, GS // NBUF, outer, 0)
    for b in range(NBUF):
        g = GS - NBUF + b
        pltpu.make_async_copy(
            obs[b], out_hbm.at[pl.ds(base + g * SB, SB)],
            osems[b]).wait()


@functools.partial(
    pl.kernel,
    out_type=jax.ShapeDtypeStruct((NPAD, C), jnp.float32),
    mesh=plsc.VectorSubcoreMesh(core_axis_name="c", subcore_axis_name="s"),
    compiler_params=pltpu.CompilerParams(needs_layout_passes=False),
    scratch_types=(
        [
            pltpu.VMEM((NPAD,), jnp.float32),
            pltpu.VMEM((NPAD,), jnp.float32),
            pltpu.VMEM((GS, ROWS), jnp.int32),
            pltpu.VMEM((CH16 * K1 * L,), jnp.int32),
            pltpu.VMEM((CH16 * K1 * L,), jnp.int32),
            pltpu.VMEM((CH16 * K1 * L,), jnp.float32),
            pltpu.VMEM((C,), jnp.float32),
        ]
        + [pltpu.VMEM((ROWS, CW), jnp.int32)] * NBUF
        + [pltpu.VMEM((SB, CW), jnp.int32)] * NBUF
        + [pltpu.VMEM((SB, C), jnp.float32)] * NBUF
        + [pltpu.SemaphoreType.DMA] * (3 * NBUF)
        + [pltpu.VMEM_SHARED((2048, CW), jnp.int32)]
    ),
)
def _sc_aggregate(h_hbm, si_hbm, sj_hbm, gd_hbm, ga0_hbm, ga1_hbm, bias_hbm,
                  out_hbm, *rest):
    _sc_body(h_hbm, si_hbm, sj_hbm, gd_hbm, ga0_hbm, ga1_hbm, bias_hbm,
             out_hbm, *rest)


def _pack_rows(hT):
    h16 = hT.astype(jnp.bfloat16).reshape(NPAD, CW, 2)
    u = lax.bitcast_convert_type(h16, jnp.uint16).astype(jnp.uint32)
    word = u[:, :, 0] | (u[:, :, 1] << 16)
    return word.astype(jnp.int32)


def kernel(x, x_0, edge_index, W, att, bias):
    xf = x[0, :, :, 0]
    xp = jnp.pad(xf, ((0, 0), (0, NPAD - N)))
    att_i = att[0, :C, 0, 0]
    att_j = att[0, C:, 0, 0]
    att8 = jnp.zeros((C, 8), jnp.float32).at[:, 0].set(att_i).at[:, 1].set(att_j)

    cg = jnp.arange(C).reshape(NJW, 2, L)
    perm = cg.transpose(0, 2, 1).reshape(C)
    Wp = W[perm, :]
    att8p = att8[perm, :]

    hTp, s8 = _compute_h_s(xp, Wp, att8p)
    h_packed = _pack_rows(hTp)
    s_i = s8[:, 0]
    s_j = s8[:, 1]

    self_idx = jnp.arange(N, dtype=jnp.int32)[:, None]
    idx0 = jnp.concatenate([edge_index[0, 0], self_idx], axis=1)
    idx1 = jnp.concatenate([edge_index[1, 0], self_idx], axis=1)
    idx0p = jnp.pad(idx0, ((0, NPAD - N), (0, 0)))
    idx1p = jnp.pad(idx1, ((0, NPAD - N), (0, 0)))

    glistD = (idx0p[:, :K] % 2048).reshape(NW, GS, ROWS)
    glistA0 = idx0p.reshape(NW, CH16, L, K1).transpose(0, 1, 3, 2).reshape(
        NW, CH16 * K1 * L)
    glistA1 = idx1p.reshape(NW, CH16, L, K1).transpose(0, 1, 3, 2).reshape(
        NW, CH16 * K1 * L)
    bias_row = bias[0, :, 0, 0]

    out_nm = _sc_aggregate(h_packed, s_i, s_j, glistD, glistA0, glistA1,
                           bias_row)
    return out_nm[:N].T[None, :, :, None]

# --- scband reference (transcript-rebuilt; emitter-appended) ---
"""Pipeline reference for scband-gatconv2d-6150393168690 (READ-ONLY COPY).

The authoritative reference and input builder live on the scoring server;
editing this copy changes nothing except your own understanding.
"""

import jax, jax.numpy as jnp
import numpy as np

B, C_IN, C_OUT, N, K = 1, 256, 256, 10000, 16
NEG_SLOPE = 0.2


def batched_index_select(x, idx):
    # x: [B, C, N, 1], idx: [B, N, K] -> [B, C, N, K]
    xf = x[:, :, :, 0]  # [B, C, N]
    return jax.vmap(lambda xb, ib: xb[:, ib])(xf, idx)


def add_self_loops(edge_index):
    # edge_index: [2, B, N, K] -> [2, B, N, K+1]
    _, b, n, k = edge_index.shape
    self_idx = jnp.broadcast_to(jnp.arange(n, dtype=edge_index.dtype)[None, :, None], (b, n, 1))
    e0 = jnp.concatenate([edge_index[0], self_idx], axis=-1)
    e1 = jnp.concatenate([edge_index[1], self_idx], axis=-1)
    return jnp.stack([e0, e1], axis=0)


def setup_inputs(seed: int = 0):
    key = jax.random.key(seed)
    ks = jax.random.split(key, 5)
    x = jax.random.normal(ks[0], (B, C_IN, N, 1), dtype=jnp.float32)
    x_0 = jax.random.normal(ks[1], (B, C_IN, N, 1), dtype=jnp.float32)
    edge_index = jax.random.randint(ks[2], (2, B, N, K), 0, N, dtype=jnp.int32)
    # learned params
    W = jax.random.normal(ks[3], (C_OUT, C_IN), dtype=jnp.float32) * np.sqrt(2.0 / (C_IN + C_OUT))  # 1x1 conv weight, bias=False
    att = jax.random.normal(ks[4], (1, 2 * C_OUT, 1, 1), dtype=jnp.float32) * np.sqrt(2.0 / (2 * C_OUT + 1))  # glorot
    bias = jnp.zeros((1, C_OUT, 1, 1), dtype=jnp.float32)
    return {"x": x, "x_0": x_0, "edge_index": edge_index, "W": W, "att": att, "bias": bias}


def reference(x, x_0, edge_index, W, att, bias):
    # BasicConv2([C_in, C_out], act='relu', norm=None, bias=False): 1x1 conv + ReLU
    h = jnp.einsum('oc,bcnk->bonk', W, x)
    h = jax.nn.relu(h)
    ei = add_self_loops(edge_index)
    x_i = batched_index_select(h, ei[1])  # [B, C_out, N, K+1]
    x_j = batched_index_select(h, ei[0])  # [B, C_out, N, K+1]
    alpha = jnp.sum(jnp.concatenate([x_i, x_j], axis=1) * att, axis=1, keepdims=True)  # [B,1,N,K+1]
    alpha = jnp.where(alpha >= 0, alpha, NEG_SLOPE * alpha)  # leaky_relu
    alpha = jax.nn.softmax(alpha, axis=-1)
    # dropout p=0 in eval -> identity
    x_j = x_j * alpha
    aggr_out = jnp.sum(x_j, axis=-1, keepdims=True)  # [B, C_out, N, 1]
    aggr_out = aggr_out + bias
    return aggr_out

if __name__ == "__main__":
    import jax
    _d = setup_inputs()
    print(jax.jit(kernel)(*tuple(_d.values())))

</pallas_src>

<mosaic_0001>
#map = affine_map<(d0, d1) -> (0, 0)>
#map1 = affine_map<(d0, d1) -> (0)>
#map2 = affine_map<(d0, d1) -> (0, 0, 0)>
module attributes {stable_mosaic.version = 14 : i64} {
  func.func @_sc_aggregate(%arg0: i32, %arg1: i32, %arg2: memref<10240x128xi32, #tpu.memory_space<hbm>>, %arg3: memref<10240xf32, #tpu.memory_space<hbm>>, %arg4: memref<10240xf32, #tpu.memory_space<hbm>>, %arg5: memref<32x80x64xi32, #tpu.memory_space<hbm>>, %arg6: memref<32x5440xi32, #tpu.memory_space<hbm>>, %arg7: memref<32x5440xi32, #tpu.memory_space<hbm>>, %arg8: memref<256xf32, #tpu.memory_space<hbm>>, %arg9: memref<10240x256xf32, #tpu.memory_space<hbm>>, %arg10: memref<10240xf32, #tpu.memory_space<vmem>>, %arg11: memref<10240xf32, #tpu.memory_space<vmem>>, %arg12: memref<80x64xi32, #tpu.memory_space<vmem>>, %arg13: memref<5440xi32, #tpu.memory_space<vmem>>, %arg14: memref<5440xi32, #tpu.memory_space<vmem>>, %arg15: memref<5440xf32, #tpu.memory_space<vmem>>, %arg16: memref<256xf32, #tpu.memory_space<vmem>>, %arg17: memref<64x128xi32, #tpu.memory_space<vmem>>, %arg18: memref<64x128xi32, #tpu.memory_space<vmem>>, %arg19: memref<4x128xi32, #tpu.memory_space<vmem>>, %arg20: memref<4x128xi32, #tpu.memory_space<vmem>>, %arg21: memref<4x256xf32, #tpu.memory_space<vmem>>, %arg22: memref<4x256xf32, #tpu.memory_space<vmem>>, %arg23: memref<!tpu.dma_semaphore, #tpu.memory_space<semaphore_mem>>, %arg24: memref<!tpu.dma_semaphore, #tpu.memory_space<semaphore_mem>>, %arg25: memref<!tpu.dma_semaphore, #tpu.memory_space<semaphore_mem>>, %arg26: memref<!tpu.dma_semaphore, #tpu.memory_space<semaphore_mem>>, %arg27: memref<!tpu.dma_semaphore, #tpu.memory_space<semaphore_mem>>, %arg28: memref<!tpu.dma_semaphore, #tpu.memory_space<semaphore_mem>>, %arg29: memref<2048x128xi32, #tpu.memory_space<vmem_shared>>) attributes {dimension_semantics = [#tpu.dimension_semantics<core_parallel>, #tpu.dimension_semantics<subcore_parallel>], iteration_bounds = array<i64: 2, 16>, scalar_prefetch = 0 : i64, scratch_operands = 20 : i64, tpu.core_type = #tpu.core_type<sc_vector_subcore>, window_params = [{transform_indices = #map}, {transform_indices = #map1}, {transform_indices = #map1}, {transform_indices = #map2}, {transform_indices = #map}, {transform_indices = #map}, {transform_indices = #map1}, {transform_indices = #map}]} {
    %mul3A = arith.constant 16 : i32
    %mul3A_0 = arith.muli %arg0, %mul3A : i32
    %add3A = arith.addi %mul3A_0, %arg1 : i32
    %mul3A_1 = arith.constant 320 : i32
    %mul3A_2 = arith.muli %add3A, %mul3A_1 : i32
    "tpu.region"() ({
      %run_scoped3A = tpu.sem_alloc : memref<!tpu.dma_semaphore, #tpu.memory_space<semaphore_mem>>
      tpu.enqueue_dma source(%arg3 : memref<10240xf32, #tpu.memory_space<hbm>>) target(%arg10 : memref<10240xf32, #tpu.memory_space<vmem>>) target_semaphore(%run_scoped3A : memref<!tpu.dma_semaphore, #tpu.memory_space<semaphore_mem>>)
      tpu.wait_dma2 semaphore(%run_scoped3A : memref<!tpu.dma_semaphore, #tpu.memory_space<semaphore_mem>>) src(%arg3 : memref<10240xf32, #tpu.memory_space<hbm>>) dst(%arg10 : memref<10240xf32, #tpu.memory_space<vmem>>)
      tpu.yield
    }) : () -> ()
    "tpu.region"() ({
      %run_scoped3A = tpu.sem_alloc : memref<!tpu.dma_semaphore, #tpu.memory_space<semaphore_mem>>
      tpu.enqueue_dma source(%arg4 : memref<10240xf32, #tpu.memory_space<hbm>>) target(%arg11 : memref<10240xf32, #tpu.memory_space<vmem>>) target_semaphore(%run_scoped3A : memref<!tpu.dma_semaphore, #tpu.memory_space<semaphore_mem>>)
      tpu.wait_dma2 semaphore(%run_scoped3A : memref<!tpu.dma_semaphore, #tpu.memory_space<semaphore_mem>>) src(%arg4 : memref<10240xf32, #tpu.memory_space<hbm>>) dst(%arg11 : memref<10240xf32, #tpu.memory_space<vmem>>)
      tpu.yield
    }) : () -> ()
    "tpu.region"() ({
      %run_scoped3A = tpu.sem_alloc : memref<!tpu.dma_semaphore, #tpu.memory_space<semaphore_mem>>
      %dma_start3A_85 = arith.constant 0 : i32
      %dma_start3A_86 = arith.constant 0 : i32
      %dma_start3A_87 = tpu.memref_slice %arg5[%add3A, %dma_start3A_85, %dma_start3A_86] : memref<32x80x64xi32, #tpu.memory_space<hbm>> -> memref<1x80x64xi32, #tpu.memory_space<hbm>>
      %dma_start3A_88 = tpu.memref_squeeze %dma_start3A_87 : memref<1x80x64xi32, #tpu.memory_space<hbm>> -> memref<80x64xi32, #tpu.memory_space<hbm>>
      %dma_start3A_89 = arith.constant 0 : i32
      %dma_start3A_90 = arith.constant 0 : i32
      %dma_start3A_91 = tpu.memref_slice %arg5[%add3A, %dma_start3A_89, %dma_start3A_90] : memref<32x80x64xi32, #tpu.memory_space<hbm>> -> memref<1x80x64xi32, #tpu.memory_space<hbm>>
      %dma_start3A_92 = tpu.memref_squeeze %dma_start3A_91 : memref<1x80x64xi32, #tpu.memory_space<hbm>> -> memref<80x64xi32, #tpu.memory_space<hbm>>
      tpu.enqueue_dma source(%dma_start3A_92 : memref<80x64xi32, #tpu.memory_space<hbm>>) target(%arg12 : memref<80x64xi32, #tpu.memory_space<vmem>>) target_semaphore(%run_scoped3A : memref<!tpu.dma_semaphore, #tpu.memory_space<semaphore_mem>>)
      %dma_wait3A_93 = arith.constant 0 : i32
      %dma_wait3A_94 = arith.constant 0 : i32
      %dma_wait3A_95 = tpu.memref_slice %arg5[%add3A, %dma_wait3A_93, %dma_wait3A_94] : memref<32x80x64xi32, #tpu.memory_space<hbm>> -> memref<1x80x64xi32, #tpu.memory_space<hbm>>
      %dma_wait3A_96 = tpu.memref_squeeze %dma_wait3A_95 : memref<1x80x64xi32, #tpu.memory_space<hbm>> -> memref<80x64xi32, #tpu.memory_space<hbm>>
      %dma_wait3A_97 = arith.constant 0 : i32
      %dma_wait3A_98 = arith.constant 0 : i32
      %dma_wait3A_99 = tpu.memref_slice %arg5[%add3A, %dma_wait3A_97, %dma_wait3A_98] : memref<32x80x64xi32, #tpu.memory_space<hbm>> -> memref<1x80x64xi32, #tpu.memory_space<hbm>>
      %dma_wait3A_100 = tpu.memref_squeeze %dma_wait3A_99 : memref<1x80x64xi32, #tpu.memory_space<hbm>> -> memref<80x64xi32, #tpu.memory_space<hbm>>
      tpu.wait_dma2 semaphore(%run_scoped3A : memref<!tpu.dma_semaphore, #tpu.memory_space<semaphore_mem>>) src(%dma_wait3A_100 : memref<80x64xi32, #tpu.memory_space<hbm>>) dst(%arg12 : memref<80x64xi32, #tpu.memory_space<vmem>>)
      tpu.yield
    }) : () -> ()
    "tpu.region"() ({
      %run_scoped3A = tpu.sem_alloc : memref<!tpu.dma_semaphore, #tpu.memory_space<semaphore_mem>>
      %dma_start3A_85 = arith.constant 0 : i32
      %dma_start3A_86 = tpu.memref_slice %arg6[%add3A, %dma_start3A_85] : memref<32x5440xi32, #tpu.memory_space<hbm>> -> memref<1x5440xi32, #tpu.memory_space<hbm>>
      %dma_start3A_87 = tpu.memref_squeeze %dma_start3A_86 : memref<1x5440xi32, #tpu.memory_space<hbm>> -> memref<5440xi32, #tpu.memory_space<hbm>>
      %dma_start3A_88 = arith.constant 0 : i32
      %dma_start3A_89 = tpu.memref_slice %arg6[%add3A, %dma_start3A_88] : memref<32x5440xi32, #tpu.memory_space<hbm>> -> memref<1x5440xi32, #tpu.memory_space<hbm>>
      %dma_start3A_90 = tpu.memref_squeeze %dma_start3A_89 : memref<1x5440xi32, #tpu.memory_space<hbm>> -> memref<5440xi32, #tpu.memory_space<hbm>>
      tpu.enqueue_dma source(%dma_start3A_90 : memref<5440xi32, #tpu.memory_space<hbm>>) target(%arg13 : memref<5440xi32, #tpu.memory_space<vmem>>) target_semaphore(%run_scoped3A : memref<!tpu.dma_semaphore, #tpu.memory_space<semaphore_mem>>)
      %dma_wait3A_91 = arith.constant 0 : i32
      %dma_wait3A_92 = tpu.memref_slice %arg6[%add3A, %dma_wait3A_91] : memref<32x5440xi32, #tpu.memory_space<hbm>> -> memref<1x5440xi32, #tpu.memory_space<hbm>>
      %dma_wait3A_93 = tpu.memref_squeeze %dma_wait3A_92 : memref<1x5440xi32, #tpu.memory_space<hbm>> -> memref<5440xi32, #tpu.memory_space<hbm>>
      %dma_wait3A_94 = arith.constant 0 : i32
      %dma_wait3A_95 = tpu.memref_slice %arg6[%add3A, %dma_wait3A_94] : memref<32x5440xi32, #tpu.memory_space<hbm>> -> memref<1x5440xi32, #tpu.memory_space<hbm>>
      %dma_wait3A_96 = tpu.memref_squeeze %dma_wait3A_95 : memref<1x5440xi32, #tpu.memory_space<hbm>> -> memref<5440xi32, #tpu.memory_space<hbm>>
      tpu.wait_dma2 semaphore(%run_scoped3A : memref<!tpu.dma_semaphore, #tpu.memory_space<semaphore_mem>>) src(%dma_wait3A_96 : memref<5440xi32, #tpu.memory_space<hbm>>) dst(%arg13 : memref<5440xi32, #tpu.memory_space<vmem>>)
      tpu.yield
    }) : () -> ()
    "tpu.region"() ({
      %run_scoped3A = tpu.sem_alloc : memref<!tpu.dma_semaphore, #tpu.memory_space<semaphore_mem>>
      %dma_start3A_85 = arith.constant 0 : i32
      %dma_start3A_86 = tpu.memref_slice %arg7[%add3A, %dma_start3A_85] : memref<32x5440xi32, #tpu.memory_space<hbm>> -> memref<1x5440xi32, #tpu.memory_space<hbm>>
      %dma_start3A_87 = tpu.memref_squeeze %dma_start3A_86 : memref<1x5440xi32, #tpu.memory_space<hbm>> -> memref<5440xi32, #tpu.memory_space<hbm>>
      %dma_start3A_88 = arith.constant 0 : i32
      %dma_start3A_89 = tpu.memref_slice %arg7[%add3A, %dma_start3A_88] : memref<32x5440xi32, #tpu.memory_space<hbm>> -> memref<1x5440xi32, #tpu.memory_space<hbm>>
      %dma_start3A_90 = tpu.memref_squeeze %dma_start3A_89 : memref<1x5440xi32, #tpu.memory_space<hbm>> -> memref<5440xi32, #tpu.memory_space<hbm>>
      tpu.enqueue_dma source(%dma_start3A_90 : memref<5440xi32, #tpu.memory_space<hbm>>) target(%arg14 : memref<5440xi32, #tpu.memory_space<vmem>>) target_semaphore(%run_scoped3A : memref<!tpu.dma_semaphore, #tpu.memory_space<semaphore_mem>>)
      %dma_wait3A_91 = arith.constant 0 : i32
      %dma_wait3A_92 = tpu.memref_slice %arg7[%add3A, %dma_wait3A_91] : memref<32x5440xi32, #tpu.memory_space<hbm>> -> memref<1x5440xi32, #tpu.memory_space<hbm>>
      %dma_wait3A_93 = tpu.memref_squeeze %dma_wait3A_92 : memref<1x5440xi32, #tpu.memory_space<hbm>> -> memref<5440xi32, #tpu.memory_space<hbm>>
      %dma_wait3A_94 = arith.constant 0 : i32
      %dma_wait3A_95 = tpu.memref_slice %arg7[%add3A, %dma_wait3A_94] : memref<32x5440xi32, #tpu.memory_space<hbm>> -> memref<1x5440xi32, #tpu.memory_space<hbm>>
      %dma_wait3A_96 = tpu.memref_squeeze %dma_wait3A_95 : memref<1x5440xi32, #tpu.memory_space<hbm>> -> memref<5440xi32, #tpu.memory_space<hbm>>
      tpu.wait_dma2 semaphore(%run_scoped3A : memref<!tpu.dma_semaphore, #tpu.memory_space<semaphore_mem>>) src(%dma_wait3A_96 : memref<5440xi32, #tpu.memory_space<hbm>>) dst(%arg14 : memref<5440xi32, #tpu.memory_space<vmem>>)
      tpu.yield
    }) : () -> ()
    "tpu.region"() ({
      %run_scoped3A = tpu.sem_alloc : memref<!tpu.dma_semaphore, #tpu.memory_space<semaphore_mem>>
      tpu.enqueue_dma source(%arg8 : memref<256xf32, #tpu.memory_space<hbm>>) target(%arg16 : memref<256xf32, #tpu.memory_space<vmem>>) target_semaphore(%run_scoped3A : memref<!tpu.dma_semaphore, #tpu.memory_space<semaphore_mem>>)
      tpu.wait_dma2 semaphore(%run_scoped3A : memref<!tpu.dma_semaphore, #tpu.memory_space<semaphore_mem>>) src(%arg8 : memref<256xf32, #tpu.memory_space<hbm>>) dst(%arg16 : memref<256xf32, #tpu.memory_space<vmem>>)
      tpu.yield
    }) : () -> ()
    %mul3A_3 = arith.constant 128 : i32
    %mul3A_4 = arith.muli %arg1, %mul3A_3 : i32
    %mul3A_5 = arith.constant 128 : i32
    %mul3A_6 = arith.muli %arg1, %mul3A_5 : i32
    "tpu.region"() ({
      %run_scoped3A = tpu.sem_alloc : memref<!tpu.dma_semaphore, #tpu.memory_space<semaphore_mem>>
      %dma_start3A_85 = arith.constant 0 : i32
      %dma_start3A_86 = tpu.memref_slice %arg29[%mul3A_6, %dma_start3A_85] : memref<2048x128xi32, #tpu.memory_space<vmem_shared>> -> memref<128x128xi32, #tpu.memory_space<vmem_shared>>
      %dma_start3A_87 = arith.constant 0 : i32
      %dma_start3A_88 = tpu.memref_slice %arg2[%mul3A_4, %dma_start3A_87] : memref<10240x128xi32, #tpu.memory_space<hbm>> -> memref<128x128xi32, #tpu.memory_space<hbm>>
      tpu.enqueue_dma source(%dma_start3A_88 : memref<128x128xi32, #tpu.memory_space<hbm>>) target(%dma_start3A_86 : memref<128x128xi32, #tpu.memory_space<vmem_shared>>) target_semaphore(%run_scoped3A : memref<!tpu.dma_semaphore, #tpu.memory_space<semaphore_mem>>)
      %dma_wait3A_89 = arith.constant 0 : i32
      %dma_wait3A_90 = tpu.memref_slice %arg29[%mul3A_6, %dma_wait3A_89] : memref<2048x128xi32, #tpu.memory_space<vmem_shared>> -> memref<128x128xi32, #tpu.memory_space<vmem_shared>>
      %dma_wait3A_91 = arith.constant 0 : i32
      %dma_wait3A_92 = tpu.memref_slice %arg2[%mul3A_4, %dma_wait3A_91] : memref<10240x128xi32, #tpu.memory_space<hbm>> -> memref<128x128xi32, #tpu.memory_space<hbm>>
      tpu.wait_dma2 semaphore(%run_scoped3A : memref<!tpu.dma_semaphore, #tpu.memory_space<semaphore_mem>>) src(%dma_wait3A_92 : memref<128x128xi32, #tpu.memory_space<hbm>>) dst(%dma_wait3A_90 : memref<128x128xi32, #tpu.memory_space<vmem_shared>>)
      tpu.yield
    }) : () -> ()
    %barrier3A = arith.constant 0 : index
    tpu.barrier barrier_id(%barrier3A)
    %dma_start3A = arith.constant 0 : i32
    %dma_start3A_7 = arith.constant 0 : i32
    %dma_start3A_8 = tpu.memref_slice %arg12[%dma_start3A, %dma_start3A_7] : memref<80x64xi32, #tpu.memory_space<vmem>> -> memref<1x64xi32, #tpu.memory_space<vmem>>
    %dma_start3A_9 = tpu.memref_squeeze %dma_start3A_8 : memref<1x64xi32, #tpu.memory_space<vmem>> -> memref<64xi32, #tpu.memory_space<vmem>>
    %dma_start3A_10 = arith.constant 0 : i32
    %dma_start3A_11 = arith.constant 0 : i32
    %dma_start3A_12 = tpu.memref_slice %arg29[%dma_start3A_10, %dma_start3A_11] : memref<2048x128xi32, #tpu.memory_space<vmem_shared>> -> memref<2048x128xi32, #tpu.memory_space<vmem_shared>>
    tpu.enqueue_indirect_dma source(%dma_start3A_12 : memref<2048x128xi32, #tpu.memory_space<vmem_shared>>) target(%arg17 : memref<64x128xi32, #tpu.memory_space<vmem>>) offsets(%dma_start3A_9 : memref<64xi32, #tpu.memory_space<vmem>>) semaphore(%arg23 : memref<!tpu.dma_semaphore, #tpu.memory_space<semaphore_mem>>)
    %add3A_13 = arith.constant 0 : i32
    %add3A_14 = arith.addi %mul3A_2, %add3A_13 : i32
    %dma_start3A_15 = arith.constant 0 : i32
    %dma_start3A_16 = tpu.memref_slice %arg2[%add3A_14, %dma_start3A_15] : memref<10240x128xi32, #tpu.memory_space<hbm>> -> memref<4x128xi32, #tpu.memory_space<hbm>>
    %dma_start3A_17 = arith.constant 0 : i32
    %dma_start3A_18 = tpu.memref_slice %arg2[%add3A_14, %dma_start3A_17] : memref<10240x128xi32, #tpu.memory_space<hbm>> -> memref<4x128xi32, #tpu.memory_space<hbm>>
    tpu.enqueue_dma source(%dma_start3A_18 : memref<4x128xi32, #tpu.memory_space<hbm>>) target(%arg19 : memref<4x128xi32, #tpu.memory_space<vmem>>) target_semaphore(%arg25 : memref<!tpu.dma_semaphore, #tpu.memory_space<semaphore_mem>>)
    %dma_start3A_19 = arith.constant 1 : i32
    %dma_start3A_20 = arith.constant 0 : i32
    %dma_start3A_21 = tpu.memref_slice %arg12[%dma_start3A_19, %dma_start3A_20] : memref<80x64xi32, #tpu.memory_space<vmem>> -> memref<1x64xi32, #tpu.memory_space<vmem>>
    %dma_start3A_22 = tpu.memref_squeeze %dma_start3A_21 : memref<1x64xi32, #tpu.memory_space<vmem>> -> memref<64xi32, #tpu.memory_space<vmem>>
    %dma_start3A_23 = arith.constant 0 : i32
    %dma_start3A_24 = arith.constant 0 : i32
    %dma_start3A_25 = tpu.memref_slice %arg29[%dma_start3A_23, %dma_start3A_24] : memref<2048x128xi32, #tpu.memory_space<vmem_shared>> -> memref<2048x128xi32, #tpu.memory_space<vmem_shared>>
    tpu.enqueue_indirect_dma source(%dma_start3A_25 : memref<2048x128xi32, #tpu.memory_space<vmem_shared>>) target(%arg18 : memref<64x128xi32, #tpu.memory_space<vmem>>) offsets(%dma_start3A_22 : memref<64xi32, #tpu.memory_space<vmem>>) semaphore(%arg24 : memref<!tpu.dma_semaphore, #tpu.memory_space<semaphore_mem>>)
    %add3A_26 = arith.constant 4 : i32
    %add3A_27 = arith.addi %mul3A_2, %add3A_26 : i32
    %dma_start3A_28 = arith.constant 0 : i32
    %dma_start3A_29 = tpu.memref_slice %arg2[%add3A_27, %dma_start3A_28] : memref<10240x128xi32, #tpu.memory_space<hbm>> -> memref<4x128xi32, #tpu.memory_space<hbm>>
    %dma_start3A_30 = arith.constant 0 : i32
    %dma_start3A_31 = tpu.memref_slice %arg2[%add3A_27, %dma_start3A_30] : memref<10240x128xi32, #tpu.memory_space<hbm>> -> memref<4x128xi32, #tpu.memory_space<hbm>>
    tpu.enqueue_dma source(%dma_start3A_31 : memref<4x128xi32, #tpu.memory_space<hbm>>) target(%arg20 : memref<4x128xi32, #tpu.memory_space<vmem>>) target_semaphore(%arg26 : memref<!tpu.dma_semaphore, #tpu.memory_space<semaphore_mem>>)
    %scan3A = arith.constant 0 : i32
    %scan3A_32 = arith.constant 0 : i32
    %scan3A_33 = arith.constant 20 : i32
    %scan3A_34 = arith.addi %scan3A_32, %scan3A_33 : i32
    %scan3A_35 = arith.constant 1 : i32
    scf.for %scan3A_85 = %scan3A_32 to %scan3A_34 step %scan3A_35  : i32 {
      %mul3A_86 = arith.constant 272 : i32
      %mul3A_87 = arith.muli %scan3A_85, %mul3A_86 : i32
      %broadcast_in_dim3A = arith.constant -3.400000e+38 : f32
      %broadcast_in_dim3A_88 = vector.broadcast %broadcast_in_dim3A : f32 to vector<16xf32>
      %add3A_89 = arith.constant 0 : i32
      %add3A_90 = arith.addi %mul3A_87, %add3A_89 : i32
      %get3A_91 = arith.index_cast %add3A_90 : i32 to index
      %get3A_92 = tpu.vector_load %arg13[%get3A_91] {strides = array<i32>} : memref<5440xi32, #tpu.memory_space<vmem>>, vector<16xi32>,
      %add3A_93 = arith.constant 0 : i32
      %add3A_94 = arith.addi %mul3A_87, %add3A_93 : i32
      %get3A_95 = arith.index_cast %add3A_94 : i32 to index
      %get3A_96 = tpu.vector_load %arg14[%get3A_95] {strides = array<i32>} : memref<5440xi32, #tpu.memory_space<vmem>>, vector<16xi32>,
      %gather3A = tpu.vector_load_idx %arg10[%get3A_96] : memref<10240xf32, #tpu.memory_space<vmem>>[vector<16xi32>], vector<16xf32>,
      %gather3A_97 = tpu.vector_load_idx %arg11[%get3A_92] : memref<10240xf32, #tpu.memory_space<vmem>>[vector<16xi32>], vector<16xf32>,
      %add3A_98 = arith.addf %gather3A, %gather3A_97 : vector<16xf32>
      %mul3A_99 = arith.constant 2.000000e-01 : f32
      %mul3A_100 = vector.broadcast %mul3A_99 : f32 to vector<16xf32>
      %mul3A_101 = arith.mulf %mul3A_100, %add3A_98 : vector<16xf32>
      %max3A = arith.maximumf %add3A_98, %mul3A_101 : vector<16xf32>
      %max3A_102 = arith.maximumf %broadcast_in_dim3A_88, %max3A : vector<16xf32>
      %add3A_103 = arith.constant 16 : i32
      %add3A_104 = arith.addi %mul3A_87, %add3A_103 : i32
      %get3A_105 = arith.index_cast %add3A_104 : i32 to index
      %get3A_106 = tpu.vector_load %arg13[%get3A_105] {strides = array<i32>} : memref<5440xi32, #tpu.memory_space<vmem>>, vector<16xi32>,
      %add3A_107 = arith.constant 16 : i32
      %add3A_108 = arith.addi %mul3A_87, %add3A_107 : i32
      %get3A_109 = arith.index_cast %add3A_108 : i32 to index
      %get3A_110 = tpu.vector_load %arg14[%get3A_109] {strides = array<i32>} : memref<5440xi32, #tpu.memory_space<vmem>>, vector<16xi32>,
      %gather3A_111 = tpu.vector_load_idx %arg10[%get3A_110] : memref<10240xf32, #tpu.memory_space<vmem>>[vector<16xi32>], vector<16xf32>,
      %gather3A_112 = tpu.vector_load_idx %arg11[%get3A_106] : memref<10240xf32, #tpu.memory_space<vmem>>[vector<16xi32>], vector<16xf32>,
      %add3A_113 = arith.addf %gather3A_111, %gather3A_112 : vector<16xf32>
      %mul3A_114 = arith.constant 2.000000e-01 : f32
      %mul3A_115 = vector.broadcast %mul3A_114 : f32 to vector<16xf32>
      %mul3A_116 = arith.mulf %mul3A_115, %add3A_113 : vector<16xf32>
      %max3A_117 = arith.maximumf %add3A_113, %mul3A_116 : vector<16xf32>
      %max3A_118 = arith.maximumf %max3A_102, %max3A_117 : vector<16xf32>
      %add3A_119 = arith.constant 32 : i32
      %add3A_120 = arith.addi %mul3A_87, %add3A_119 : i32
      %get3A_121 = arith.index_cast %add3A_120 : i32 to index
      %get3A_122 = tpu.vector_load %arg13[%get3A_121] {strides = array<i32>} : memref<5440xi32, #tpu.memory_space<vmem>>, vector<16xi32>,
      %add3A_123 = arith.constant 32 : i32
      %add3A_124 = arith.addi %mul3A_87, %add3A_123 : i32
      %get3A_125 = arith.index_cast %add3A_124 : i32 to index
      %get3A_126 = tpu.vector_load %arg14[%get3A_125] {strides = array<i32>} : memref<5440xi32, #tpu.memory_space<vmem>>, vector<16xi32>,
      %gather3A_127 = tpu.vector_load_idx %arg10[%get3A_126] : memref<10240xf32, #tpu.memory_space<vmem>>[vector<16xi32>], vector<16xf32>,
      %gather3A_128 = tpu.vector_load_idx %arg11[%get3A_122] : memref<10240xf32, #tpu.memory_space<vmem>>[vector<16xi32>], vector<16xf32>,
      %add3A_129 = arith.addf %gather3A_127, %gather3A_128 : vector<16xf32>
      %mul3A_130 = arith.constant 2.000000e-01 : f32
      %mul3A_131 = vector.broadcast %mul3A_130 : f32 to vector<16xf32>
      %mul3A_132 = arith.mulf %mul3A_131, %add3A_129 : vector<16xf32>
      %max3A_133 = arith.maximumf %add3A_129, %mul3A_132 : vector<16xf32>
      %max3A_134 = arith.maximumf %max3A_118, %max3A_133 : vector<16xf32>
      %add3A_135 = arith.constant 48 : i32
      %add3A_136 = arith.addi %mul3A_87, %add3A_135 : i32
      %get3A_137 = arith.index_cast %add3A_136 : i32 to index
      %get3A_138 = tpu.vector_load %arg13[%get3A_137] {strides = array<i32>} : memref<5440xi32, #tpu.memory_space<vmem>>, vector<16xi32>,
      %add3A_139 = arith.constant 48 : i32
      %add3A_140 = arith.addi %mul3A_87, %add3A_139 : i32
      %get3A_141 = arith.index_cast %add3A_140 : i32 to index
      %get3A_142 = tpu.vector_load %arg14[%get3A_141] {strides = array<i32>} : memref<5440xi32, #tpu.memory_space<vmem>>, vector<16xi32>,
      %gather3A_143 = tpu.vector_load_idx %arg10[%get3A_142] : memref<10240xf32, #tpu.memory_space<vmem>>[vector<16xi32>], vector<16xf32>,
      %gather3A_144 = tpu.vector_load_idx %arg11[%get3A_138] : memref<10240xf32, #tpu.memory_space<vmem>>[vector<16xi32>], vector<16xf32>,
      %add3A_145 = arith.addf %gather3A_143, %gather3A_144 : vector<16xf32>
      %mul3A_146 = arith.constant 2.000000e-01 : f32
      %mul3A_147 = vector.broadcast %mul3A_146 : f32 to vector<16xf32>
      %mul3A_148 = arith.mulf %mul3A_147, %add3A_145 : vector<16xf32>
      %max3A_149 = arith.maximumf %add3A_145, %mul3A_148 : vector<16xf32>
      %max3A_150 = arith.maximumf %max3A_134, %max3A_149 : vector<16xf32>
      %add3A_151 = arith.constant 64 : i32
      %add3A_152 = arith.addi %mul3A_87, %add3A_151 : i32
      %get3A_153 = arith.index_cast %add3A_152 : i32 to index
      %get3A_154 = tpu.vector_load %arg13[%get3A_153] {strides = array<i32>} : memref<5440xi32, #tpu.memory_space<vmem>>, vector<16xi32>,
      %add3A_155 = arith.constant 64 : i32
      %add3A_156 = arith.addi %mul3A_87, %add3A_155 : i32
      %get3A_157 = arith.index_cast %add3A_156 : i32 to index
      %get3A_158 = tpu.vector_load %arg14[%get3A_157] {strides = array<i32>} : memref<5440xi32, #tpu.memory_space<vmem>>, vector<16xi32>,
      %gather3A_159 = tpu.vector_load_idx %arg10[%get3A_158] : memref<10240xf32, #tpu.memory_space<vmem>>[vector<16xi32>], vector<16xf32>,
      %gather3A_160 = tpu.vector_load_idx %arg11[%get3A_154] : memref<10240xf32, #tpu.memory_space<vmem>>[vector<16xi32>], vector<16xf32>,
      %add3A_161 = arith.addf %gather3A_159, %gather3A_160 : vector<16xf32>
      %mul3A_162 = arith.constant 2.000000e-01 : f32
      %mul3A_163 = vector.broadcast %mul3A_162 : f32 to vector<16xf32>
      %mul3A_164 = arith.mulf %mul3A_163, %add3A_161 : vector<16xf32>
      %max3A_165 = arith.maximumf %add3A_161, %mul3A_164 : vector<16xf32>
      %max3A_166 = arith.maximumf %max3A_150, %max3A_165 : vector<16xf32>
      %add3A_167 = arith.constant 80 : i32
      %add3A_168 = arith.addi %mul3A_87, %add3A_167 : i32
      %get3A_169 = arith.index_cast %add3A_168 : i32 to index
      %get3A_170 = tpu.vector_load %arg13[%get3A_169] {strides = array<i32>} : memref<5440xi32, #tpu.memory_space<vmem>>, vector<16xi32>,
      %add3A_171 = arith.constant 80 : i32
      %add3A_172 = arith.addi %mul3A_87, %add3A_171 : i32
      %get3A_173 = arith.index_cast %add3A_172 : i32 to index
      %get3A_174 = tpu.vector_load %arg14[%get3A_173] {strides = array<i32>} : memref<5440xi32, #tpu.memory_space<vmem>>, vector<16xi32>,
      %gather3A_175 = tpu.vector_load_idx %arg10[%get3A_174] : memref<10240xf32, #tpu.memory_space<vmem>>[vector<16xi32>], vector<16xf32>,
      %gather3A_176 = tpu.vector_load_idx %arg11[%get3A_170] : memref<10240xf32, #tpu.memory_space<vmem>>[vector<16xi32>], vector<16xf32>,
      %add3A_177 = arith.addf %gather3A_175, %gather3A_176 : vector<16xf32>
      %mul3A_178 = arith.constant 2.000000e-01 : f32
      %mul3A_179 = vector.broadcast %mul3A_178 : f32 to vector<16xf32>
      %mul3A_180 = arith.mulf %mul3A_179, %add3A_177 : vector<16xf32>
      %max3A_181 = arith.maximumf %add3A_177, %mul3A_180 : vector<16xf32>
      %max3A_182 = arith.maximumf %max3A_166, %max3A_181 : vector<16xf32>
      %add3A_183 = arith.constant 96 : i32
      %add3A_184 = arith.addi %mul3A_87, %add3A_183 : i32
      %get3A_185 = arith.index_cast %add3A_184 : i32 to index
      %get3A_186 = tpu.vector_load %arg13[%get3A_185] {strides = array<i32>} : memref<5440xi32, #tpu.memory_space<vmem>>, vector<16xi32>,
      %add3A_187 = arith.constant 96 : i32
      %add3A_188 = arith.addi %mul3A_87, %add3A_187 : i32
      %get3A_189 = arith.index_cast %add3A_188 : i32 to index
      %get3A_190 = tpu.vector_load %arg14[%get3A_189] {strides = array<i32>} : memref<5440xi32, #tpu.memory_space<vmem>>, vector<16xi32>,
      %gather3A_191 = tpu.vector_load_idx %arg10[%get3A_190] : memref<10240xf32, #tpu.memory_space<vmem>>[vector<16xi32>], vector<16xf32>,
      %gather3A_192 = tpu.vector_load_idx %arg11[%get3A_186] : memref<10240xf32, #tpu.memory_space<vmem>>[vector<16xi32>], vector<16xf32>,
      %add3A_193 = arith.addf %gather3A_191, %gather3A_192 : vector<16xf32>
      %mul3A_194 = arith.constant 2.000000e-01 : f32
      %mul3A_195 = vector.broadcast %mul3A_194 : f32 to vector<16xf32>
      %mul3A_196 = arith.mulf %mul3A_195, %add3A_193 : vector<16xf32>
      %max3A_197 = arith.maximumf %add3A_193, %mul3A_196 : vector<16xf32>
      %max3A_198 = arith.maximumf %max3A_182, %max3A_197 : vector<16xf32>
      %add3A_199 = arith.constant 112 : i32
      %add3A_200 = arith.addi %mul3A_87, %add3A_199 : i32
      %get3A_201 = arith.index_cast %add3A_200 : i32 to index
      %get3A_202 = tpu.vector_load %arg13[%get3A_201] {strides = array<i32>} : memref<5440xi32, #tpu.memory_space<vmem>>, vector<16xi32>,
      %add3A_203 = arith.constant 112 : i32
      %add3A_204 = arith.addi %mul3A_87, %add3A_203 : i32
      %get3A_205 = arith.index_cast %add3A_204 : i32 to index
      %get3A_206 = tpu.vector_load %arg14[%get3A_205] {strides = array<i32>} : memref<5440xi32, #tpu.memory_space<vmem>>, vector<16xi32>,
      %gather3A_207 = tpu.vector_load_idx %arg10[%get3A_206] : memref<10240xf32, #tpu.memory_space<vmem>>[vector<16xi32>], vector<16xf32>,
      %gather3A_208 = tpu.vector_load_idx %arg11[%get3A_202] : memref<10240xf32, #tpu.memory_space<vmem>>[vector<16xi32>], vector<16xf32>,
      %add3A_209 = arith.addf %gather3A_207, %gather3A_208 : vector<16xf32>
      %mul3A_210 = arith.constant 2.000000e-01 : f32
      %mul3A_211 = vector.broadcast %mul3A_210 : f32 to vector<16xf32>
      %mul3A_212 = arith.mulf %mul3A_211, %add3A_209 : vector<16xf32>
      %max3A_213 = arith.maximumf %add3A_209, %mul3A_212 : vector<16xf32>
      %max3A_214 = arith.maximumf %max3A_198, %max3A_213 : vector<16xf32>
      %add3A_215 = arith.constant 128 : i32
      %add3A_216 = arith.addi %mul3A_87, %add3A_215 : i32
      %get3A_217 = arith.index_cast %add3A_216 : i32 to index
      %get3A_218 = tpu.vector_load %arg13[%get3A_217] {strides = array<i32>} : memref<5440xi32, #tpu.memory_space<vmem>>, vector<16xi32>,
      %add3A_219 = arith.constant 128 : i32
      %add3A_220 = arith.addi %mul3A_87, %add3A_219 : i32
      %get3A_221 = arith.index_cast %add3A_220 : i32 to index
      %get3A_222 = tpu.vector_load %arg14[%get3A_221] {strides = array<i32>} : memref<5440xi32, #tpu.memory_space<vmem>>, vector<16xi32>,
      %gather3A_223 = tpu.vector_load_idx %arg10[%get3A_222] : memref<10240xf32, #tpu.memory_space<vmem>>[vector<16xi32>], vector<16xf32>,
      %gather3A_224 = tpu.vector_load_idx %arg11[%get3A_218] : memref<10240xf32, #tpu.memory_space<vmem>>[vector<16xi32>], vector<16xf32>,
      %add3A_225 = arith.addf %gather3A_223, %gather3A_224 : vector<16xf32>
      %mul3A_226 = arith.constant 2.000000e-01 : f32
      %mul3A_227 = vector.broadcast %mul3A_226 : f32 to vector<16xf32>
      %mul3A_228 = arith.mulf %mul3A_227, %add3A_225 : vector<16xf32>
      %max3A_229 = arith.maximumf %add3A_225, %mul3A_228 : vector<16xf32>
      %max3A_230 = arith.maximumf %max3A_214, %max3A_229 : vector<16xf32>
      %add3A_231 = arith.constant 144 : i32
      %add3A_232 = arith.addi %mul3A_87, %add3A_231 : i32
      %get3A_233 = arith.index_cast %add3A_232 : i32 to index
      %get3A_234 = tpu.vector_load %arg13[%get3A_233] {strides = array<i32>} : memref<5440xi32, #tpu.memory_space<vmem>>, vector<16xi32>,
      %add3A_235 = arith.constant 144 : i32
      %add3A_236 = arith.addi %mul3A_87, %add3A_235 : i32
      %get3A_237 = arith.index_cast %add3A_236 : i32 to index
      %get3A_238 = tpu.vector_load %arg14[%get3A_237] {strides = array<i32>} : memref<5440xi32, #tpu.memory_space<vmem>>, vector<16xi32>,
      %gather3A_239 = tpu.vector_load_idx %arg10[%get3A_238] : memref<10240xf32, #tpu.memory_space<vmem>>[vector<16xi32>], vector<16xf32>,
      %gather3A_240 = tpu.vector_load_idx %arg11[%get3A_234] : memref<10240xf32, #tpu.memory_space<vmem>>[vector<16xi32>], vector<16xf32>,
      %add3A_241 = arith.addf %gather3A_239, %gather3A_240 : vector<16xf32>
      %mul3A_242 = arith.constant 2.000000e-01 : f32
      %mul3A_243 = vector.broadcast %mul3A_242 : f32 to vector<16xf32>
      %mul3A_244 = arith.mulf %mul3A_243, %add3A_241 : vector<16xf32>
      %max3A_245 = arith.maximumf %add3A_241, %mul3A_244 : vector<16xf32>
      %max3A_246 = arith.maximumf %max3A_230, %max3A_245 : vector<16xf32>
      %add3A_247 = arith.constant 160 : i32
      %add3A_248 = arith.addi %mul3A_87, %add3A_247 : i32
      %get3A_249 = arith.index_cast %add3A_248 : i32 to index
      %get3A_250 = tpu.vector_load %arg13[%get3A_249] {strides = array<i32>} : memref<5440xi32, #tpu.memory_space<vmem>>, vector<16xi32>,
      %add3A_251 = arith.constant 160 : i32
      %add3A_252 = arith.addi %mul3A_87, %add3A_251 : i32
      %get3A_253 = arith.index_cast %add3A_252 : i32 to index
      %get3A_254 = tpu.vector_load %arg14[%get3A_253] {strides = array<i32>} : memref<5440xi32, #tpu.memory_space<vmem>>, vector<16xi32>,
      %gather3A_255 = tpu.vector_load_idx %arg10[%get3A_254] : memref<10240xf32, #tpu.memory_space<vmem>>[vector<16xi32>], vector<16xf32>,
      %gather3A_256 = tpu.vector_load_idx %arg11[%get3A_250] : memref<10240xf32, #tpu.memory_space<vmem>>[vector<16xi32>], vector<16xf32>,
      %add3A_257 = arith.addf %gather3A_255, %gather3A_256 : vector<16xf32>
      %mul3A_258 = arith.constant 2.000000e-01 : f32
      %mul3A_259 = vector.broadcast %mul3A_258 : f32 to vector<16xf32>
      %mul3A_260 = arith.mulf %mul3A_259, %add3A_257 : vector<16xf32>
      %max3A_261 = arith.maximumf %add3A_257, %mul3A_260 : vector<16xf32>
      %max3A_262 = arith.maximumf %max3A_246, %max3A_261 : vector<16xf32>
      %add3A_263 = arith.constant 176 : i32
      %add3A_264 = arith.addi %mul3A_87, %add3A_263 : i32
      %get3A_265 = arith.index_cast %add3A_264 : i32 to index
      %get3A_266 = tpu.vector_load %arg13[%get3A_265] {strides = array<i32>} : memref<5440xi32, #tpu.memory_space<vmem>>, vector<16xi32>,
      %add3A_267 = arith.constant 176 : i32
      %add3A_268 = arith.addi %mul3A_87, %add3A_267 : i32
      %get3A_269 = arith.index_cast %add3A_268 : i32 to index
      %get3A_270 = tpu.vector_load %arg14[%get3A_269] {strides = array<i32>} : memref<5440xi32, #tpu.memory_space<vmem>>, vector<16xi32>,
      %gather3A_271 = tpu.vector_load_idx %arg10[%get3A_270] : memref<10240xf32, #tpu.memory_space<vmem>>[vector<16xi32>], vector<16xf32>,
      %gather3A_272 = tpu.vector_load_idx %arg11[%get3A_266] : memref<10240xf32, #tpu.memory_space<vmem>>[vector<16xi32>], vector<16xf32>,
      %add3A_273 = arith.addf %gather3A_271, %gather3A_272 : vector<16xf32>
      %mul3A_274 = arith.constant 2.000000e-01 : f32
      %mul3A_275 = vector.broadcast %mul3A_274 : f32 to vector<16xf32>
      %mul3A_276 = arith.mulf %mul3A_275, %add3A_273 : vector<16xf32>
      %max3A_277 = arith.maximumf %add3A_273, %mul3A_276 : vector<16xf32>
      %max3A_278 = arith.maximumf %max3A_262, %max3A_277 : vector<16xf32>
      %add3A_279 = arith.constant 192 : i32
      %add3A_280 = arith.addi %mul3A_87, %add3A_279 : i32
      %get3A_281 = arith.index_cast %add3A_280 : i32 to index
      %get3A_282 = tpu.vector_load %arg13[%get3A_281] {strides = array<i32>} : memref<5440xi32, #tpu.memory_space<vmem>>, vector<16xi32>,
      %add3A_283 = arith.constant 192 : i32
      %add3A_284 = arith.addi %mul3A_87, %add3A_283 : i32
      %get3A_285 = arith.index_cast %add3A_284 : i32 to index
      %get3A_286 = tpu.vector_load %arg14[%get3A_285] {strides = array<i32>} : memref<5440xi32, #tpu.memory_space<vmem>>, vector<16xi32>,
      %gather3A_287 = tpu.vector_load_idx %arg10[%get3A_286] : memref<10240xf32, #tpu.memory_space<vmem>>[vector<16xi32>], vector<16xf32>,
      %gather3A_288 = tpu.vector_load_idx %arg11[%get3A_282] : memref<10240xf32, #tpu.memory_space<vmem>>[vector<16xi32>], vector<16xf32>,
      %add3A_289 = arith.addf %gather3A_287, %gather3A_288 : vector<16xf32>
      %mul3A_290 = arith.constant 2.000000e-01 : f32
      %mul3A_291 = vector.broadcast %mul3A_290 : f32 to vector<16xf32>
      %mul3A_292 = arith.mulf %mul3A_291, %add3A_289 : vector<16xf32>
      %max3A_293 = arith.maximumf %add3A_289, %mul3A_292 : vector<16xf32>
      %max3A_294 = arith.maximumf %max3A_278, %max3A_293 : vector<16xf32>
      %add3A_295 = arith.constant 208 : i32
      %add3A_296 = arith.addi %mul3A_87, %add3A_295 : i32
      %get3A_297 = arith.index_cast %add3A_296 : i32 to index
      %get3A_298 = tpu.vector_load %arg13[%get3A_297] {strides = array<i32>} : memref<5440xi32, #tpu.memory_space<vmem>>, vector<16xi32>,
      %add3A_299 = arith.constant 208 : i32
      %add3A_300 = arith.addi %mul3A_87, %add3A_299 : i32
      %get3A_301 = arith.index_cast %add3A_300 : i32 to index
      %get3A_302 = tpu.vector_load %arg14[%get3A_301] {strides = array<i32>} : memref<5440xi32, #tpu.memory_space<vmem>>, vector<16xi32>,
      %gather3A_303 = tpu.vector_load_idx %arg10[%get3A_302] : memref<10240xf32, #tpu.memory_space<vmem>>[vector<16xi32>], vector<16xf32>,
      %gather3A_304 = tpu.vector_load_idx %arg11[%get3A_298] : memref<10240xf32, #tpu.memory_space<vmem>>[vector<16xi32>], vector<16xf32>,
      %add3A_305 = arith.addf %gather3A_303, %gather3A_304 : vector<16xf32>
      %mul3A_306 = arith.constant 2.000000e-01 : f32
      %mul3A_307 = vector.broadcast %mul3A_306 : f32 to vector<16xf32>
      %mul3A_308 = arith.mulf %mul3A_307, %add3A_305 : vector<16xf32>
      %max3A_309 = arith.maximumf %add3A_305, %mul3A_308 : vector<16xf32>
      %max3A_310 = arith.maximumf %max3A_294, %max3A_309 : vector<16xf32>
      %add3A_311 = arith.constant 224 : i32
      %add3A_312 = arith.addi %mul3A_87, %add3A_311 : i32
      %get3A_313 = arith.index_cast %add3A_312 : i32 to index
      %get3A_314 = tpu.vector_load %arg13[%get3A_313] {strides = array<i32>} : memref<5440xi32, #tpu.memory_space<vmem>>, vector<16xi32>,
      %add3A_315 = arith.constant 224 : i32
      %add3A_316 = arith.addi %mul3A_87, %add3A_315 : i32
      %get3A_317 = arith.index_cast %add3A_316 : i32 to index
      %get3A_318 = tpu.vector_load %arg14[%get3A_317] {strides = array<i32>} : memref<5440xi32, #tpu.memory_space<vmem>>, vector<16xi32>,
      %gather3A_319 = tpu.vector_load_idx %arg10[%get3A_318] : memref<10240xf32, #tpu.memory_space<vmem>>[vector<16xi32>], vector<16xf32>,
      %gather3A_320 = tpu.vector_load_idx %arg11[%get3A_314] : memref<10240xf32, #tpu.memory_space<vmem>>[vector<16xi32>], vector<16xf32>,
      %add3A_321 = arith.addf %gather3A_319, %gather3A_320 : vector<16xf32>
      %mul3A_322 = arith.constant 2.000000e-01 : f32
      %mul3A_323 = vector.broadcast %mul3A_322 : f32 to vector<16xf32>
      %mul3A_324 = arith.mulf %mul3A_323, %add3A_321 : vector<16xf32>
      %max3A_325 = arith.maximumf %add3A_321, %mul3A_324 : vector<16xf32>
      %max3A_326 = arith.maximumf %max3A_310, %max3A_325 : vector<16xf32>
      %add3A_327 = arith.constant 240 : i32
      %add3A_328 = arith.addi %mul3A_87, %add3A_327 : i32
      %get3A_329 = arith.index_cast %add3A_328 : i32 to index
      %get3A_330 = tpu.vector_load %arg13[%get3A_329] {strides = array<i32>} : memref<5440xi32, #tpu.memory_space<vmem>>, vector<16xi32>,
      %add3A_331 = arith.constant 240 : i32
      %add3A_332 = arith.addi %mul3A_87, %add3A_331 : i32
      %get3A_333 = arith.index_cast %add3A_332 : i32 to index
      %get3A_334 = tpu.vector_load %arg14[%get3A_333] {strides = array<i32>} : memref<5440xi32, #tpu.memory_space<vmem>>, vector<16xi32>,
      %gather3A_335 = tpu.vector_load_idx %arg10[%get3A_334] : memref<10240xf32, #tpu.memory_space<vmem>>[vector<16xi32>], vector<16xf32>,
      %gather3A_336 = tpu.vector_load_idx %arg11[%get3A_330] : memref<10240xf32, #tpu.memory_space<vmem>>[vector<16xi32>], vector<16xf32>,
      %add3A_337 = arith.addf %gather3A_335, %gather3A_336 : vector<16xf32>
      %mul3A_338 = arith.constant 2.000000e-01 : f32
      %mul3A_339 = vector.broadcast %mul3A_338 : f32 to vector<16xf32>
      %mul3A_340 = arith.mulf %mul3A_339, %add3A_337 : vector<16xf32>
      %max3A_341 = arith.maximumf %add3A_337, %mul3A_340 : vector<16xf32>
      %max3A_342 = arith.maximumf %max3A_326, %max3A_341 : vector<16xf32>
      %add3A_343 = arith.constant 256 : i32
      %add3A_344 = arith.addi %mul3A_87, %add3A_343 : i32
      %get3A_345 = arith.index_cast %add3A_344 : i32 to index
      %get3A_346 = tpu.vector_load %arg13[%get3A_345] {strides = array<i32>} : memref<5440xi32, #tpu.memory_space<vmem>>, vector<16xi32>,
      %add3A_347 = arith.constant 256 : i32
      %add3A_348 = arith.addi %mul3A_87, %add3A_347 : i32
      %get3A_349 = arith.index_cast %add3A_348 : i32 to index
      %get3A_350 = tpu.vector_load %arg14[%get3A_349] {strides = array<i32>} : memref<5440xi32, #tpu.memory_space<vmem>>, vector<16xi32>,
      %gather3A_351 = tpu.vector_load_idx %arg10[%get3A_350] : memref<10240xf32, #tpu.memory_space<vmem>>[vector<16xi32>], vector<16xf32>,
      %gather3A_352 = tpu.vector_load_idx %arg11[%get3A_346] : memref<10240xf32, #tpu.memory_space<vmem>>[vector<16xi32>], vector<16xf32>,
      %add3A_353 = arith.addf %gather3A_351, %gather3A_352 : vector<16xf32>
      %mul3A_354 = arith.constant 2.000000e-01 : f32
      %mul3A_355 = vector.broadcast %mul3A_354 : f32 to vector<16xf32>
      %mul3A_356 = arith.mulf %mul3A_355, %add3A_353 : vector<16xf32>
      %max3A_357 = arith.maximumf %add3A_353, %mul3A_356 : vector<16xf32>
      %max3A_358 = arith.maximumf %max3A_342, %max3A_357 : vector<16xf32>
      %broadcast_in_dim3A_359 = arith.constant 0.000000e+00 : f32
      %broadcast_in_dim3A_360 = vector.broadcast %broadcast_in_dim3A_359 : f32 to vector<16xf32>
      %sub3A = arith.subf %max3A, %max3A_358 : vector<16xf32>
      %exp3A = math.exp %sub3A : vector<16xf32>
      %add3A_361 = arith.addf %broadcast_in_dim3A_360, %exp3A : vector<16xf32>
      %sub3A_362 = arith.subf %max3A_117, %max3A_358 : vector<16xf32>
      %exp3A_363 = math.exp %sub3A_362 : vector<16xf32>
      %add3A_364 = arith.addf %add3A_361, %exp3A_363 : vector<16xf32>
      %sub3A_365 = arith.subf %max3A_133, %max3A_358 : vector<16xf32>
      %exp3A_366 = math.exp %sub3A_365 : vector<16xf32>
      %add3A_367 = arith.addf %add3A_364, %exp3A_366 : vector<16xf32>
      %sub3A_368 = arith.subf %max3A_149, %max3A_358 : vector<16xf32>
      %exp3A_369 = math.exp %sub3A_368 : vector<16xf32>
      %add3A_370 = arith.addf %add3A_367, %exp3A_369 : vector<16xf32>
      %sub3A_371 = arith.subf %max3A_165, %max3A_358 : vector<16xf32>
      %exp3A_372 = math.exp %sub3A_371 : vector<16xf32>
      %add3A_373 = arith.addf %add3A_370, %exp3A_372 : vector<16xf32>
      %sub3A_374 = arith.subf %max3A_181, %max3A_358 : vector<16xf32>
      %exp3A_375 = math.exp %sub3A_374 : vector<16xf32>
      %add3A_376 = arith.addf %add3A_373, %exp3A_375 : vector<16xf32>
      %sub3A_377 = arith.subf %max3A_197, %max3A_358 : vector<16xf32>
      %exp3A_378 = math.exp %sub3A_377 : vector<16xf32>
      %add3A_379 = arith.addf %add3A_376, %exp3A_378 : vector<16xf32>
      %sub3A_380 = arith.subf %max3A_213, %max3A_358 : vector<16xf32>
      %exp3A_381 = math.exp %sub3A_380 : vector<16xf32>
      %add3A_382 = arith.addf %add3A_379, %exp3A_381 : vector<16xf32>
      %sub3A_383 = arith.subf %max3A_229, %max3A_358 : vector<16xf32>
      %exp3A_384 = math.exp %sub3A_383 : vector<16xf32>
      %add3A_385 = arith.addf %add3A_382, %exp3A_384 : vector<16xf32>
      %sub3A_386 = arith.subf %max3A_245, %max3A_358 : vector<16xf32>
      %exp3A_387 = math.exp %sub3A_386 : vector<16xf32>
      %add3A_388 = arith.addf %add3A_385, %exp3A_387 : vector<16xf32>
      %sub3A_389 = arith.subf %max3A_261, %max3A_358 : vector<16xf32>
      %exp3A_390 = math.exp %sub3A_389 : vector<16xf32>
      %add3A_391 = arith.addf %add3A_388, %exp3A_390 : vector<16xf32>
      %sub3A_392 = arith.subf %max3A_277, %max3A_358 : vector<16xf32>
      %exp3A_393 = math.exp %sub3A_392 : vector<16xf32>
      %add3A_394 = arith.addf %add3A_391, %exp3A_393 : vector<16xf32>
      %sub3A_395 = arith.subf %max3A_293, %max3A_358 : vector<16xf32>
      %exp3A_396 = math.exp %sub3A_395 : vector<16xf32>
      %add3A_397 = arith.addf %add3A_394, %exp3A_396 : vector<16xf32>
      %sub3A_398 = arith.subf %max3A_309, %max3A_358 : vector<16xf32>
      %exp3A_399 = math.exp %sub3A_398 : vector<16xf32>
      %add3A_400 = arith.addf %add3A_397, %exp3A_399 : vector<16xf32>
      %sub3A_401 = arith.subf %max3A_325, %max3A_358 : vector<16xf32>
      %exp3A_402 = math.exp %sub3A_401 : vector<16xf32>
      %add3A_403 = arith.addf %add3A_400, %exp3A_402 : vector<16xf32>
      %sub3A_404 = arith.subf %max3A_341, %max3A_358 : vector<16xf32>
      %exp3A_405 = math.exp %sub3A_404 : vector<16xf32>
      %add3A_406 = arith.addf %add3A_403, %exp3A_405 : vector<16xf32>
      %sub3A_407 = arith.subf %max3A_357, %max3A_358 : vector<16xf32>
      %exp3A_408 = math.exp %sub3A_407 : vector<16xf32>
      %add3A_409 = arith.addf %add3A_406, %exp3A_408 : vector<16xf32>
      %div3A = arith.constant 1.000000e+00 : f32
      %div3A_410 = vector.broadcast %div3A : f32 to vector<16xf32>
      %div3A_411 = arith.divf %div3A_410, %add3A_409 : vector<16xf32>
      %mul3A_412 = arith.mulf %exp3A, %div3A_411 : vector<16xf32>
      %add3A_413 = arith.constant 0 : i32
      %add3A_414 = arith.addi %mul3A_87, %add3A_413 : i32
      %swap3A = arith.index_cast %add3A_414 : i32 to index
      %swap3A_415 = tpu.vector_load %arg15[%swap3A] {strides = array<i32>} : memref<5440xf32, #tpu.memory_space<vmem>>, vector<16xf32>,
      tpu.vector_store %arg15[%swap3A], %mul3A_412 {strides = array<i32>} : memref<5440xf32, #tpu.memory_space<vmem>>, vector<16xf32>,
      %mul3A_416 = arith.mulf %exp3A_363, %div3A_411 : vector<16xf32>
      %add3A_417 = arith.constant 16 : i32
      %add3A_418 = arith.addi %mul3A_87, %add3A_417 : i32
      %swap3A_419 = arith.index_cast %add3A_418 : i32 to index
      %swap3A_420 = tpu.vector_load %arg15[%swap3A_419] {strides = array<i32>} : memref<5440xf32, #tpu.memory_space<vmem>>, vector<16xf32>,
      tpu.vector_store %arg15[%swap3A_419], %mul3A_416 {strides = array<i32>} : memref<5440xf32, #tpu.memory_space<vmem>>, vector<16xf32>,
      %mul3A_421 = arith.mulf %exp3A_366, %div3A_411 : vector<16xf32>
      %add3A_422 = arith.constant 32 : i32
      %add3A_423 = arith.addi %mul3A_87, %add3A_422 : i32
      %swap3A_424 = arith.index_cast %add3A_423 : i32 to index
      %swap3A_425 = tpu.vector_load %arg15[%swap3A_424] {strides = array<i32>} : memref<5440xf32, #tpu.memory_space<vmem>>, vector<16xf32>,
      tpu.vector_store %arg15[%swap3A_424], %mul3A_421 {strides = array<i32>} : memref<5440xf32, #tpu.memory_space<vmem>>, vector<16xf32>,
      %mul3A_426 = arith.mulf %exp3A_369, %div3A_411 : vector<16xf32>
      %add3A_427 = arith.constant 48 : i32
      %add3A_428 = arith.addi %mul3A_87, %add3A_427 : i32
      %swap3A_429 = arith.index_cast %add3A_428 : i32 to index
      %swap3A_430 = tpu.vector_load %arg15[%swap3A_429] {strides = array<i32>} : memref<5440xf32, #tpu.memory_space<vmem>>, vector<16xf32>,
      tpu.vector_store %arg15[%swap3A_429], %mul3A_426 {strides = array<i32>} : memref<5440xf32, #tpu.memory_space<vmem>>, vector<16xf32>,
      %mul3A_431 = arith.mulf %exp3A_372, %div3A_411 : vector<16xf32>
      %add3A_432 = arith.constant 64 : i32
      %add3A_433 = arith.addi %mul3A_87, %add3A_432 : i32
      %swap3A_434 = arith.index_cast %add3A_433 : i32 to index
      %swap3A_435 = tpu.vector_load %arg15[%swap3A_434] {strides = array<i32>} : memref<5440xf32, #tpu.memory_space<vmem>>, vector<16xf32>,
      tpu.vector_store %arg15[%swap3A_434], %mul3A_431 {strides = array<i32>} : memref<5440xf32, #tpu.memory_space<vmem>>, vector<16xf32>,
      %mul3A_436 = arith.mulf %exp3A_375, %div3A_411 : vector<16xf32>
      %add3A_437 = arith.constant 80 : i32
      %add3A_438 = arith.addi %mul3A_87, %add3A_437 : i32
      %swap3A_439 = arith.index_cast %add3A_438 : i32 to index
      %swap3A_440 = tpu.vector_load %arg15[%swap3A_439] {strides = array<i32>} : memref<5440xf32, #tpu.memory_space<vmem>>, vector<16xf32>,
      tpu.vector_store %arg15[%swap3A_439], %mul3A_436 {strides = array<i32>} : memref<5440xf32, #tpu.memory_space<vmem>>, vector<16xf32>,
      %mul3A_441 = arith.mulf %exp3A_378, %div3A_411 : vector<16xf32>
      %add3A_442 = arith.constant 96 : i32
      %add3A_443 = arith.addi %mul3A_87, %add3A_442 : i32
      %swap3A_444 = arith.index_cast %add3A_443 : i32 to index
      %swap3A_445 = tpu.vector_load %arg15[%swap3A_444] {strides = array<i32>} : memref<5440xf32, #tpu.memory_space<vmem>>, vector<16xf32>,
      tpu.vector_store %arg15[%swap3A_444], %mul3A_441 {strides = array<i32>} : memref<5440xf32, #tpu.memory_space<vmem>>, vector<16xf32>,
      %mul3A_446 = arith.mulf %exp3A_381, %div3A_411 : vector<16xf32>
      %add3A_447 = arith.constant 112 : i32
      %add3A_448 = arith.addi %mul3A_87, %add3A_447 : i32
      %swap3A_449 = arith.index_cast %add3A_448 : i32 to index
      %swap3A_450 = tpu.vector_load %arg15[%swap3A_449] {strides = array<i32>} : memref<5440xf32, #tpu.memory_space<vmem>>, vector<16xf32>,
      tpu.vector_store %arg15[%swap3A_449], %mul3A_446 {strides = array<i32>} : memref<5440xf32, #tpu.memory_space<vmem>>, vector<16xf32>,
      %mul3A_451 = arith.mulf %exp3A_384, %div3A_411 : vector<16xf32>
      %add3A_452 = arith.constant 128 : i32
      %add3A_453 = arith.addi %mul3A_87, %add3A_452 : i32
      %swap3A_454 = arith.index_cast %add3A_453 : i32 to index
      %swap3A_455 = tpu.vector_load %arg15[%swap3A_454] {strides = array<i32>} : memref<5440xf32, #tpu.memory_space<vmem>>, vector<16xf32>,
      tpu.vector_store %arg15[%swap3A_454], %mul3A_451 {strides = array<i32>} : memref<5440xf32, #tpu.memory_space<vmem>>, vector<16xf32>,
      %mul3A_456 = arith.mulf %exp3A_387, %div3A_411 : vector<16xf32>
      %add3A_457 = arith.constant 144 : i32
      %add3A_458 = arith.addi %mul3A_87, %add3A_457 : i32
      %swap3A_459 = arith.index_cast %add3A_458 : i32 to index
      %swap3A_460 = tpu.vector_load %arg15[%swap3A_459] {strides = array<i32>} : memref<5440xf32, #tpu.memory_space<vmem>>, vector<16xf32>,
      tpu.vector_store %arg15[%swap3A_459], %mul3A_456 {strides = array<i32>} : memref<5440xf32, #tpu.memory_space<vmem>>, vector<16xf32>,
      %mul3A_461 = arith.mulf %exp3A_390, %div3A_411 : vector<16xf32>
      %add3A_462 = arith.constant 160 : i32
      %add3A_463 = arith.addi %mul3A_87, %add3A_462 : i32
      %swap3A_464 = arith.index_cast %add3A_463 : i32 to index
      %swap3A_465 = tpu.vector_load %arg15[%swap3A_464] {strides = array<i32>} : memref<5440xf32, #tpu.memory_space<vmem>>, vector<16xf32>,
      tpu.vector_store %arg15[%swap3A_464], %mul3A_461 {strides = array<i32>} : memref<5440xf32, #tpu.memory_space<vmem>>, vector<16xf32>,
      %mul3A_466 = arith.mulf %exp3A_393, %div3A_411 : vector<16xf32>
      %add3A_467 = arith.constant 176 : i32
      %add3A_468 = arith.addi %mul3A_87, %add3A_467 : i32
      %swap3A_469 = arith.index_cast %add3A_468 : i32 to index
      %swap3A_470 = tpu.vector_load %arg15[%swap3A_469] {strides = array<i32>} : memref<5440xf32, #tpu.memory_space<vmem>>, vector<16xf32>,
      tpu.vector_store %arg15[%swap3A_469], %mul3A_466 {strides = array<i32>} : memref<5440xf32, #tpu.memory_space<vmem>>, vector<16xf32>,
      %mul3A_471 = arith.mulf %exp3A_396, %div3A_411 : vector<16xf32>
      %add3A_472 = arith.constant 192 : i32
      %add3A_473 = arith.addi %mul3A_87, %add3A_472 : i32
      %swap3A_474 = arith.index_cast %add3A_473 : i32 to index
      %swap3A_475 = tpu.vector_load %arg15[%swap3A_474] {strides = array<i32>} : memref<5440xf32, #tpu.memory_space<vmem>>, vector<16xf32>,
      tpu.vector_store %arg15[%swap3A_474], %mul3A_471 {strides = array<i32>} : memref<5440xf32, #tpu.memory_space<vmem>>, vector<16xf32>,
      %mul3A_476 = arith.mulf %exp3A_399, %div3A_411 : vector<16xf32>
      %add3A_477 = arith.constant 208 : i32
      %add3A_478 = arith.addi %mul3A_87, %add3A_477 : i32
      %swap3A_479 = arith.index_cast %add3A_478 : i32 to index
      %swap3A_480 = tpu.vector_load %arg15[%swap3A_479] {strides = array<i32>} : memref<5440xf32, #tpu.memory_space<vmem>>, vector<16xf32>,
      tpu.vector_store %arg15[%swap3A_479], %mul3A_476 {strides = array<i32>} : memref<5440xf32, #tpu.memory_space<vmem>>, vector<16xf32>,
      %mul3A_481 = arith.mulf %exp3A_402, %div3A_411 : vector<16xf32>
      %add3A_482 = arith.constant 224 : i32
      %add3A_483 = arith.addi %mul3A_87, %add3A_482 : i32
      %swap3A_484 = arith.index_cast %add3A_483 : i32 to index
      %swap3A_485 = tpu.vector_load %arg15[%swap3A_484] {strides = array<i32>} : memref<5440xf32, #tpu.memory_space<vmem>>, vector<16xf32>,
      tpu.vector_store %arg15[%swap3A_484], %mul3A_481 {strides = array<i32>} : memref<5440xf32, #tpu.memory_space<vmem>>, vector<16xf32>,
      %mul3A_486 = arith.mulf %exp3A_405, %div3A_411 : vector<16xf32>
      %add3A_487 = arith.constant 240 : i32
      %add3A_488 = arith.addi %mul3A_87, %add3A_487 : i32
      %swap3A_489 = arith.index_cast %add3A_488 : i32 to index
      %swap3A_490 = tpu.vector_load %arg15[%swap3A_489] {strides = array<i32>} : memref<5440xf32, #tpu.memory_space<vmem>>, vector<16xf32>,
      tpu.vector_store %arg15[%swap3A_489], %mul3A_486 {strides = array<i32>} : memref<5440xf32, #tpu.memory_space<vmem>>, vector<16xf32>,
      %mul3A_491 = arith.mulf %exp3A_408, %div3A_411 : vector<16xf32>
      %add3A_492 = arith.constant 256 : i32
      %add3A_493 = arith.addi %mul3A_87, %add3A_492 : i32
      %swap3A_494 = arith.index_cast %add3A_493 : i32 to index
      %swap3A_495 = tpu.vector_load %arg15[%swap3A_494] {strides = array<i32>} : memref<5440xf32, #tpu.memory_space<vmem>>, vector<16xf32>,
      tpu.vector_store %arg15[%swap3A_494], %mul3A_491 {strides = array<i32>} : memref<5440xf32, #tpu.memory_space<vmem>>, vector<16xf32>,
    }
    %scan3A_36 = arith.constant 20 : i32
    %get3A = arith.constant 0 : index
    %get3A_37 = tpu.vector_load %arg16[%get3A] {strides = array<i32>} : memref<256xf32, #tpu.memory_space<vmem>>, vector<16xf32>,
    %get3A_38 = arith.constant 16 : index
    %get3A_39 = tpu.vector_load %arg16[%get3A_38] {strides = array<i32>} : memref<256xf32, #tpu.memory_space<vmem>>, vector<16xf32>,
    %get3A_40 = arith.constant 32 : index
    %get3A_41 = tpu.vector_load %arg16[%get3A_40] {strides = array<i32>} : memref<256xf32, #tpu.memory_space<vmem>>, vector<16xf32>,
    %get3A_42 = arith.constant 48 : index
    %get3A_43 = tpu.vector_load %arg16[%get3A_42] {strides = array<i32>} : memref<256xf32, #tpu.memory_space<vmem>>, vector<16xf32>,
    %get3A_44 = arith.constant 64 : index
    %get3A_45 = tpu.vector_load %arg16[%get3A_44] {strides = array<i32>} : memref<256xf32, #tpu.memory_space<vmem>>, vector<16xf32>,
    %get3A_46 = arith.constant 80 : index
    %get3A_47 = tpu.vector_load %arg16[%get3A_46] {strides = array<i32>} : memref<256xf32, #tpu.memory_space<vmem>>, vector<16xf32>,
    %get3A_48 = arith.constant 96 : index
    %get3A_49 = tpu.vector_load %arg16[%get3A_48] {strides = array<i32>} : memref<256xf32, #tpu.memory_space<vmem>>, vector<16xf32>,
    %get3A_50 = arith.constant 112 : index
    %get3A_51 = tpu.vector_load %arg16[%get3A_50] {strides = array<i32>} : memref<256xf32, #tpu.memory_space<vmem>>, vector<16xf32>,
    %get3A_52 = arith.constant 128 : index
    %get3A_53 = tpu.vector_load %arg16[%get3A_52] {strides = array<i32>} : memref<256xf32, #tpu.memory_space<vmem>>, vector<16xf32>,
    %get3A_54 = arith.constant 144 : index
    %get3A_55 = tpu.vector_load %arg16[%get3A_54] {strides = array<i32>} : memref<256xf32, #tpu.memory_space<vmem>>, vector<16xf32>,
    %get3A_56 = arith.constant 160 : index
    %get3A_57 = tpu.vector_load %arg16[%get3A_56] {strides = array<i32>} : memref<256xf32, #tpu.memory_space<vmem>>, vector<16xf32>,
    %get3A_58 = arith.constant 176 : index
    %get3A_59 = tpu.vector_load %arg16[%get3A_58] {strides = array<i32>} : memref<256xf32, #tpu.memory_space<vmem>>, vector<16xf32>,
    %get3A_60 = arith.constant 192 : index
    %get3A_61 = tpu.vector_load %arg16[%get3A_60] {strides = array<i32>} : memref<256xf32, #tpu.memory_space<vmem>>, vector<16xf32>,
    %get3A_62 = arith.constant 208 : index
    %get3A_63 = tpu.vector_load %arg16[%get3A_62] {strides = array<i32>} : memref<256xf32, #tpu.memory_space<vmem>>, vector<16xf32>,
    %get3A_64 = arith.constant 224 : index
    %get3A_65 = tpu.vector_load %arg16[%get3A_64] {strides = array<i32>} : memref<256xf32, #tpu.memory_space<vmem>>, vector<16xf32>,
    %get3A_66 = arith.constant 240 : index
    %get3A_67 = tpu.vector_load %arg16[%get3A_66] {strides = array<i32>} : memref<256xf32, #tpu.memory_space<vmem>>, vector<16xf32>,
    %scan3A_68 = arith.constant 0 : i32
    %scan3A_69 = arith.constant 0 : i32
    %scan3A_70 = arith.constant 40 : i32
    %scan3A_71 = arith.addi %scan3A_69, %scan3A_70 : i32
    %scan3A_72 = arith.constant 1 : i32
    scf.for %scan3A_85 = %scan3A_69 to %scan3A_71 step %scan3A_72  : i32 {
      %mul3A_86 = arith.constant 2 : i32
      %mul3A_87 = arith.muli %scan3A_85, %mul3A_86 : i32
      %add3A_88 = arith.constant 0 : i32
      %add3A_89 = arith.addi %mul3A_87, %add3A_88 : i32
      %jit3A = arith.constant 4 : i32
      %div3A = arith.divsi %add3A_89, %jit3A : i32
      %sign3A = arith.constant 0 : i32
      %sign3A_90 = arith.cmpi sgt, %add3A_89, %sign3A : i32
      %sign3A_91 = arith.extui %sign3A_90 : i1 to i32
      %sign3A_92 = arith.constant 0 : i32
      %sign3A_93 = arith.cmpi slt, %add3A_89, %sign3A_92 : i32
      %sign3A_94 = arith.extui %sign3A_93 : i1 to i32
      %sign3A_95 = arith.subi %sign3A_91, %sign3A_94 : i32
      %sign3A_96 = arith.constant 0 : i32
      %sign3A_97 = arith.cmpi sgt, %jit3A, %sign3A_96 : i32
      %sign3A_98 = arith.extui %sign3A_97 : i1 to i32
      %sign3A_99 = arith.constant 0 : i32
      %sign3A_100 = arith.cmpi slt, %jit3A, %sign3A_99 : i32
      %sign3A_101 = arith.extui %sign3A_100 : i1 to i32
      %sign3A_102 = arith.subi %sign3A_98, %sign3A_101 : i32
      %ne3A = arith.cmpi ne, %sign3A_95, %sign3A_102 : i32
      %rem3A = arith.remsi %add3A_89, %jit3A : i32
      %ne3A_103 = arith.constant 0 : i32
      %ne3A_104 = arith.cmpi ne, %rem3A, %ne3A_103 : i32
      %and3A = arith.andi %ne3A, %ne3A_104 : i1
      %sub3A = arith.constant 1 : i32
      %sub3A_105 = arith.subi %div3A, %sub3A : i32
      %select_n3A = arith.select %and3A, %sub3A_105, %div3A : i32
      %mul3A_106 = arith.constant 272 : i32
      %mul3A_107 = arith.muli %select_n3A, %mul3A_106 : i32
      %jit3A_108 = arith.constant 4 : i32
      %eq3A = arith.constant 0 : i32
      %eq3A_109 = arith.cmpi eq, %jit3A_108, %eq3A : i32
      %jit3A_110 = arith.constant 1 : i32
      %select_n3A_111 = arith.select %eq3A_109, %jit3A_110, %jit3A_108 : i32
      %rem3A_112 = arith.remsi %add3A_89, %select_n3A_111 : i32
      %ne3A_113 = arith.constant 0 : i32
      %ne3A_114 = arith.cmpi ne, %rem3A_112, %ne3A_113 : i32
      %lt3A = arith.constant 0 : i32
      %lt3A_115 = arith.cmpi slt, %rem3A_112, %lt3A : i32
      %lt3A_116 = arith.constant 0 : i32
      %lt3A_117 = arith.cmpi slt, %select_n3A_111, %lt3A_116 : i32
      %ne3A_118 = arith.xori %lt3A_115, %lt3A_117 : i1
      %and3A_119 = arith.andi %ne3A_118, %ne3A_114 : i1
      %add3A_120 = arith.addi %rem3A_112, %select_n3A_111 : i32
      %select_n3A_121 = arith.select %and3A_119, %add3A_120, %rem3A_112 : i32
      %mul3A_122 = arith.constant 4 : i32
      %mul3A_123 = arith.muli %select_n3A_121, %mul3A_122 : i32
      %dma_wait3A_124 = arith.constant 0 : i32
      %dma_wait3A_125 = tpu.memref_slice %arg12[%add3A_89, %dma_wait3A_124] : memref<80x64xi32, #tpu.memory_space<vmem>> -> memref<1x64xi32, #tpu.memory_space<vmem>>
      %dma_wait3A_126 = tpu.memref_squeeze %dma_wait3A_125 : memref<1x64xi32, #tpu.memory_space<vmem>> -> memref<64xi32, #tpu.memory_space<vmem>>
      %dma_wait3A_127 = arith.constant 0 : i32
      %dma_wait3A_128 = arith.constant 0 : i32
      %dma_wait3A_129 = tpu.memref_slice %arg29[%dma_wait3A_127, %dma_wait3A_128] : memref<2048x128xi32, #tpu.memory_space<vmem_shared>> -> memref<2048x128xi32, #tpu.memory_space<vmem_shared>>
      tpu.wait_indirect_dma semaphore(%arg23 : memref<!tpu.dma_semaphore, #tpu.memory_space<semaphore_mem>>) src(%dma_wait3A_129 : memref<2048x128xi32, #tpu.memory_space<vmem_shared>>) dst(%arg17 : memref<64x128xi32, #tpu.memory_space<vmem>>)
      %mul3A_130 = arith.constant 4 : i32
      %mul3A_131 = arith.muli %add3A_89, %mul3A_130 : i32
      %add3A_132 = arith.addi %mul3A_2, %mul3A_131 : i32
      %dma_wait3A_133 = arith.constant 0 : i32
      %dma_wait3A_134 = tpu.memref_slice %arg2[%add3A_132, %dma_wait3A_133] : memref<10240x128xi32, #tpu.memory_space<hbm>> -> memref<4x128xi32, #tpu.memory_space<hbm>>
      %dma_wait3A_135 = arith.constant 0 : i32
      %dma_wait3A_136 = tpu.memref_slice %arg2[%add3A_132, %dma_wait3A_135] : memref<10240x128xi32, #tpu.memory_space<hbm>> -> memref<4x128xi32, #tpu.memory_space<hbm>>
      tpu.wait_dma2 semaphore(%arg25 : memref<!tpu.dma_semaphore, #tpu.memory_space<semaphore_mem>>) src(%dma_wait3A_136 : memref<4x128xi32, #tpu.memory_space<hbm>>) dst(%arg19 : memref<4x128xi32, #tpu.memory_space<vmem>>)
      %gt3A = arith.constant 0 : i32
      %gt3A_137 = arith.cmpi sgt, %scan3A_85, %gt3A : i32
      %convert_element_type3A = arith.extui %gt3A_137 : i1 to i32
      %cond3A = arith.constant 0 : i32
      %cond3A_138 = arith.cmpi ne, %convert_element_type3A, %cond3A : i32
      scf.if %cond3A_138 {
        %mul3A_2039 = arith.constant 4 : i32
        %mul3A_2040 = arith.muli %add3A_89, %mul3A_2039 : i32
        %add3A_2041 = arith.addi %mul3A_2, %mul3A_2040 : i32
        %dma_wait3A_2042 = arith.constant 0 : i32
        %dma_wait3A_2043 = tpu.memref_slice %arg9[%add3A_2041, %dma_wait3A_2042] : memref<10240x256xf32, #tpu.memory_space<hbm>> -> memref<4x256xf32, #tpu.memory_space<hbm>>
        %dma_wait3A_2044 = arith.constant 0 : i32
        %dma_wait3A_2045 = tpu.memref_slice %arg9[%add3A_2041, %dma_wait3A_2044] : memref<10240x256xf32, #tpu.memory_space<hbm>> -> memref<4x256xf32, #tpu.memory_space<hbm>>
        tpu.wait_dma2 semaphore(%arg27 : memref<!tpu.dma_semaphore, #tpu.memory_space<semaphore_mem>>) src(%arg21 : memref<4x256xf32, #tpu.memory_space<vmem>>) dst(%dma_wait3A_2045 : memref<4x256xf32, #tpu.memory_space<hbm>>)
      } else {
      }
      %iota3A = tpu.iota {dimensions = array<i32: 0>} : vector<16xi32>
      %mul3A_139 = arith.constant 16 : i32
      %mul3A_140 = vector.broadcast %mul3A_139 : i32 to vector<16xi32>
      %mul3A_141 = arith.muli %iota3A, %mul3A_140 : vector<16xi32>
      %add3A_142 = arith.addi %mul3A_107, %mul3A_123 : i32
      %add3A_143 = arith.constant 0 : i32
      %add3A_144 = arith.addi %add3A_142, %add3A_143 : i32
      %add3A_145 = vector.broadcast %add3A_144 : i32 to vector<16xi32>
      %add3A_146 = arith.addi %mul3A_141, %add3A_145 : vector<16xi32>
      %gather3A = tpu.vector_load_idx %arg15[%add3A_146] : memref<5440xf32, #tpu.memory_space<vmem>>[vector<16xi32>], vector<16xf32>,
      %broadcast_in_dim3A = arith.constant 0 : i32
      %broadcast_in_dim3A_147 = vector.broadcast %broadcast_in_dim3A : i32 to vector<16xi32>
      %add3A_148 = arith.constant 256 : i32
      %add3A_149 = arith.addi %mul3A_107, %add3A_148 : i32
      %add3A_150 = arith.addi %add3A_149, %mul3A_123 : i32
      %add3A_151 = arith.constant 0 : i32
      %add3A_152 = arith.addi %add3A_150, %add3A_151 : i32
      %add3A_153 = vector.broadcast %add3A_152 : i32 to vector<16xi32>
      %add3A_154 = arith.addi %broadcast_in_dim3A_147, %add3A_153 : vector<16xi32>
      %gather3A_155 = tpu.vector_load_idx %arg15[%add3A_154] : memref<5440xf32, #tpu.memory_space<vmem>>[vector<16xi32>], vector<16xf32>,
      %slice3A = vector.extract_strided_slice %gather3A_155 {offsets = [0], sizes = [1], strides = [1]} : vector<16xf32> to vector<1xf32>
      %squeeze3A = vector.extract %slice3A[0] : f32 from vector<1xf32>
      %get3A_156 = arith.constant 0 : i32
      %get3A_157 = arith.index_cast %get3A_156 : i32 to index
      %get3A_158 = arith.constant 0 : index
      %get3A_159 = tpu.vector_load %arg19[%get3A_157, %get3A_158] {strides = array<i32>} : memref<4x128xi32, #tpu.memory_space<vmem>>, vector<16xi32>,
      %shift_left3A = arith.constant 16 : i32
      %shift_left3A_160 = vector.broadcast %shift_left3A : i32 to vector<16xi32>
      %shift_left3A_161 = arith.shli %get3A_159, %shift_left3A_160 : vector<16xi32>
      %bitcast3A = vector.bitcast %shift_left3A_161 : vector<16xi32> to vector<16xf32>
      %and3A_162 = arith.constant -65536 : i32
      %and3A_163 = vector.broadcast %and3A_162 : i32 to vector<16xi32>
      %and3A_164 = arith.andi %get3A_159, %and3A_163 : vector<16xi32>
      %bitcast3A_165 = vector.bitcast %and3A_164 : vector<16xi32> to vector<16xf32>
      %mul3A_166 = vector.broadcast %squeeze3A : f32 to vector<16xf32>
      %mul3A_167 = arith.mulf %mul3A_166, %bitcast3A : vector<16xf32>
      %add3A_168 = arith.addf %get3A_37, %mul3A_167 : vector<16xf32>
      %mul3A_169 = vector.broadcast %squeeze3A : f32 to vector<16xf32>
      %mul3A_170 = arith.mulf %mul3A_169, %bitcast3A_165 : vector<16xf32>
      %add3A_171 = arith.addf %get3A_39, %mul3A_170 : vector<16xf32>
      %get3A_172 = arith.constant 0 : i32
      %get3A_173 = arith.index_cast %get3A_172 : i32 to index
      %get3A_174 = arith.constant 16 : index
      %get3A_175 = tpu.vector_load %arg19[%get3A_173, %get3A_174] {strides = array<i32>} : memref<4x128xi32, #tpu.memory_space<vmem>>, vector<16xi32>,
      %shift_left3A_176 = arith.constant 16 : i32
      %shift_left3A_177 = vector.broadcast %shift_left3A_176 : i32 to vector<16xi32>
      %shift_left3A_178 = arith.shli %get3A_175, %shift_left3A_177 : vector<16xi32>
      %bitcast3A_179 = vector.bitcast %shift_left3A_178 : vector<16xi32> to vector<16xf32>
      %and3A_180 = arith.constant -65536 : i32
      %and3A_181 = vector.broadcast %and3A_180 : i32 to vector<16xi32>
      %and3A_182 = arith.andi %get3A_175, %and3A_181 : vector<16xi32>
      %bitcast3A_183 = vector.bitcast %and3A_182 : vector<16xi32> to vector<16xf32>
      %mul3A_184 = vector.broadcast %squeeze3A : f32 to vector<16xf32>
      %mul3A_185 = arith.mulf %mul3A_184, %bitcast3A_179 : vector<16xf32>
      %add3A_186 = arith.addf %get3A_41, %mul3A_185 : vector<16xf32>
      %mul3A_187 = vector.broadcast %squeeze3A : f32 to vector<16xf32>
      %mul3A_188 = arith.mulf %mul3A_187, %bitcast3A_183 : vector<16xf32>
      %add3A_189 = arith.addf %get3A_43, %mul3A_188 : vector<16xf32>
      %get3A_190 = arith.constant 0 : i32
      %get3A_191 = arith.index_cast %get3A_190 : i32 to index
      %get3A_192 = arith.constant 32 : index
      %get3A_193 = tpu.vector_load %arg19[%get3A_191, %get3A_192] {strides = array<i32>} : memref<4x128xi32, #tpu.memory_space<vmem>>, vector<16xi32>,
      %shift_left3A_194 = arith.constant 16 : i32
      %shift_left3A_195 = vector.broadcast %shift_left3A_194 : i32 to vector<16xi32>
      %shift_left3A_196 = arith.shli %get3A_193, %shift_left3A_195 : vector<16xi32>
      %bitcast3A_197 = vector.bitcast %shift_left3A_196 : vector<16xi32> to vector<16xf32>
      %and3A_198 = arith.constant -65536 : i32
      %and3A_199 = vector.broadcast %and3A_198 : i32 to vector<16xi32>
      %and3A_200 = arith.andi %get3A_193, %and3A_199 : vector<16xi32>
      %bitcast3A_201 = vector.bitcast %and3A_200 : vector<16xi32> to vector<16xf32>
      %mul3A_202 = vector.broadcast %squeeze3A : f32 to vector<16xf32>
      %mul3A_203 = arith.mulf %mul3A_202, %bitcast3A_197 : vector<16xf32>
      %add3A_204 = arith.addf %get3A_45, %mul3A_203 : vector<16xf32>
      %mul3A_205 = vector.broadcast %squeeze3A : f32 to vector<16xf32>
      %mul3A_206 = arith.mulf %mul3A_205, %bitcast3A_201 : vector<16xf32>
      %add3A_207 = arith.addf %get3A_47, %mul3A_206 : vector<16xf32>
      %get3A_208 = arith.constant 0 : i32
      %get3A_209 = arith.index_cast %get3A_208 : i32 to index
      %get3A_210 = arith.constant 48 : index
      %get3A_211 = tpu.vector_load %arg19[%get3A_209, %get3A_210] {strides = array<i32>} : memref<4x128xi32, #tpu.memory_space<vmem>>, vector<16xi32>,
      %shift_left3A_212 = arith.constant 16 : i32
      %shift_left3A_213 = vector.broadcast %shift_left3A_212 : i32 to vector<16xi32>
      %shift_left3A_214 = arith.shli %get3A_211, %shift_left3A_213 : vector<16xi32>
      %bitcast3A_215 = vector.bitcast %shift_left3A_214 : vector<16xi32> to vector<16xf32>
      %and3A_216 = arith.constant -65536 : i32
      %and3A_217 = vector.broadcast %and3A_216 : i32 to vector<16xi32>
      %and3A_218 = arith.andi %get3A_211, %and3A_217 : vector<16xi32>
      %bitcast3A_219 = vector.bitcast %and3A_218 : vector<16xi32> to vector<16xf32>
      %mul3A_220 = vector.broadcast %squeeze3A : f32 to vector<16xf32>
      %mul3A_221 = arith.mulf %mul3A_220, %bitcast3A_215 : vector<16xf32>
      %add3A_222 = arith.addf %get3A_49, %mul3A_221 : vector<16xf32>
      %mul3A_223 = vector.broadcast %squeeze3A : f32 to vector<16xf32>
      %mul3A_224 = arith.mulf %mul3A_223, %bitcast3A_219 : vector<16xf32>
      %add3A_225 = arith.addf %get3A_51, %mul3A_224 : vector<16xf32>
      %get3A_226 = arith.constant 0 : i32
      %get3A_227 = arith.index_cast %get3A_226 : i32 to index
      %get3A_228 = arith.constant 64 : index
      %get3A_229 = tpu.vector_load %arg19[%get3A_227, %get3A_228] {strides = array<i32>} : memref<4x128xi32, #tpu.memory_space<vmem>>, vector<16xi32>,
      %shift_left3A_230 = arith.constant 16 : i32
      %shift_left3A_231 = vector.broadcast %shift_left3A_230 : i32 to vector<16xi32>
      %shift_left3A_232 = arith.shli %get3A_229, %shift_left3A_231 : vector<16xi32>
      %bitcast3A_233 = vector.bitcast %shift_left3A_232 : vector<16xi32> to vector<16xf32>
      %and3A_234 = arith.constant -65536 : i32
      %and3A_235 = vector.broadcast %and3A_234 : i32 to vector<16xi32>
      %and3A_236 = arith.andi %get3A_229, %and3A_235 : vector<16xi32>
      %bitcast3A_237 = vector.bitcast %and3A_236 : vector<16xi32> to vector<16xf32>
      %mul3A_238 = vector.broadcast %squeeze3A : f32 to vector<16xf32>
      %mul3A_239 = arith.mulf %mul3A_238, %bitcast3A_233 : vector<16xf32>
      %add3A_240 = arith.addf %get3A_53, %mul3A_239 : vector<16xf32>
      %mul3A_241 = vector.broadcast %squeeze3A : f32 to vector<16xf32>
      %mul3A_242 = arith.mulf %mul3A_241, %bitcast3A_237 : vector<16xf32>
      %add3A_243 = arith.addf %get3A_55, %mul3A_242 : vector<16xf32>
      %get3A_244 = arith.constant 0 : i32
      %get3A_245 = arith.index_cast %get3A_244 : i32 to index
      %get3A_246 = arith.constant 80 : index
      %get3A_247 = tpu.vector_load %arg19[%get3A_245, %get3A_246] {strides = array<i32>} : memref<4x128xi32, #tpu.memory_space<vmem>>, vector<16xi32>,
      %shift_left3A_248 = arith.constant 16 : i32
      %shift_left3A_249 = vector.broadcast %shift_left3A_248 : i32 to vector<16xi32>
      %shift_left3A_250 = arith.shli %get3A_247, %shift_left3A_249 : vector<16xi32>
      %bitcast3A_251 = vector.bitcast %shift_left3A_250 : vector<16xi32> to vector<16xf32>
      %and3A_252 = arith.constant -65536 : i32
      %and3A_253 = vector.broadcast %and3A_252 : i32 to vector<16xi32>
      %and3A_254 = arith.andi %get3A_247, %and3A_253 : vector<16xi32>
      %bitcast3A_255 = vector.bitcast %and3A_254 : vector<16xi32> to vector<16xf32>
      %mul3A_256 = vector.broadcast %squeeze3A : f32 to vector<16xf32>
      %mul3A_257 = arith.mulf %mul3A_256, %bitcast3A_251 : vector<16xf32>
      %add3A_258 = arith.addf %get3A_57, %mul3A_257 : vector<16xf32>
      %mul3A_259 = vector.broadcast %squeeze3A : f32 to vector<16xf32>
      %mul3A_260 = arith.mulf %mul3A_259, %bitcast3A_255 : vector<16xf32>
      %add3A_261 = arith.addf %get3A_59, %mul3A_260 : vector<16xf32>
      %get3A_262 = arith.constant 0 : i32
      %get3A_263 = arith.index_cast %get3A_262 : i32 to index
      %get3A_264 = arith.constant 96 : index
      %get3A_265 = tpu.vector_load %arg19[%get3A_263, %get3A_264] {strides = array<i32>} : memref<4x128xi32, #tpu.memory_space<vmem>>, vector<16xi32>,
      %shift_left3A_266 = arith.constant 16 : i32
      %shift_left3A_267 = vector.broadcast %shift_left3A_266 : i32 to vector<16xi32>
      %shift_left3A_268 = arith.shli %get3A_265, %shift_left3A_267 : vector<16xi32>
      %bitcast3A_269 = vector.bitcast %shift_left3A_268 : vector<16xi32> to vector<16xf32>
      %and3A_270 = arith.constant -65536 : i32
      %and3A_271 = vector.broadcast %and3A_270 : i32 to vector<16xi32>
      %and3A_272 = arith.andi %get3A_265, %and3A_271 : vector<16xi32>
      %bitcast3A_273 = vector.bitcast %and3A_272 : vector<16xi32> to vector<16xf32>
      %mul3A_274 = vector.broadcast %squeeze3A : f32 to vector<16xf32>
      %mul3A_275 = arith.mulf %mul3A_274, %bitcast3A_269 : vector<16xf32>
      %add3A_276 = arith.addf %get3A_61, %mul3A_275 : vector<16xf32>
      %mul3A_277 = vector.broadcast %squeeze3A : f32 to vector<16xf32>
      %mul3A_278 = arith.mulf %mul3A_277, %bitcast3A_273 : vector<16xf32>
      %add3A_279 = arith.addf %get3A_63, %mul3A_278 : vector<16xf32>
      %get3A_280 = arith.constant 0 : i32
      %get3A_281 = arith.index_cast %get3A_280 : i32 to index
      %get3A_282 = arith.constant 112 : index
      %get3A_283 = tpu.vector_load %arg19[%get3A_281, %get3A_282] {strides = array<i32>} : memref<4x128xi32, #tpu.memory_space<vmem>>, vector<16xi32>,
      %shift_left3A_284 = arith.constant 16 : i32
      %shift_left3A_285 = vector.broadcast %shift_left3A_284 : i32 to vector<16xi32>
      %shift_left3A_286 = arith.shli %get3A_283, %shift_left3A_285 : vector<16xi32>
      %bitcast3A_287 = vector.bitcast %shift_left3A_286 : vector<16xi32> to vector<16xf32>
      %and3A_288 = arith.constant -65536 : i32
      %and3A_289 = vector.broadcast %and3A_288 : i32 to vector<16xi32>
      %and3A_290 = arith.andi %get3A_283, %and3A_289 : vector<16xi32>
      %bitcast3A_291 = vector.bitcast %and3A_290 : vector<16xi32> to vector<16xf32>
      %mul3A_292 = vector.broadcast %squeeze3A : f32 to vector<16xf32>
      %mul3A_293 = arith.mulf %mul3A_292, %bitcast3A_287 : vector<16xf32>
      %add3A_294 = arith.addf %get3A_65, %mul3A_293 : vector<16xf32>
      %mul3A_295 = vector.broadcast %squeeze3A : f32 to vector<16xf32>
      %mul3A_296 = arith.mulf %mul3A_295, %bitcast3A_291 : vector<16xf32>
      %add3A_297 = arith.addf %get3A_67, %mul3A_296 : vector<16xf32>
      %swap3A = arith.constant 0 : i32
      %swap3A_298 = arith.index_cast %swap3A : i32 to index
      %swap3A_299 = arith.constant 0 : index
      %swap3A_300 = tpu.vector_load %arg21[%swap3A_298, %swap3A_299] {strides = array<i32>} : memref<4x256xf32, #tpu.memory_space<vmem>>, vector<16xf32>,
      tpu.vector_store %arg21[%swap3A_298, %swap3A_299], %add3A_168 {strides = array<i32>} : memref<4x256xf32, #tpu.memory_space<vmem>>, vector<16xf32>,
      %swap3A_301 = arith.constant 0 : i32
      %swap3A_302 = arith.index_cast %swap3A_301 : i32 to index
      %swap3A_303 = arith.constant 16 : index
      %swap3A_304 = tpu.vector_load %arg21[%swap3A_302, %swap3A_303] {strides = array<i32>} : memref<4x256xf32, #tpu.memory_space<vmem>>, vector<16xf32>,
      tpu.vector_store %arg21[%swap3A_302, %swap3A_303], %add3A_171 {strides = array<i32>} : memref<4x256xf32, #tpu.memory_space<vmem>>, vector<16xf32>,
      %swap3A_305 = arith.constant 0 : i32
      %swap3A_306 = arith.index_cast %swap3A_305 : i32 to index
      %swap3A_307 = arith.constant 32 : index
      %swap3A_308 = tpu.vector_load %arg21[%swap3A_306, %swap3A_307] {strides = array<i32>} : memref<4x256xf32, #tpu.memory_space<vmem>>, vector<16xf32>,
      tpu.vector_store %arg21[%swap3A_306, %swap3A_307], %add3A_186 {strides = array<i32>} : memref<4x256xf32, #tpu.memory_space<vmem>>, vector<16xf32>,
      %swap3A_309 = arith.constant 0 : i32
      %swap3A_310 = arith.index_cast %swap3A_309 : i32 to index
      %swap3A_311 = arith.constant 48 : index
      %swap3A_312 = tpu.vector_load %arg21[%swap3A_310, %swap3A_311] {strides = array<i32>} : memref<4x256xf32, #tpu.memory_space<vmem>>, vector<16xf32>,
      tpu.vector_store %arg21[%swap3A_310, %swap3A_311], %add3A_189 {strides = array<i32>} : memref<4x256xf32, #tpu.memory_space<vmem>>, vector<16xf32>,
      %swap3A_313 = arith.constant 0 : i32
      %swap3A_314 = arith.index_cast %swap3A_313 : i32 to index
      %swap3A_315 = arith.constant 64 : index
      %swap3A_316 = tpu.vector_load %arg21[%swap3A_314, %swap3A_315] {strides = array<i32>} : memref<4x256xf32, #tpu.memory_space<vmem>>, vector<16xf32>,
      tpu.vector_store %arg21[%swap3A_314, %swap3A_315], %add3A_204 {strides = array<i32>} : memref<4x256xf32, #tpu.memory_space<vmem>>, vector<16xf32>,
      %swap3A_317 = arith.constant 0 : i32
      %swap3A_318 = arith.index_cast %swap3A_317 : i32 to index
      %swap3A_319 = arith.constant 80 : index
      %swap3A_320 = tpu.vector_load %arg21[%swap3A_318, %swap3A_319] {strides = array<i32>} : memref<4x256xf32, #tpu.memory_space<vmem>>, vector<16xf32>,
      tpu.vector_store %arg21[%swap3A_318, %swap3A_319], %add3A_207 {strides = array<i32>} : memref<4x256xf32, #tpu.memory_space<vmem>>, vector<16xf32>,
      %swap3A_321 = arith.constant 0 : i32
      %swap3A_322 = arith.index_cast %swap3A_321 : i32 to index
      %swap3A_323 = arith.constant 96 : index
      %swap3A_324 = tpu.vector_load %arg21[%swap3A_322, %swap3A_323] {strides = array<i32>} : memref<4x256xf32, #tpu.memory_space<vmem>>, vector<16xf32>,
      tpu.vector_store %arg21[%swap3A_322, %swap3A_323], %add3A_222 {strides = array<i32>} : memref<4x256xf32, #tpu.memory_space<vmem>>, vector<16xf32>,
      %swap3A_325 = arith.constant 0 : i32
      %swap3A_326 = arith.index_cast %swap3A_325 : i32 to index
      %swap3A_327 = arith.constant 112 : index
      %swap3A_328 = tpu.vector_load %arg21[%swap3A_326, %swap3A_327] {strides = array<i32>} : memref<4x256xf32, #tpu.memory_space<vmem>>, vector<16xf32>,
      tpu.vector_store %arg21[%swap3A_326, %swap3A_327], %add3A_225 {strides = array<i32>} : memref<4x256xf32, #tpu.memory_space<vmem>>, vector<16xf32>,
      %swap3A_329 = arith.constant 0 : i32
      %swap3A_330 = arith.index_cast %swap3A_329 : i32 to index
      %swap3A_331 = arith.constant 128 : index
      %swap3A_332 = tpu.vector_load %arg21[%swap3A_330, %swap3A_331] {strides = array<i32>} : memref<4x256xf32, #tpu.memory_space<vmem>>, vector<16xf32>,
      tpu.vector_store %arg21[%swap3A_330, %swap3A_331], %add3A_240 {strides = array<i32>} : memref<4x256xf32, #tpu.memory_space<vmem>>, vector<16xf32>,
      %swap3A_333 = arith.constant 0 : i32
      %swap3A_334 = arith.index_cast %swap3A_333 : i32 to index
      %swap3A_335 = arith.constant 144 : index
      %swap3A_336 = tpu.vector_load %arg21[%swap3A_334, %swap3A_335] {strides = array<i32>} : memref<4x256xf32, #tpu.memory_space<vmem>>, vector<16xf32>,
      tpu.vector_store %arg21[%swap3A_334, %swap3A_335], %add3A_243 {strides = array<i32>} : memref<4x256xf32, #tpu.memory_space<vmem>>, vector<16xf32>,
      %swap3A_337 = arith.constant 0 : i32
      %swap3A_338 = arith.index_cast %swap3A_337 : i32 to index
      %swap3A_339 = arith.constant 160 : index
      %swap3A_340 = tpu.vector_load %arg21[%swap3A_338, %swap3A_339] {strides = array<i32>} : memref<4x256xf32, #tpu.memory_space<vmem>>, vector<16xf32>,
      tpu.vector_store %arg21[%swap3A_338, %swap3A_339], %add3A_258 {strides = array<i32>} : memref<4x256xf32, #tpu.memory_space<vmem>>, vector<16xf32>,
      %swap3A_341 = arith.constant 0 : i32
      %swap3A_342 = arith.index_cast %swap3A_341 : i32 to index
      %swap3A_343 = arith.constant 176 : index
      %swap3A_344 = tpu.vector_load %arg21[%swap3A_342, %swap3A_343] {strides = array<i32>} : memref<4x256xf32, #tpu.memory_space<vmem>>, vector<16xf32>,
      tpu.vector_store %arg21[%swap3A_342, %swap3A_343], %add3A_261 {strides = array<i32>} : memref<4x256xf32, #tpu.memory_space<vmem>>, vector<16xf32>,
      %swap3A_345 = arith.constant 0 : i32
      %swap3A_346 = arith.index_cast %swap3A_345 : i32 to index
      %swap3A_347 = arith.constant 192 : index
      %swap3A_348 = tpu.vector_load %arg21[%swap3A_346, %swap3A_347] {strides = array<i32>} : memref<4x256xf32, #tpu.memory_space<vmem>>, vector<16xf32>,
      tpu.vector_store %arg21[%swap3A_346, %swap3A_347], %add3A_276 {strides = array<i32>} : memref<4x256xf32, #tpu.memory_space<vmem>>, vector<16xf32>,
      %swap3A_349 = arith.constant 0 : i32
      %swap3A_350 = arith.index_cast %swap3A_349 : i32 to index
      %swap3A_351 = arith.constant 208 : index
      %swap3A_352 = tpu.vector_load %arg21[%swap3A_350, %swap3A_351] {strides = array<i32>} : memref<4x256xf32, #tpu.memory_space<vmem>>, vector<16xf32>,
      tpu.vector_store %arg21[%swap3A_350, %swap3A_351], %add3A_279 {strides = array<i32>} : memref<4x256xf32, #tpu.memory_space<vmem>>, vector<16xf32>,
      %swap3A_353 = arith.constant 0 : i32
      %swap3A_354 = arith.index_cast %swap3A_353 : i32 to index
      %swap3A_355 = arith.constant 224 : index
      %swap3A_356 = tpu.vector_load %arg21[%swap3A_354, %swap3A_355] {strides = array<i32>} : memref<4x256xf32, #tpu.memory_space<vmem>>, vector<16xf32>,
      tpu.vector_store %arg21[%swap3A_354, %swap3A_355], %add3A_294 {strides = array<i32>} : memref<4x256xf32, #tpu.memory_space<vmem>>, vector<16xf32>,
      %swap3A_357 = arith.constant 0 : i32
      %swap3A_358 = arith.index_cast %swap3A_357 : i32 to index
      %swap3A_359 = arith.constant 240 : index
      %swap3A_360 = tpu.vector_load %arg21[%swap3A_358, %swap3A_359] {strides = array<i32>} : memref<4x256xf32, #tpu.memory_space<vmem>>, vector<16xf32>,
      tpu.vector_store %arg21[%swap3A_358, %swap3A_359], %add3A_297 {strides = array<i32>} : memref<4x256xf32, #tpu.memory_space<vmem>>, vector<16xf32>,
      %add3A_361 = arith.addi %mul3A_107, %mul3A_123 : i32
      %add3A_362 = arith.constant 1 : i32
      %add3A_363 = arith.addi %add3A_361, %add3A_362 : i32
      %add3A_364 = vector.broadcast %add3A_363 : i32 to vector<16xi32>
      %add3A_365 = arith.addi %mul3A_141, %add3A_364 : vector<16xi32>
      %gather3A_366 = tpu.vector_load_idx %arg15[%add3A_365] : memref<5440xf32, #tpu.memory_space<vmem>>[vector<16xi32>], vector<16xf32>,
      %broadcast_in_dim3A_367 = arith.constant 0 : i32
      %broadcast_in_dim3A_368 = vector.broadcast %broadcast_in_dim3A_367 : i32 to vector<16xi32>
      %add3A_369 = arith.constant 256 : i32
      %add3A_370 = arith.addi %mul3A_107, %add3A_369 : i32
      %add3A_371 = arith.addi %add3A_370, %mul3A_123 : i32
      %add3A_372 = arith.constant 1 : i32
      %add3A_373 = arith.addi %add3A_371, %add3A_372 : i32
      %add3A_374 = vector.broadcast %add3A_373 : i32 to vector<16xi32>
      %add3A_375 = arith.addi %broadcast_in_dim3A_368, %add3A_374 : vector<16xi32>
      %gather3A_376 = tpu.vector_load_idx %arg15[%add3A_375] : memref<5440xf32, #tpu.memory_space<vmem>>[vector<16xi32>], vector<16xf32>,
      %slice3A_377 = vector.extract_strided_slice %gather3A_376 {offsets = [0], sizes = [1], strides = [1]} : vector<16xf32> to vector<1xf32>
      %squeeze3A_378 = vector.extract %slice3A_377[0] : f32 from vector<1xf32>
      %get3A_379 = arith.constant 1 : i32
      %get3A_380 = arith.index_cast %get3A_379 : i32 to index
      %get3A_381 = arith.constant 0 : index
      %get3A_382 = tpu.vector_load %arg19[%get3A_380, %get3A_381] {strides = array<i32>} : memref<4x128xi32, #tpu.memory_space<vmem>>, vector<16xi32>,
      %shift_left3A_383 = arith.constant 16 : i32
      %shift_left3A_384 = vector.broadcast %shift_left3A_383 : i32 to vector<16xi32>
      %shift_left3A_385 = arith.shli %get3A_382, %shift_left3A_384 : vector<16xi32>
      %bitcast3A_386 = vector.bitcast %shift_left3A_385 : vector<16xi32> to vector<16xf32>
      %and3A_387 = arith.constant -65536 : i32
      %and3A_388 = vector.broadcast %and3A_387 : i32 to vector<16xi32>
      %and3A_389 = arith.andi %get3A_382, %and3A_388 : vector<16xi32>
      %bitcast3A_390 = vector.bitcast %and3A_389 : vector<16xi32> to vector<16xf32>
      %mul3A_391 = vector.broadcast %squeeze3A_378 : f32 to vector<16xf32>
      %mul3A_392 = arith.mulf %mul3A_391, %bitcast3A_386 : vector<16xf32>
      %add3A_393 = arith.addf %get3A_37, %mul3A_392 : vector<16xf32>
      %mul3A_394 = vector.broadcast %squeeze3A_378 : f32 to vector<16xf32>
      %mul3A_395 = arith.mulf %mul3A_394, %bitcast3A_390 : vector<16xf32>
      %add3A_396 = arith.addf %get3A_39, %mul3A_395 : vector<16xf32>
      %get3A_397 = arith.constant 1 : i32
      %get3A_398 = arith.index_cast %get3A_397 : i32 to index
      %get3A_399 = arith.constant 16 : index
      %get3A_400 = tpu.vector_load %arg19[%get3A_398, %get3A_399] {strides = array<i32>} : memref<4x128xi32, #tpu.memory_space<vmem>>, vector<16xi32>,
      %shift_left3A_401 = arith.constant 16 : i32
      %shift_left3A_402 = vector.broadcast %shift_left3A_401 : i32 to vector<16xi32>
      %shift_left3A_403 = arith.shli %get3A_400, %shift_left3A_402 : vector<16xi32>
      %bitcast3A_404 = vector.bitcast %shift_left3A_403 : vector<16xi32> to vector<16xf32>
      %and3A_405 = arith.constant -65536 : i32
      %and3A_406 = vector.broadcast %and3A_405 : i32 to vector<16xi32>
      %and3A_407 = arith.andi %get3A_400, %and3A_406 : vector<16xi32>
      %bitcast3A_408 = vector.bitcast %and3A_407 : vector<16xi32> to vector<16xf32>
      %mul3A_409 = vector.broadcast %squeeze3A_378 : f32 to vector<16xf32>
      %mul3A_410 = arith.mulf %mul3A_409, %bitcast3A_404 : vector<16xf32>
      %add3A_411 = arith.addf %get3A_41, %mul3A_410 : vector<16xf32>
      %mul3A_412 = vector.broadcast %squeeze3A_378 : f32 to vector<16xf32>
      %mul3A_413 = arith.mulf %mul3A_412, %bitcast3A_408 : vector<16xf32>
      %add3A_414 = arith.addf %get3A_43, %mul3A_413 : vector<16xf32>
      %get3A_415 = arith.constant 1 : i32
      %get3A_416 = arith.index_cast %get3A_415 : i32 to index
      %get3A_417 = arith.constant 32 : index
      %get3A_418 = tpu.vector_load %arg19[%get3A_416, %get3A_417] {strides = array<i32>} : memref<4x128xi32, #tpu.memory_space<vmem>>, vector<16xi32>,
      %shift_left3A_419 = arith.constant 16 : i32
      %shift_left3A_420 = vector.broadcast %shift_left3A_419 : i32 to vector<16xi32>
      %shift_left3A_421 = arith.shli %get3A_418, %shift_left3A_420 : vector<16xi32>
      %bitcast3A_422 = vector.bitcast %shift_left3A_421 : vector<16xi32> to vector<16xf32>
      %and3A_423 = arith.constant -65536 : i32
      %and3A_424 = vector.broadcast %and3A_423 : i32 to vector<16xi32>
      %and3A_425 = arith.andi %get3A_418, %and3A_424 : vector<16xi32>
      %bitcast3A_426 = vector.bitcast %and3A_425 : vector<16xi32> to vector<16xf32>
      %mul3A_427 = vector.broadcast %squeeze3A_378 : f32 to vector<16xf32>
      %mul3A_428 = arith.mulf %mul3A_427, %bitcast3A_422 : vector<16xf32>
      %add3A_429 = arith.addf %get3A_45, %mul3A_428 : vector<16xf32>
      %mul3A_430 = vector.broadcast %squeeze3A_378 : f32 to vector<16xf32>
      %mul3A_431 = arith.mulf %mul3A_430, %bitcast3A_426 : vector<16xf32>
      %add3A_432 = arith.addf %get3A_47, %mul3A_431 : vector<16xf32>
      %get3A_433 = arith.constant 1 : i32
      %get3A_434 = arith.index_cast %get3A_433 : i32 to index
      %get3A_435 = arith.constant 48 : index
      %get3A_436 = tpu.vector_load %arg19[%get3A_434, %get3A_435] {strides = array<i32>} : memref<4x128xi32, #tpu.memory_space<vmem>>, vector<16xi32>,
      %shift_left3A_437 = arith.constant 16 : i32
      %shift_left3A_438 = vector.broadcast %shift_left3A_437 : i32 to vector<16xi32>
      %shift_left3A_439 = arith.shli %get3A_436, %shift_left3A_438 : vector<16xi32>
      %bitcast3A_440 = vector.bitcast %shift_left3A_439 : vector<16xi32> to vector<16xf32>
      %and3A_441 = arith.constant -65536 : i32
      %and3A_442 = vector.broadcast %and3A_441 : i32 to vector<16xi32>
      %and3A_443 = arith.andi %get3A_436, %and3A_442 : vector<16xi32>
      %bitcast3A_444 = vector.bitcast %and3A_443 : vector<16xi32> to vector<16xf32>
      %mul3A_445 = vector.broadcast %squeeze3A_378 : f32 to vector<16xf32>
      %mul3A_446 = arith.mulf %mul3A_445, %bitcast3A_440 : vector<16xf32>
      %add3A_447 = arith.addf %get3A_49, %mul3A_446 : vector<16xf32>
      %mul3A_448 = vector.broadcast %squeeze3A_378 : f32 to vector<16xf32>
      %mul3A_449 = arith.mulf %mul3A_448, %bitcast3A_444 : vector<16xf32>
      %add3A_450 = arith.addf %get3A_51, %mul3A_449 : vector<16xf32>
      %get3A_451 = arith.constant 1 : i32
      %get3A_452 = arith.index_cast %get3A_451 : i32 to index
      %get3A_453 = arith.constant 64 : index
      %get3A_454 = tpu.vector_load %arg19[%get3A_452, %get3A_453] {strides = array<i32>} : memref<4x128xi32, #tpu.memory_space<vmem>>, vector<16xi32>,
      %shift_left3A_455 = arith.constant 16 : i32
      %shift_left3A_456 = vector.broadcast %shift_left3A_455 : i32 to vector<16xi32>
      %shift_left3A_457 = arith.shli %get3A_454, %shift_left3A_456 : vector<16xi32>
      %bitcast3A_458 = vector.bitcast %shift_left3A_457 : vector<16xi32> to vector<16xf32>
      %and3A_459 = arith.constant -65536 : i32
      %and3A_460 = vector.broadcast %and3A_459 : i32 to vector<16xi32>
      %and3A_461 = arith.andi %get3A_454, %and3A_460 : vector<16xi32>
      %bitcast3A_462 = vector.bitcast %and3A_461 : vector<16xi32> to vector<16xf32>
      %mul3A_463 = vector.broadcast %squeeze3A_378 : f32 to vector<16xf32>
      %mul3A_464 = arith.mulf %mul3A_463, %bitcast3A_458 : vector<16xf32>
      %add3A_465 = arith.addf %get3A_53, %mul3A_464 : vector<16xf32>
      %mul3A_466 = vector.broadcast %squeeze3A_378 : f32 to vector<16xf32>
      %mul3A_467 = arith.mulf %mul3A_466, %bitcast3A_462 : vector<16xf32>
      %add3A_468 = arith.addf %get3A_55, %mul3A_467 : vector<16xf32>
      %get3A_469 = arith.constant 1 : i32
      %get3A_470 = arith.index_cast %get3A_469 : i32 to index
      %get3A_471 = arith.constant 80 : index
      %get3A_472 = tpu.vector_load %arg19[%get3A_470, %get3A_471] {strides = array<i32>} : memref<4x128xi32, #tpu.memory_space<vmem>>, vector<16xi32>,
      %shift_left3A_473 = arith.constant 16 : i32
      %shift_left3A_474 = vector.broadcast %shift_left3A_473 : i32 to vector<16xi32>
      %shift_left3A_475 = arith.shli %get3A_472, %shift_left3A_474 : vector<16xi32>
      %bitcast3A_476 = vector.bitcast %shift_left3A_475 : vector<16xi32> to vector<16xf32>
      %and3A_477 = arith.constant -65536 : i32
      %and3A_478 = vector.broadcast %and3A_477 : i32 to vector<16xi32>
      %and3A_479 = arith.andi %get3A_472, %and3A_478 : vector<16xi32>
      %bitcast3A_480 = vector.bitcast %and3A_479 : vector<16xi32> to vector<16xf32>
      %mul3A_481 = vector.broadcast %squeeze3A_378 : f32 to vector<16xf32>
      %mul3A_482 = arith.mulf %mul3A_481, %bitcast3A_476 : vector<16xf32>
      %add3A_483 = arith.addf %get3A_57, %mul3A_482 : vector<16xf32>
      %mul3A_484 = vector.broadcast %squeeze3A_378 : f32 to vector<16xf32>
      %mul3A_485 = arith.mulf %mul3A_484, %bitcast3A_480 : vector<16xf32>
      %add3A_486 = arith.addf %get3A_59, %mul3A_485 : vector<16xf32>
      %get3A_487 = arith.constant 1 : i32
      %get3A_488 = arith.index_cast %get3A_487 : i32 to index
      %get3A_489 = arith.constant 96 : index
      %get3A_490 = tpu.vector_load %arg19[%get3A_488, %get3A_489] {strides = array<i32>} : memref<4x128xi32, #tpu.memory_space<vmem>>, vector<16xi32>,
      %shift_left3A_491 = arith.constant 16 : i32
      %shift_left3A_492 = vector.broadcast %shift_left3A_491 : i32 to vector<16xi32>
      %shift_left3A_493 = arith.shli %get3A_490, %shift_left3A_492 : vector<16xi32>
      %bitcast3A_494 = vector.bitcast %shift_left3A_493 : vector<16xi32> to vector<16xf32>
      %and3A_495 = arith.constant -65536 : i32
      %and3A_496 = vector.broadcast %and3A_495 : i32 to vector<16xi32>
      %and3A_497 = arith.andi %get3A_490, %and3A_496 : vector<16xi32>
      %bitcast3A_498 = vector.bitcast %and3A_497 : vector<16xi32> to vector<16xf32>
      %mul3A_499 = vector.broadcast %squeeze3A_378 : f32 to vector<16xf32>
      %mul3A_500 = arith.mulf %mul3A_499, %bitcast3A_494 : vector<16xf32>
      %add3A_501 = arith.addf %get3A_61, %mul3A_500 : vector<16xf32>
      %mul3A_502 = vector.broadcast %squeeze3A_378 : f32 to vector<16xf32>
      %mul3A_503 = arith.mulf %mul3A_502, %bitcast3A_498 : vector<16xf32>
      %add3A_504 = arith.addf %get3A_63, %mul3A_503 : vector<16xf32>
      %get3A_505 = arith.constant 1 : i32
      %get3A_506 = arith.index_cast %get3A_505 : i32 to index
      %get3A_507 = arith.constant 112 : index
      %get3A_508 = tpu.vector_load %arg19[%get3A_506, %get3A_507] {strides = array<i32>} : memref<4x128xi32, #tpu.memory_space<vmem>>, vector<16xi32>,
      %shift_left3A_509 = arith.constant 16 : i32
      %shift_left3A_510 = vector.broadcast %shift_left3A_509 : i32 to vector<16xi32>
      %shift_left3A_511 = arith.shli %get3A_508, %shift_left3A_510 : vector<16xi32>
      %bitcast3A_512 = vector.bitcast %shift_left3A_511 : vector<16xi32> to vector<16xf32>
      %and3A_513 = arith.constant -65536 : i32
      %and3A_514 = vector.broadcast %and3A_513 : i32 to vector<16xi32>
      %and3A_515 = arith.andi %get3A_508, %and3A_514 : vector<16xi32>
      %bitcast3A_516 = vector.bitcast %and3A_515 : vector<16xi32> to vector<16xf32>
      %mul3A_517 = vector.broadcast %squeeze3A_378 : f32 to vector<16xf32>
      %mul3A_518 = arith.mulf %mul3A_517, %bitcast3A_512 : vector<16xf32>
      %add3A_519 = arith.addf %get3A_65, %mul3A_518 : vector<16xf32>
      %mul3A_520 = vector.broadcast %squeeze3A_378 : f32 to vector<16xf32>
      %mul3A_521 = arith.mulf %mul3A_520, %bitcast3A_516 : vector<16xf32>
      %add3A_522 = arith.addf %get3A_67, %mul3A_521 : vector<16xf32>
      %swap3A_523 = arith.constant 1 : i32
      %swap3A_524 = arith.index_cast %swap3A_523 : i32 to index
      %swap3A_525 = arith.constant 0 : index
      %swap3A_526 = tpu.vector_load %arg21[%swap3A_524, %swap3A_525] {strides = array<i32>} : memref<4x256xf32, #tpu.memory_space<vmem>>, vector<16xf32>,
      tpu.vector_store %arg21[%swap3A_524, %swap3A_525], %add3A_393 {strides = array<i32>} : memref<4x256xf32, #tpu.memory_space<vmem>>, vector<16xf32>,
      %swap3A_527 = arith.constant 1 : i32
      %swap3A_528 = arith.index_cast %swap3A_527 : i32 to index
      %swap3A_529 = arith.constant 16 : index
      %swap3A_530 = tpu.vector_load %arg21[%swap3A_528, %swap3A_529] {strides = array<i32>} : memref<4x256xf32, #tpu.memory_space<vmem>>, vector<16xf32>,
      tpu.vector_store %arg21[%swap3A_528, %swap3A_529], %add3A_396 {strides = array<i32>} : memref<4x256xf32, #tpu.memory_space<vmem>>, vector<16xf32>,
      %swap3A_531 = arith.constant 1 : i32
      %swap3A_532 = arith.index_cast %swap3A_531 : i32 to index
      %swap3A_533 = arith.constant 32 : index
      %swap3A_534 = tpu.vector_load %arg21[%swap3A_532, %swap3A_533] {strides = array<i32>} : memref<4x256xf32, #tpu.memory_space<vmem>>, vector<16xf32>,
      tpu.vector_store %arg21[%swap3A_532, %swap3A_533], %add3A_411 {strides = array<i32>} : memref<4x256xf32, #tpu.memory_space<vmem>>, vector<16xf32>,
      %swap3A_535 = arith.constant 1 : i32
      %swap3A_536 = arith.index_cast %swap3A_535 : i32 to index
      %swap3A_537 = arith.constant 48 : index
      %swap3A_538 = tpu.vector_load %arg21[%swap3A_536, %swap3A_537] {strides = array<i32>} : memref<4x256xf32, #tpu.memory_space<vmem>>, vector<16xf32>,
      tpu.vector_store %arg21[%swap3A_536, %swap3A_537], %add3A_414 {strides = array<i32>} : memref<4x256xf32, #tpu.memory_space<vmem>>, vector<16xf32>,
      %swap3A_539 = arith.constant 1 : i32
      %swap3A_540 = arith.index_cast %swap3A_539 : i32 to index
      %swap3A_541 = arith.constant 64 : index
      %swap3A_542 = tpu.vector_load %arg21[%swap3A_540, %swap3A_541] {strides = array<i32>} : memref<4x256xf32, #tpu.memory_space<vmem>>, vector<16xf32>,
      tpu.vector_store %arg21[%swap3A_540, %swap3A_541], %add3A_429 {strides = array<i32>} : memref<4x256xf32, #tpu.memory_space<vmem>>, vector<16xf32>,
      %swap3A_543 = arith.constant 1 : i32
      %swap3A_544 = arith.index_cast %swap3A_543 : i32 to index
      %swap3A_545 = arith.constant 80 : index
      %swap3A_546 = tpu.vector_load %arg21[%swap3A_544, %swap3A_545] {strides = array<i32>} : memref<4x256xf32, #tpu.memory_space<vmem>>, vector<16xf32>,
      tpu.vector_store %arg21[%swap3A_544, %swap3A_545], %add3A_432 {strides = array<i32>} : memref<4x256xf32, #tpu.memory_space<vmem>>, vector<16xf32>,
      %swap3A_547 = arith.constant 1 : i32
      %swap3A_548 = arith.index_cast %swap3A_547 : i32 to index
      %swap3A_549 = arith.constant 96 : index
      %swap3A_550 = tpu.vector_load %arg21[%swap3A_548, %swap3A_549] {strides = array<i32>} : memref<4x256xf32, #tpu.memory_space<vmem>>, vector<16xf32>,
      tpu.vector_store %arg21[%swap3A_548, %swap3A_549], %add3A_447 {strides = array<i32>} : memref<4x256xf32, #tpu.memory_space<vmem>>, vector<16xf32>,
      %swap3A_551 = arith.constant 1 : i32
      %swap3A_552 = arith.index_cast %swap3A_551 : i32 to index
      %swap3A_553 = arith.constant 112 : index
      %swap3A_554 = tpu.vector_load %arg21[%swap3A_552, %swap3A_553] {strides = array<i32>} : memref<4x256xf32, #tpu.memory_space<vmem>>, vector<16xf32>,
      tpu.vector_store %arg21[%swap3A_552, %swap3A_553], %add3A_450 {strides = array<i32>} : memref<4x256xf32, #tpu.memory_space<vmem>>, vector<16xf32>,
      %swap3A_555 = arith.constant 1 : i32
      %swap3A_556 = arith.index_cast %swap3A_555 : i32 to index
      %swap3A_557 = arith.constant 128 : index
      %swap3A_558 = tpu.vector_load %arg21[%swap3A_556, %swap3A_557] {strides = array<i32>} : memref<4x256xf32, #tpu.memory_space<vmem>>, vector<16xf32>,
      tpu.vector_store %arg21[%swap3A_556, %swap3A_557], %add3A_465 {strides = array<i32>} : memref<4x256xf32, #tpu.memory_space<vmem>>, vector<16xf32>,
      %swap3A_559 = arith.constant 1 : i32
      %swap3A_560 = arith.index_cast %swap3A_559 : i32 to index
      %swap3A_561 = arith.constant 144 : index
      %swap3A_562 = tpu.vector_load %arg21[%swap3A_560, %swap3A_561] {strides = array<i32>} : memref<4x256xf32, #tpu.memory_space<vmem>>, vector<16xf32>,
      tpu.vector_store %arg21[%swap3A_560, %swap3A_561], %add3A_468 {strides = array<i32>} : memref<4x256xf32, #tpu.memory_space<vmem>>, vector<16xf32>,
      %swap3A_563 = arith.constant 1 : i32
      %swap3A_564 = arith.index_cast %swap3A_563 : i32 to index
      %swap3A_565 = arith.constant 160 : index
      %swap3A_566 = tpu.vector_load %arg21[%swap3A_564, %swap3A_565] {strides = array<i32>} : memref<4x256xf32, #tpu.memory_space<vmem>>, vector<16xf32>,
      tpu.vector_store %arg21[%swap3A_564, %swap3A_565], %add3A_483 {strides = array<i32>} : memref<4x256xf32, #tpu.memory_space<vmem>>, vector<16xf32>,
      %swap3A_567 = arith.constant 1 : i32
      %swap3A_568 = arith.index_cast %swap3A_567 : i32 to index
      %swap3A_569 = arith.constant 176 : index
      %swap3A_570 = tpu.vector_load %arg21[%swap3A_568, %swap3A_569] {strides = array<i32>} : memref<4x256xf32, #tpu.memory_space<vmem>>, vector<16xf32>,
      tpu.vector_store %arg21[%swap3A_568, %swap3A_569], %add3A_486 {strides = array<i32>} : memref<4x256xf32, #tpu.memory_space<vmem>>, vector<16xf32>,
      %swap3A_571 = arith.constant 1 : i32
      %swap3A_572 = arith.index_cast %swap3A_571 : i32 to index
      %swap3A_573 = arith.constant 192 : index
      %swap3A_574 = tpu.vector_load %arg21[%swap3A_572, %swap3A_573] {strides = array<i32>} : memref<4x256xf32, #tpu.memory_space<vmem>>, vector<16xf32>,
      tpu.vector_store %arg21[%swap3A_572, %swap3A_573], %add3A_501 {strides = array<i32>} : memref<4x256xf32, #tpu.memory_space<vmem>>, vector<16xf32>,
      %swap3A_575 = arith.constant 1 : i32
      %swap3A_576 = arith.index_cast %swap3A_575 : i32 to index
      %swap3A_577 = arith.constant 208 : index
      %swap3A_578 = tpu.vector_load %arg21[%swap3A_576, %swap3A_577] {strides = array<i32>} : memref<4x256xf32, #tpu.memory_space<vmem>>, vector<16xf32>,
      tpu.vector_store %arg21[%swap3A_576, %swap3A_577], %add3A_504 {strides = array<i32>} : memref<4x256xf32, #tpu.memory_space<vmem>>, vector<16xf32>,
      %swap3A_579 = arith.constant 1 : i32
      %swap3A_580 = arith.index_cast %swap3A_579 : i32 to index
      %swap3A_581 = arith.constant 224 : index
      %swap3A_582 = tpu.vector_load %arg21[%swap3A_580, %swap3A_581] {strides = array<i32>} : memref<4x256xf32, #tpu.memory_space<vmem>>, vector<16xf32>,
      tpu.vector_store %arg21[%swap3A_580, %swap3A_581], %add3A_519 {strides = array<i32>} : memref<4x256xf32, #tpu.memory_space<vmem>>, vector<16xf32>,
      %swap3A_583 = arith.constant 1 : i32
      %swap3A_584 = arith.index_cast %swap3A_583 : i32 to index
      %swap3A_585 = arith.constant 240 : index
      %swap3A_586 = tpu.vector_load %arg21[%swap3A_584, %swap3A_585] {strides = array<i32>} : memref<4x256xf32, #tpu.memory_space<vmem>>, vector<16xf32>,
      tpu.vector_store %arg21[%swap3A_584, %swap3A_585], %add3A_522 {strides = array<i32>} : memref<4x256xf32, #tpu.memory_space<vmem>>, vector<16xf32>,
      %add3A_587 = arith.addi %mul3A_107, %mul3A_123 : i32
      %add3A_588 = arith.constant 2 : i32
      %add3A_589 = arith.addi %add3A_587, %add3A_588 : i32
      %add3A_590 = vector.broadcast %add3A_589 : i32 to vector<16xi32>
      %add3A_591 = arith.addi %mul3A_141, %add3A_590 : vector<16xi32>
      %gather3A_592 = tpu.vector_load_idx %arg15[%add3A_591] : memref<5440xf32, #tpu.memory_space<vmem>>[vector<16xi32>], vector<16xf32>,
      %broadcast_in_dim3A_593 = arith.constant 0 : i32
      %broadcast_in_dim3A_594 = vector.broadcast %broadcast_in_dim3A_593 : i32 to vector<16xi32>
      %add3A_595 = arith.constant 256 : i32
      %add3A_596 = arith.addi %mul3A_107, %add3A_595 : i32
      %add3A_597 = arith.addi %add3A_596, %mul3A_123 : i32
      %add3A_598 = arith.constant 2 : i32
      %add3A_599 = arith.addi %add3A_597, %add3A_598 : i32
      %add3A_600 = vector.broadcast %add3A_599 : i32 to vector<16xi32>
      %add3A_601 = arith.addi %broadcast_in_dim3A_594, %add3A_600 : vector<16xi32>
      %gather3A_602 = tpu.vector_load_idx %arg15[%add3A_601] : memref<5440xf32, #tpu.memory_space<vmem>>[vector<16xi32>], vector<16xf32>,
      %slice3A_603 = vector.extract_strided_slice %gather3A_602 {offsets = [0], sizes = [1], strides = [1]} : vector<16xf32> to vector<1xf32>
      %squeeze3A_604 = vector.extract %slice3A_603[0] : f32 from vector<1xf32>
      %get3A_605 = arith.constant 2 : i32
      %get3A_606 = arith.index_cast %get3A_605 : i32 to index
      %get3A_607 = arith.constant 0 : index
      %get3A_608 = tpu.vector_load %arg19[%get3A_606, %get3A_607] {strides = array<i32>} : memref<4x128xi32, #tpu.memory_space<vmem>>, vector<16xi32>,
      %shift_left3A_609 = arith.constant 16 : i32
      %shift_left3A_610 = vector.broadcast %shift_left3A_609 : i32 to vector<16xi32>
      %shift_left3A_611 = arith.shli %get3A_608, %shift_left3A_610 : vector<16xi32>
      %bitcast3A_612 = vector.bitcast %shift_left3A_611 : vector<16xi32> to vector<16xf32>
      %and3A_613 = arith.constant -65536 : i32
      %and3A_614 = vector.broadcast %and3A_613 : i32 to vector<16xi32>
      %and3A_615 = arith.andi %get3A_608, %and3A_614 : vector<16xi32>
      %bitcast3A_616 = vector.bitcast %and3A_615 : vector<16xi32> to vector<16xf32>
      %mul3A_617 = vector.broadcast %squeeze3A_604 : f32 to vector<16xf32>
      %mul3A_618 = arith.mulf %mul3A_617, %bitcast3A_612 : vector<16xf32>
      %add3A_619 = arith.addf %get3A_37, %mul3A_618 : vector<16xf32>
      %mul3A_620 = vector.broadcast %squeeze3A_604 : f32 to vector<16xf32>
      %mul3A_621 = arith.mulf %mul3A_620, %bitcast3A_616 : vector<16xf32>
      %add3A_622 = arith.addf %get3A_39, %mul3A_621 : vector<16xf32>
      %get3A_623 = arith.constant 2 : i32
      %get3A_624 = arith.index_cast %get3A_623 : i32 to index
      %get3A_625 = arith.constant 16 : index
      %get3A_626 = tpu.vector_load %arg19[%get3A_624, %get3A_625] {strides = array<i32>} : memref<4x128xi32, #tpu.memory_space<vmem>>, vector<16xi32>,
      %shift_left3A_627 = arith.constant 16 : i32
      %shift_left3A_628 = vector.broadcast %shift_left3A_627 : i32 to vector<16xi32>
      %shift_left3A_629 = arith.shli %get3A_626, %shift_left3A_628 : vector<16xi32>
      %bitcast3A_630 = vector.bitcast %shift_left3A_629 : vector<16xi32> to vector<16xf32>
      %and3A_631 = arith.constant -65536 : i32
      %and3A_632 = vector.broadcast %and3A_631 : i32 to vector<16xi32>
      %and3A_633 = arith.andi %get3A_626, %and3A_632 : vector<16xi32>
      %bitcast3A_634 = vector.bitcast %and3A_633 : vector<16xi32> to vector<16xf32>
      %mul3A_635 = vector.broadcast %squeeze3A_604 : f32 to vector<16xf32>
      %mul3A_636 = arith.mulf %mul3A_635, %bitcast3A_630 : vector<16xf32>
      %add3A_637 = arith.addf %get3A_41, %mul3A_636 : vector<16xf32>
      %mul3A_638 = vector.broadcast %squeeze3A_604 : f32 to vector<16xf32>
      %mul3A_639 = arith.mulf %mul3A_638, %bitcast3A_634 : vector<16xf32>
      %add3A_640 = arith.addf %get3A_43, %mul3A_639 : vector<16xf32>
      %get3A_641 = arith.constant 2 : i32
      %get3A_642 = arith.index_cast %get3A_641 : i32 to index
      %get3A_643 = arith.constant 32 : index
      %get3A_644 = tpu.vector_load %arg19[%get3A_642, %get3A_643] {strides = array<i32>} : memref<4x128xi32, #tpu.memory_space<vmem>>, vector<16xi32>,
      %shift_left3A_645 = arith.constant 16 : i32
      %shift_left3A_646 = vector.broadcast %shift_left3A_645 : i32 to vector<16xi32>
      %shift_left3A_647 = arith.shli %get3A_644, %shift_left3A_646 : vector<16xi32>
      %bitcast3A_648 = vector.bitcast %shift_left3A_647 : vector<16xi32> to vector<16xf32>
      %and3A_649 = arith.constant -65536 : i32
      %and3A_650 = vector.broadcast %and3A_649 : i32 to vector<16xi32>
      %and3A_651 = arith.andi %get3A_644, %and3A_650 : vector<16xi32>
      %bitcast3A_652 = vector.bitcast %and3A_651 : vector<16xi32> to vector<16xf32>
      %mul3A_653 = vector.broadcast %squeeze3A_604 : f32 to vector<16xf32>
      %mul3A_654 = arith.mulf %mul3A_653, %bitcast3A_648 : vector<16xf32>
      %add3A_655 = arith.addf %get3A_45, %mul3A_654 : vector<16xf32>
      %mul3A_656 = vector.broadcast %squeeze3A_604 : f32 to vector<16xf32>
      %mul3A_657 = arith.mulf %mul3A_656, %bitcast3A_652 : vector<16xf32>
      %add3A_658 = arith.addf %get3A_47, %mul3A_657 : vector<16xf32>
      %get3A_659 = arith.constant 2 : i32
      %get3A_660 = arith.index_cast %get3A_659 : i32 to index
      %get3A_661 = arith.constant 48 : index
      %get3A_662 = tpu.vector_load %arg19[%get3A_660, %get3A_661] {strides = array<i32>} : memref<4x128xi32, #tpu.memory_space<vmem>>, vector<16xi32>,
      %shift_left3A_663 = arith.constant 16 : i32
      %shift_left3A_664 = vector.broadcast %shift_left3A_663 : i32 to vector<16xi32>
      %shift_left3A_665 = arith.shli %get3A_662, %shift_left3A_664 : vector<16xi32>
      %bitcast3A_666 = vector.bitcast %shift_left3A_665 : vector<16xi32> to vector<16xf32>
      %and3A_667 = arith.constant -65536 : i32
      %and3A_668 = vector.broadcast %and3A_667 : i32 to vector<16xi32>
      %and3A_669 = arith.andi %get3A_662, %and3A_668 : vector<16xi32>
      %bitcast3A_670 = vector.bitcast %and3A_669 : vector<16xi32> to vector<16xf32>
      %mul3A_671 = vector.broadcast %squeeze3A_604 : f32 to vector<16xf32>
      %mul3A_672 = arith.mulf %mul3A_671, %bitcast3A_666 : vector<16xf32>
      %add3A_673 = arith.addf %get3A_49, %mul3A_672 : vector<16xf32>
      %mul3A_674 = vector.broadcast %squeeze3A_604 : f32 to vector<16xf32>
      %mul3A_675 = arith.mulf %mul3A_674, %bitcast3A_670 : vector<16xf32>
      %add3A_676 = arith.addf %get3A_51, %mul3A_675 : vector<16xf32>
      %get3A_677 = arith.constant 2 : i32
      %get3A_678 = arith.index_cast %get3A_677 : i32 to index
      %get3A_679 = arith.constant 64 : index
      %get3A_680 = tpu.vector_load %arg19[%get3A_678, %get3A_679] {strides = array<i32>} : memref<4x128xi32, #tpu.memory_space<vmem>>, vector<16xi32>,
      %shift_left3A_681 = arith.constant 16 : i32
      %shift_left3A_682 = vector.broadcast %shift_left3A_681 : i32 to vector<16xi32>
      %shift_left3A_683 = arith.shli %get3A_680, %shift_left3A_682 : vector<16xi32>
      %bitcast3A_684 = vector.bitcast %shift_left3A_683 : vector<16xi32> to vector<16xf32>
      %and3A_685 = arith.constant -65536 : i32
      %and3A_686 = vector.broadcast %and3A_685 : i32 to vector<16xi32>
      %and3A_687 = arith.andi %get3A_680, %and3A_686 : vector<16xi32>
      %bitcast3A_688 = vector.bitcast %and3A_687 : vector<16xi32> to vector<16xf32>
      %mul3A_689 = vector.broadcast %squeeze3A_604 : f32 to vector<16xf32>
      %mul3A_690 = arith.mulf %mul3A_689, %bitcast3A_684 : vector<16xf32>
      %add3A_691 = arith.addf %get3A_53, %mul3A_690 : vector<16xf32>
      %mul3A_692 = vector.broadcast %squeeze3A_604 : f32 to vector<16xf32>
      %mul3A_693 = arith.mulf %mul3A_692, %bitcast3A_688 : vector<16xf32>
      %add3A_694 = arith.addf %get3A_55, %mul3A_693 : vector<16xf32>
      %get3A_695 = arith.constant 2 : i32
      %get3A_696 = arith.index_cast %get3A_695 : i32 to index
      %get3A_697 = arith.constant 80 : index
      %get3A_698 = tpu.vector_load %arg19[%get3A_696, %get3A_697] {strides = array<i32>} : memref<4x128xi32, #tpu.memory_space<vmem>>, vector<16xi32>,
      %shift_left3A_699 = arith.constant 16 : i32
      %shift_left3A_700 = vector.broadcast %shift_left3A_699 : i32 to vector<16xi32>
      %shift_left3A_701 = arith.shli %get3A_698, %shift_left3A_700 : vector<16xi32>
      %bitcast3A_702 = vector.bitcast %shift_left3A_701 : vector<16xi32> to vector<16xf32>
      %and3A_703 = arith.constant -65536 : i32
      %and3A_704 = vector.broadcast %and3A_703 : i32 to vector<16xi32>
      %and3A_705 = arith.andi %get3A_698, %and3A_704 : vector<16xi32>
      %bitcast3A_706 = vector.bitcast %and3A_705 : vector<16xi32> to vector<16xf32>
      %mul3A_707 = vector.broadcast %squeeze3A_604 : f32 to vector<16xf32>
      %mul3A_708 = arith.mulf %mul3A_707, %bitcast3A_702 : vector<16xf32>
      %add3A_709 = arith.addf %get3A_57, %mul3A_708 : vector<16xf32>
      %mul3A_710 = vector.broadcast %squeeze3A_604 : f32 to vector<16xf32>
      %mul3A_711 = arith.mulf %mul3A_710, %bitcast3A_706 : vector<16xf32>
      %add3A_712 = arith.addf %get3A_59, %mul3A_711 : vector<16xf32>
      %get3A_713 = arith.constant 2 : i32
      %get3A_714 = arith.index_cast %get3A_713 : i32 to index
      %get3A_715 = arith.constant 96 : index
      %get3A_716 = tpu.vector_load %arg19[%get3A_714, %get3A_715] {strides = array<i32>} : memref<4x128xi32, #tpu.memory_space<vmem>>, vector<16xi32>,
      %shift_left3A_717 = arith.constant 16 : i32
      %shift_left3A_718 = vector.broadcast %shift_left3A_717 : i32 to vector<16xi32>
      %shift_left3A_719 = arith.shli %get3A_716, %shift_left3A_718 : vector<16xi32>
      %bitcast3A_720 = vector.bitcast %shift_left3A_719 : vector<16xi32> to vector<16xf32>
      %and3A_721 = arith.constant -65536 : i32
      %and3A_722 = vector.broadcast %and3A_721 : i32 to vector<16xi32>
      %and3A_723 = arith.andi %get3A_716, %and3A_722 : vector<16xi32>
      %bitcast3A_724 = vector.bitcast %and3A_723 : vector<16xi32> to vector<16xf32>
      %mul3A_725 = vector.broadcast %squeeze3A_604 : f32 to vector<16xf32>
      %mul3A_726 = arith.mulf %mul3A_725, %bitcast3A_720 : vector<16xf32>
      %add3A_727 = arith.addf %get3A_61, %mul3A_726 : vector<16xf32>
      %mul3A_728 = vector.broadcast %squeeze3A_604 : f32 to vector<16xf32>
      %mul3A_729 = arith.mulf %mul3A_728, %bitcast3A_724 : vector<16xf32>
      %add3A_730 = arith.addf %get3A_63, %mul3A_729 : vector<16xf32>
      %get3A_731 = arith.constant 2 : i32
      %get3A_732 = arith.index_cast %get3A_731 : i32 to index
      %get3A_733 = arith.constant 112 : index
      %get3A_734 = tpu.vector_load %arg19[%get3A_732, %get3A_733] {strides = array<i32>} : memref<4x128xi32, #tpu.memory_space<vmem>>, vector<16xi32>,
      %shift_left3A_735 = arith.constant 16 : i32
      %shift_left3A_736 = vector.broadcast %shift_left3A_735 : i32 to vector<16xi32>
      %shift_left3A_737 = arith.shli %get3A_734, %shift_left3A_736 : vector<16xi32>
      %bitcast3A_738 = vector.bitcast %shift_left3A_737 : vector<16xi32> to vector<16xf32>
      %and3A_739 = arith.constant -65536 : i32
      %and3A_740 = vector.broadcast %and3A_739 : i32 to vector<16xi32>
      %and3A_741 = arith.andi %get3A_734, %and3A_740 : vector<16xi32>
      %bitcast3A_742 = vector.bitcast %and3A_741 : vector<16xi32> to vector<16xf32>
      %mul3A_743 = vector.broadcast %squeeze3A_604 : f32 to vector<16xf32>
      %mul3A_744 = arith.mulf %mul3A_743, %bitcast3A_738 : vector<16xf32>
      %add3A_745 = arith.addf %get3A_65, %mul3A_744 : vector<16xf32>
      %mul3A_746 = vector.broadcast %squeeze3A_604 : f32 to vector<16xf32>
      %mul3A_747 = arith.mulf %mul3A_746, %bitcast3A_742 : vector<16xf32>
      %add3A_748 = arith.addf %get3A_67, %mul3A_747 : vector<16xf32>
      %swap3A_749 = arith.constant 2 : i32
      %swap3A_750 = arith.index_cast %swap3A_749 : i32 to index
      %swap3A_751 = arith.constant 0 : index
      %swap3A_752 = tpu.vector_load %arg21[%swap3A_750, %swap3A_751] {strides = array<i32>} : memref<4x256xf32, #tpu.memory_space<vmem>>, vector<16xf32>,
      tpu.vector_store %arg21[%swap3A_750, %swap3A_751], %add3A_619 {strides = array<i32>} : memref<4x256xf32, #tpu.memory_space<vmem>>, vector<16xf32>,
      %swap3A_753 = arith.constant 2 : i32
      %swap3A_754 = arith.index_cast %swap3A_753 : i32 to index
      %swap3A_755 = arith.constant 16 : index
      %swap3A_756 = tpu.vector_load %arg21[%swap3A_754, %swap3A_755] {strides = array<i32>} : memref<4x256xf32, #tpu.memory_space<vmem>>, vector<16xf32>,
      tpu.vector_store %arg21[%swap3A_754, %swap3A_755], %add3A_622 {strides = array<i32>} : memref<4x256xf32, #tpu.memory_space<vmem>>, vector<16xf32>,
      %swap3A_757 = arith.constant 2 : i32
      %swap3A_758 = arith.index_cast %swap3A_757 : i32 to index
      %swap3A_759 = arith.constant 32 : index
      %swap3A_760 = tpu.vector_load %arg21[%swap3A_758, %swap3A_759] {strides = array<i32>} : memref<4x256xf32, #tpu.memory_space<vmem>>, vector<16xf32>,
      tpu.vector_store %arg21[%swap3A_758, %swap3A_759], %add3A_637 {strides = array<i32>} : memref<4x256xf32, #tpu.memory_space<vmem>>, vector<16xf32>,
      %swap3A_761 = arith.constant 2 : i32
      %swap3A_762 = arith.index_cast %swap3A_761 : i32 to index
      %swap3A_763 = arith.constant 48 : index
      %swap3A_764 = tpu.vector_load %arg21[%swap3A_762, %swap3A_763] {strides = array<i32>} : memref<4x256xf32, #tpu.memory_space<vmem>>, vector<16xf32>,
      tpu.vector_store %arg21[%swap3A_762, %swap3A_763], %add3A_640 {strides = array<i32>} : memref<4x256xf32, #tpu.memory_space<vmem>>, vector<16xf32>,
      %swap3A_765 = arith.constant 2 : i32
      %swap3A_766 = arith.index_cast %swap3A_765 : i32 to index
      %swap3A_767 = arith.constant 64 : index
      %swap3A_768 = tpu.vector_load %arg21[%swap3A_766, %swap3A_767] {strides = array<i32>} : memref<4x256xf32, #tpu.memory_space<vmem>>, vector<16xf32>,
      tpu.vector_store %arg21[%swap3A_766, %swap3A_767], %add3A_655 {strides = array<i32>} : memref<4x256xf32, #tpu.memory_space<vmem>>, vector<16xf32>,
      %swap3A_769 = arith.constant 2 : i32
      %swap3A_770 = arith.index_cast %swap3A_769 : i32 to index
      %swap3A_771 = arith.constant 80 : index
      %swap3A_772 = tpu.vector_load %arg21[%swap3A_770, %swap3A_771] {strides = array<i32>} : memref<4x256xf32, #tpu.memory_space<vmem>>, vector<16xf32>,
      tpu.vector_store %arg21[%swap3A_770, %swap3A_771], %add3A_658 {strides = array<i32>} : memref<4x256xf32, #tpu.memory_space<vmem>>, vector<16xf32>,
      %swap3A_773 = arith.constant 2 : i32
      %swap3A_774 = arith.index_cast %swap3A_773 : i32 to index
      %swap3A_775 = arith.constant 96 : index
      %swap3A_776 = tpu.vector_load %arg21[%swap3A_774, %swap3A_775] {strides = array<i32>} : memref<4x256xf32, #tpu.memory_space<vmem>>, vector<16xf32>,
      tpu.vector_store %arg21[%swap3A_774, %swap3A_775], %add3A_673 {strides = array<i32>} : memref<4x256xf32, #tpu.memory_space<vmem>>, vector<16xf32>,
      %swap3A_777 = arith.constant 2 : i32
      %swap3A_778 = arith.index_cast %swap3A_777 : i32 to index
      %swap3A_779 = arith.constant 112 : index
      %swap3A_780 = tpu.vector_load %arg21[%swap3A_778, %swap3A_779] {strides = array<i32>} : memref<4x256xf32, #tpu.memory_space<vmem>>, vector<16xf32>,
      tpu.vector_store %arg21[%swap3A_778, %swap3A_779], %add3A_676 {strides = array<i32>} : memref<4x256xf32, #tpu.memory_space<vmem>>, vector<16xf32>,
      %swap3A_781 = arith.constant 2 : i32
      %swap3A_782 = arith.index_cast %swap3A_781 : i32 to index
      %swap3A_783 = arith.constant 128 : index
      %swap3A_784 = tpu.vector_load %arg21[%swap3A_782, %swap3A_783] {strides = array<i32>} : memref<4x256xf32, #tpu.memory_space<vmem>>, vector<16xf32>,
      tpu.vector_store %arg21[%swap3A_782, %swap3A_783], %add3A_691 {strides = array<i32>} : memref<4x256xf32, #tpu.memory_space<vmem>>, vector<16xf32>,
      %swap3A_785 = arith.constant 2 : i32
      %swap3A_786 = arith.index_cast %swap3A_785 : i32 to index
      %swap3A_787 = arith.constant 144 : index
      %swap3A_788 = tpu.vector_load %arg21[%swap3A_786, %swap3A_787] {strides = array<i32>} : memref<4x256xf32, #tpu.memory_space<vmem>>, vector<16xf32>,
      tpu.vector_store %arg21[%swap3A_786, %swap3A_787], %add3A_694 {strides = array<i32>} : memref<4x256xf32, #tpu.memory_space<vmem>>, vector<16xf32>,
      %swap3A_789 = arith.constant 2 : i32
      %swap3A_790 = arith.index_cast %swap3A_789 : i32 to index
      %swap3A_791 = arith.constant 160 : index
      %swap3A_792 = tpu.vector_load %arg21[%swap3A_790, %swap3A_791] {strides = array<i32>} : memref<4x256xf32, #tpu.memory_space<vmem>>, vector<16xf32>,
      tpu.vector_store %arg21[%swap3A_790, %swap3A_791], %add3A_709 {strides = array<i32>} : memref<4x256xf32, #tpu.memory_space<vmem>>, vector<16xf32>,
      %swap3A_793 = arith.constant 2 : i32
      %swap3A_794 = arith.index_cast %swap3A_793 : i32 to index
      %swap3A_795 = arith.constant 176 : index
      %swap3A_796 = tpu.vector_load %arg21[%swap3A_794, %swap3A_795] {strides = array<i32>} : memref<4x256xf32, #tpu.memory_space<vmem>>, vector<16xf32>,
      tpu.vector_store %arg21[%swap3A_794, %swap3A_795], %add3A_712 {strides = array<i32>} : memref<4x256xf32, #tpu.memory_space<vmem>>, vector<16xf32>,
      %swap3A_797 = arith.constant 2 : i32
      %swap3A_798 = arith.index_cast %swap3A_797 : i32 to index
      %swap3A_799 = arith.constant 192 : index
      %swap3A_800 = tpu.vector_load %arg21[%swap3A_798, %swap3A_799] {strides = array<i32>} : memref<4x256xf32, #tpu.memory_space<vmem>>, vector<16xf32>,
      tpu.vector_store %arg21[%swap3A_798, %swap3A_799], %add3A_727 {strides = array<i32>} : memref<4x256xf32, #tpu.memory_space<vmem>>, vector<16xf32>,
      %swap3A_801 = arith.constant 2 : i32
      %swap3A_802 = arith.index_cast %swap3A_801 : i32 to index
      %swap3A_803 = arith.constant 208 : index
      %swap3A_804 = tpu.vector_load %arg21[%swap3A_802, %swap3A_803] {strides = array<i32>} : memref<4x256xf32, #tpu.memory_space<vmem>>, vector<16xf32>,
      tpu.vector_store %arg21[%swap3A_802, %swap3A_803], %add3A_730 {strides = array<i32>} : memref<4x256xf32, #tpu.memory_space<vmem>>, vector<16xf32>,
      %swap3A_805 = arith.constant 2 : i32
      %swap3A_806 = arith.index_cast %swap3A_805 : i32 to index
      %swap3A_807 = arith.constant 224 : index
      %swap3A_808 = tpu.vector_load %arg21[%swap3A_806, %swap3A_807] {strides = array<i32>} : memref<4x256xf32, #tpu.memory_space<vmem>>, vector<16xf32>,
      tpu.vector_store %arg21[%swap3A_806, %swap3A_807], %add3A_745 {strides = array<i32>} : memref<4x256xf32, #tpu.memory_space<vmem>>, vector<16xf32>,
      %swap3A_809 = arith.constant 2 : i32
      %swap3A_810 = arith.index_cast %swap3A_809 : i32 to index
      %swap3A_811 = arith.constant 240 : index
      %swap3A_812 = tpu.vector_load %arg21[%swap3A_810, %swap3A_811] {strides = array<i32>} : memref<4x256xf32, #tpu.memory_space<vmem>>, vector<16xf32>,
      tpu.vector_store %arg21[%swap3A_810, %swap3A_811], %add3A_748 {strides = array<i32>} : memref<4x256xf32, #tpu.memory_space<vmem>>, vector<16xf32>,
      %add3A_813 = arith.addi %mul3A_107, %mul3A_123 : i32
      %add3A_814 = arith.constant 3 : i32
      %add3A_815 = arith.addi %add3A_813, %add3A_814 : i32
      %add3A_816 = vector.broadcast %add3A_815 : i32 to vector<16xi32>
      %add3A_817 = arith.addi %mul3A_141, %add3A_816 : vector<16xi32>
      %gather3A_818 = tpu.vector_load_idx %arg15[%add3A_817] : memref<5440xf32, #tpu.memory_space<vmem>>[vector<16xi32>], vector<16xf32>,
      %broadcast_in_dim3A_819 = arith.constant 0 : i32
      %broadcast_in_dim3A_820 = vector.broadcast %broadcast_in_dim3A_819 : i32 to vector<16xi32>
      %add3A_821 = arith.constant 256 : i32
      %add3A_822 = arith.addi %mul3A_107, %add3A_821 : i32
      %add3A_823 = arith.addi %add3A_822, %mul3A_123 : i32
      %add3A_824 = arith.constant 3 : i32
      %add3A_825 = arith.addi %add3A_823, %add3A_824 : i32
      %add3A_826 = vector.broadcast %add3A_825 : i32 to vector<16xi32>
      %add3A_827 = arith.addi %broadcast_in_dim3A_820, %add3A_826 : vector<16xi32>
      %gather3A_828 = tpu.vector_load_idx %arg15[%add3A_827] : memref<5440xf32, #tpu.memory_space<vmem>>[vector<16xi32>], vector<16xf32>,
      %slice3A_829 = vector.extract_strided_slice %gather3A_828 {offsets = [0], sizes = [1], strides = [1]} : vector<16xf32> to vector<1xf32>
      %squeeze3A_830 = vector.extract %slice3A_829[0] : f32 from vector<1xf32>
      %get3A_831 = arith.constant 3 : i32
      %get3A_832 = arith.index_cast %get3A_831 : i32 to index
      %get3A_833 = arith.constant 0 : index
      %get3A_834 = tpu.vector_load %arg19[%get3A_832, %get3A_833] {strides = array<i32>} : memref<4x128xi32, #tpu.memory_space<vmem>>, vector<16xi32>,
      %shift_left3A_835 = arith.constant 16 : i32
      %shift_left3A_836 = vector.broadcast %shift_left3A_835 : i32 to vector<16xi32>
      %shift_left3A_837 = arith.shli %get3A_834, %shift_left3A_836 : vector<16xi32>
      %bitcast3A_838 = vector.bitcast %shift_left3A_837 : vector<16xi32> to vector<16xf32>
      %and3A_839 = arith.constant -65536 : i32
      %and3A_840 = vector.broadcast %and3A_839 : i32 to vector<16xi32>
      %and3A_841 = arith.andi %get3A_834, %and3A_840 : vector<16xi32>
      %bitcast3A_842 = vector.bitcast %and3A_841 : vector<16xi32> to vector<16xf32>
      %mul3A_843 = vector.broadcast %squeeze3A_830 : f32 to vector<16xf32>
      %mul3A_844 = arith.mulf %mul3A_843, %bitcast3A_838 : vector<16xf32>
      %add3A_845 = arith.addf %get3A_37, %mul3A_844 : vector<16xf32>
      %mul3A_846 = vector.broadcast %squeeze3A_830 : f32 to vector<16xf32>
      %mul3A_847 = arith.mulf %mul3A_846, %bitcast3A_842 : vector<16xf32>
      %add3A_848 = arith.addf %get3A_39, %mul3A_847 : vector<16xf32>
      %get3A_849 = arith.constant 3 : i32
      %get3A_850 = arith.index_cast %get3A_849 : i32 to index
      %get3A_851 = arith.constant 16 : index
      %get3A_852 = tpu.vector_load %arg19[%get3A_850, %get3A_851] {strides = array<i32>} : memref<4x128xi32, #tpu.memory_space<vmem>>, vector<16xi32>,
      %shift_left3A_853 = arith.constant 16 : i32
      %shift_left3A_854 = vector.broadcast %shift_left3A_853 : i32 to vector<16xi32>
      %shift_left3A_855 = arith.shli %get3A_852, %shift_left3A_854 : vector<16xi32>
      %bitcast3A_856 = vector.bitcast %shift_left3A_855 : vector<16xi32> to vector<16xf32>
      %and3A_857 = arith.constant -65536 : i32
      %and3A_858 = vector.broadcast %and3A_857 : i32 to vector<16xi32>
      %and3A_859 = arith.andi %get3A_852, %and3A_858 : vector<16xi32>
      %bitcast3A_860 = vector.bitcast %and3A_859 : vector<16xi32> to vector<16xf32>
      %mul3A_861 = vector.broadcast %squeeze3A_830 : f32 to vector<16xf32>
      %mul3A_862 = arith.mulf %mul3A_861, %bitcast3A_856 : vector<16xf32>
      %add3A_863 = arith.addf %get3A_41, %mul3A_862 : vector<16xf32>
      %mul3A_864 = vector.broadcast %squeeze3A_830 : f32 to vector<16xf32>
      %mul3A_865 = arith.mulf %mul3A_864, %bitcast3A_860 : vector<16xf32>
      %add3A_866 = arith.addf %get3A_43, %mul3A_865 : vector<16xf32>
      %get3A_867 = arith.constant 3 : i32
      %get3A_868 = arith.index_cast %get3A_867 : i32 to index
      %get3A_869 = arith.constant 32 : index
      %get3A_870 = tpu.vector_load %arg19[%get3A_868, %get3A_869] {strides = array<i32>} : memref<4x128xi32, #tpu.memory_space<vmem>>, vector<16xi32>,
      %shift_left3A_871 = arith.constant 16 : i32
      %shift_left3A_872 = vector.broadcast %shift_left3A_871 : i32 to vector<16xi32>
      %shift_left3A_873 = arith.shli %get3A_870, %shift_left3A_872 : vector<16xi32>
      %bitcast3A_874 = vector.bitcast %shift_left3A_873 : vector<16xi32> to vector<16xf32>
      %and3A_875 = arith.constant -65536 : i32
      %and3A_876 = vector.broadcast %and3A_875 : i32 to vector<16xi32>
      %and3A_877 = arith.andi %get3A_870, %and3A_876 : vector<16xi32>
      %bitcast3A_878 = vector.bitcast %and3A_877 : vector<16xi32> to vector<16xf32>
      %mul3A_879 = vector.broadcast %squeeze3A_830 : f32 to vector<16xf32>
      %mul3A_880 = arith.mulf %mul3A_879, %bitcast3A_874 : vector<16xf32>
      %add3A_881 = arith.addf %get3A_45, %mul3A_880 : vector<16xf32>
      %mul3A_882 = vector.broadcast %squeeze3A_830 : f32 to vector<16xf32>
      %mul3A_883 = arith.mulf %mul3A_882, %bitcast3A_878 : vector<16xf32>
      %add3A_884 = arith.addf %get3A_47, %mul3A_883 : vector<16xf32>
      %get3A_885 = arith.constant 3 : i32
      %get3A_886 = arith.index_cast %get3A_885 : i32 to index
      %get3A_887 = arith.constant 48 : index
      %get3A_888 = tpu.vector_load %arg19[%get3A_886, %get3A_887] {strides = array<i32>} : memref<4x128xi32, #tpu.memory_space<vmem>>, vector<16xi32>,
      %shift_left3A_889 = arith.constant 16 : i32
      %shift_left3A_890 = vector.broadcast %shift_left3A_889 : i32 to vector<16xi32>
      %shift_left3A_891 = arith.shli %get3A_888, %shift_left3A_890 : vector<16xi32>
      %bitcast3A_892 = vector.bitcast %shift_left3A_891 : vector<16xi32> to vector<16xf32>
      %and3A_893 = arith.constant -65536 : i32
      %and3A_894 = vector.broadcast %and3A_893 : i32 to vector<16xi32>
      %and3A_895 = arith.andi %get3A_888, %and3A_894 : vector<16xi32>
      %bitcast3A_896 = vector.bitcast %and3A_895 : vector<16xi32> to vector<16xf32>
      %mul3A_897 = vector.broadcast %squeeze3A_830 : f32 to vector<16xf32>
      %mul3A_898 = arith.mulf %mul3A_897, %bitcast3A_892 : vector<16xf32>
      %add3A_899 = arith.addf %get3A_49, %mul3A_898 : vector<16xf32>
      %mul3A_900 = vector.broadcast %squeeze3A_830 : f32 to vector<16xf32>
      %mul3A_901 = arith.mulf %mul3A_900, %bitcast3A_896 : vector<16xf32>
      %add3A_902 = arith.addf %get3A_51, %mul3A_901 : vector<16xf32>
      %get3A_903 = arith.constant 3 : i32
      %get3A_904 = arith.index_cast %get3A_903 : i32 to index
      %get3A_905 = arith.constant 64 : index
      %get3A_906 = tpu.vector_load %arg19[%get3A_904, %get3A_905] {strides = array<i32>} : memref<4x128xi32, #tpu.memory_space<vmem>>, vector<16xi32>,
      %shift_left3A_907 = arith.constant 16 : i32
      %shift_left3A_908 = vector.broadcast %shift_left3A_907 : i32 to vector<16xi32>
      %shift_left3A_909 = arith.shli %get3A_906, %shift_left3A_908 : vector<16xi32>
      %bitcast3A_910 = vector.bitcast %shift_left3A_909 : vector<16xi32> to vector<16xf32>
      %and3A_911 = arith.constant -65536 : i32
      %and3A_912 = vector.broadcast %and3A_911 : i32 to vector<16xi32>
      %and3A_913 = arith.andi %get3A_906, %and3A_912 : vector<16xi32>
      %bitcast3A_914 = vector.bitcast %and3A_913 : vector<16xi32> to vector<16xf32>
      %mul3A_915 = vector.broadcast %squeeze3A_830 : f32 to vector<16xf32>
      %mul3A_916 = arith.mulf %mul3A_915, %bitcast3A_910 : vector<16xf32>
      %add3A_917 = arith.addf %get3A_53, %mul3A_916 : vector<16xf32>
      %mul3A_918 = vector.broadcast %squeeze3A_830 : f32 to vector<16xf32>
      %mul3A_919 = arith.mulf %mul3A_918, %bitcast3A_914 : vector<16xf32>
      %add3A_920 = arith.addf %get3A_55, %mul3A_919 : vector<16xf32>
      %get3A_921 = arith.constant 3 : i32
      %get3A_922 = arith.index_cast %get3A_921 : i32 to index
      %get3A_923 = arith.constant 80 : index
      %get3A_924 = tpu.vector_load %arg19[%get3A_922, %get3A_923] {strides = array<i32>} : memref<4x128xi32, #tpu.memory_space<vmem>>, vector<16xi32>,
      %shift_left3A_925 = arith.constant 16 : i32
      %shift_left3A_926 = vector.broadcast %shift_left3A_925 : i32 to vector<16xi32>
      %shift_left3A_927 = arith.shli %get3A_924, %shift_left3A_926 : vector<16xi32>
      %bitcast3A_928 = vector.bitcast %shift_left3A_927 : vector<16xi32> to vector<16xf32>
      %and3A_929 = arith.constant -65536 : i32
      %and3A_930 = vector.broadcast %and3A_929 : i32 to vector<16xi32>
      %and3A_931 = arith.andi %get3A_924, %and3A_930 : vector<16xi32>
      %bitcast3A_932 = vector.bitcast %and3A_931 : vector<16xi32> to vector<16xf32>
      %mul3A_933 = vector.broadcast %squeeze3A_830 : f32 to vector<16xf32>
      %mul3A_934 = arith.mulf %mul3A_933, %bitcast3A_928 : vector<16xf32>
      %add3A_935 = arith.addf %get3A_57, %mul3A_934 : vector<16xf32>
      %mul3A_936 = vector.broadcast %squeeze3A_830 : f32 to vector<16xf32>
      %mul3A_937 = arith.mulf %mul3A_936, %bitcast3A_932 : vector<16xf32>
      %add3A_938 = arith.addf %get3A_59, %mul3A_937 : vector<16xf32>
      %get3A_939 = arith.constant 3 : i32
      %get3A_940 = arith.index_cast %get3A_939 : i32 to index
      %get3A_941 = arith.constant 96 : index
      %get3A_942 = tpu.vector_load %arg19[%get3A_940, %get3A_941] {strides = array<i32>} : memref<4x128xi32, #tpu.memory_space<vmem>>, vector<16xi32>,
      %shift_left3A_943 = arith.constant 16 : i32
      %shift_left3A_944 = vector.broadcast %shift_left3A_943 : i32 to vector<16xi32>
      %shift_left3A_945 = arith.shli %get3A_942, %shift_left3A_944 : vector<16xi32>
      %bitcast3A_946 = vector.bitcast %shift_left3A_945 : vector<16xi32> to vector<16xf32>
      %and3A_947 = arith.constant -65536 : i32
      %and3A_948 = vector.broadcast %and3A_947 : i32 to vector<16xi32>
      %and3A_949 = arith.andi %get3A_942, %and3A_948 : vector<16xi32>
      %bitcast3A_950 = vector.bitcast %and3A_949 : vector<16xi32> to vector<16xf32>
      %mul3A_951 = vector.broadcast %squeeze3A_830 : f32 to vector<16xf32>
      %mul3A_952 = arith.mulf %mul3A_951, %bitcast3A_946 : vector<16xf32>
      %add3A_953 = arith.addf %get3A_61, %mul3A_952 : vector<16xf32>
      %mul3A_954 = vector.broadcast %squeeze3A_830 : f32 to vector<16xf32>
      %mul3A_955 = arith.mulf %mul3A_954, %bitcast3A_950 : vector<16xf32>
      %add3A_956 = arith.addf %get3A_63, %mul3A_955 : vector<16xf32>
      %get3A_957 = arith.constant 3 : i32
      %get3A_958 = arith.index_cast %get3A_957 : i32 to index
      %get3A_959 = arith.constant 112 : index
      %get3A_960 = tpu.vector_load %arg19[%get3A_958, %get3A_959] {strides = array<i32>} : memref<4x128xi32, #tpu.memory_space<vmem>>, vector<16xi32>,
      %shift_left3A_961 = arith.constant 16 : i32
      %shift_left3A_962 = vector.broadcast %shift_left3A_961 : i32 to vector<16xi32>
      %shift_left3A_963 = arith.shli %get3A_960, %shift_left3A_962 : vector<16xi32>
      %bitcast3A_964 = vector.bitcast %shift_left3A_963 : vector<16xi32> to vector<16xf32>
      %and3A_965 = arith.constant -65536 : i32
      %and3A_966 = vector.broadcast %and3A_965 : i32 to vector<16xi32>
      %and3A_967 = arith.andi %get3A_960, %and3A_966 : vector<16xi32>
      %bitcast3A_968 = vector.bitcast %and3A_967 : vector<16xi32> to vector<16xf32>
      %mul3A_969 = vector.broadcast %squeeze3A_830 : f32 to vector<16xf32>
      %mul3A_970 = arith.mulf %mul3A_969, %bitcast3A_964 : vector<16xf32>
      %add3A_971 = arith.addf %get3A_65, %mul3A_970 : vector<16xf32>
      %mul3A_972 = vector.broadcast %squeeze3A_830 : f32 to vector<16xf32>
      %mul3A_973 = arith.mulf %mul3A_972, %bitcast3A_968 : vector<16xf32>
      %add3A_974 = arith.addf %get3A_67, %mul3A_973 : vector<16xf32>
      %swap3A_975 = arith.constant 3 : i32
      %swap3A_976 = arith.index_cast %swap3A_975 : i32 to index
      %swap3A_977 = arith.constant 0 : index
      %swap3A_978 = tpu.vector_load %arg21[%swap3A_976, %swap3A_977] {strides = array<i32>} : memref<4x256xf32, #tpu.memory_space<vmem>>, vector<16xf32>,
      tpu.vector_store %arg21[%swap3A_976, %swap3A_977], %add3A_845 {strides = array<i32>} : memref<4x256xf32, #tpu.memory_space<vmem>>, vector<16xf32>,
      %swap3A_979 = arith.constant 3 : i32
      %swap3A_980 = arith.index_cast %swap3A_979 : i32 to index
      %swap3A_981 = arith.constant 16 : index
      %swap3A_982 = tpu.vector_load %arg21[%swap3A_980, %swap3A_981] {strides = array<i32>} : memref<4x256xf32, #tpu.memory_space<vmem>>, vector<16xf32>,
      tpu.vector_store %arg21[%swap3A_980, %swap3A_981], %add3A_848 {strides = array<i32>} : memref<4x256xf32, #tpu.memory_space<vmem>>, vector<16xf32>,
      %swap3A_983 = arith.constant 3 : i32
      %swap3A_984 = arith.index_cast %swap3A_983 : i32 to index
      %swap3A_985 = arith.constant 32 : index
      %swap3A_986 = tpu.vector_load %arg21[%swap3A_984, %swap3A_985] {strides = array<i32>} : memref<4x256xf32, #tpu.memory_space<vmem>>, vector<16xf32>,
      tpu.vector_store %arg21[%swap3A_984, %swap3A_985], %add3A_863 {strides = array<i32>} : memref<4x256xf32, #tpu.memory_space<vmem>>, vector<16xf32>,
      %swap3A_987 = arith.constant 3 : i32
      %swap3A_988 = arith.index_cast %swap3A_987 : i32 to index
      %swap3A_989 = arith.constant 48 : index
      %swap3A_990 = tpu.vector_load %arg21[%swap3A_988, %swap3A_989] {strides = array<i32>} : memref<4x256xf32, #tpu.memory_space<vmem>>, vector<16xf32>,
      tpu.vector_store %arg21[%swap3A_988, %swap3A_989], %add3A_866 {strides = array<i32>} : memref<4x256xf32, #tpu.memory_space<vmem>>, vector<16xf32>,
      %swap3A_991 = arith.constant 3 : i32
      %swap3A_992 = arith.index_cast %swap3A_991 : i32 to index
      %swap3A_993 = arith.constant 64 : index
      %swap3A_994 = tpu.vector_load %arg21[%swap3A_992, %swap3A_993] {strides = array<i32>} : memref<4x256xf32, #tpu.memory_space<vmem>>, vector<16xf32>,
      tpu.vector_store %arg21[%swap3A_992, %swap3A_993], %add3A_881 {strides = array<i32>} : memref<4x256xf32, #tpu.memory_space<vmem>>, vector<16xf32>,
      %swap3A_995 = arith.constant 3 : i32
      %swap3A_996 = arith.index_cast %swap3A_995 : i32 to index
      %swap3A_997 = arith.constant 80 : index
      %swap3A_998 = tpu.vector_load %arg21[%swap3A_996, %swap3A_997] {strides = array<i32>} : memref<4x256xf32, #tpu.memory_space<vmem>>, vector<16xf32>,
      tpu.vector_store %arg21[%swap3A_996, %swap3A_997], %add3A_884 {strides = array<i32>} : memref<4x256xf32, #tpu.memory_space<vmem>>, vector<16xf32>,
      %swap3A_999 = arith.constant 3 : i32
      %swap3A_1000 = arith.index_cast %swap3A_999 : i32 to index
      %swap3A_1001 = arith.constant 96 : index
      %swap3A_1002 = tpu.vector_load %arg21[%swap3A_1000, %swap3A_1001] {strides = array<i32>} : memref<4x256xf32, #tpu.memory_space<vmem>>, vector<16xf32>,
      tpu.vector_store %arg21[%swap3A_1000, %swap3A_1001], %add3A_899 {strides = array<i32>} : memref<4x256xf32, #tpu.memory_space<vmem>>, vector<16xf32>,
      %swap3A_1003 = arith.constant 3 : i32
      %swap3A_1004 = arith.index_cast %swap3A_1003 : i32 to index
      %swap3A_1005 = arith.constant 112 : index
      %swap3A_1006 = tpu.vector_load %arg21[%swap3A_1004, %swap3A_1005] {strides = array<i32>} : memref<4x256xf32, #tpu.memory_space<vmem>>, vector<16xf32>,
      tpu.vector_store %arg21[%swap3A_1004, %swap3A_1005], %add3A_902 {strides = array<i32>} : memref<4x256xf32, #tpu.memory_space<vmem>>, vector<16xf32>,
      %swap3A_1007 = arith.constant 3 : i32
      %swap3A_1008 = arith.index_cast %swap3A_1007 : i32 to index
      %swap3A_1009 = arith.constant 128 : index
      %swap3A_1010 = tpu.vector_load %arg21[%swap3A_1008, %swap3A_1009] {strides = array<i32>} : memref<4x256xf32, #tpu.memory_space<vmem>>, vector<16xf32>,
      tpu.vector_store %arg21[%swap3A_1008, %swap3A_1009], %add3A_917 {strides = array<i32>} : memref<4x256xf32, #tpu.memory_space<vmem>>, vector<16xf32>,
      %swap3A_1011 = arith.constant 3 : i32
      %swap3A_1012 = arith.index_cast %swap3A_1011 : i32 to index
      %swap3A_1013 = arith.constant 144 : index
      %swap3A_1014 = tpu.vector_load %arg21[%swap3A_1012, %swap3A_1013] {strides = array<i32>} : memref<4x256xf32, #tpu.memory_space<vmem>>, vector<16xf32>,
      tpu.vector_store %arg21[%swap3A_1012, %swap3A_1013], %add3A_920 {strides = array<i32>} : memref<4x256xf32, #tpu.memory_space<vmem>>, vector<16xf32>,
      %swap3A_1015 = arith.constant 3 : i32
      %swap3A_1016 = arith.index_cast %swap3A_1015 : i32 to index
      %swap3A_1017 = arith.constant 160 : index
      %swap3A_1018 = tpu.vector_load %arg21[%swap3A_1016, %swap3A_1017] {strides = array<i32>} : memref<4x256xf32, #tpu.memory_space<vmem>>, vector<16xf32>,
      tpu.vector_store %arg21[%swap3A_1016, %swap3A_1017], %add3A_935 {strides = array<i32>} : memref<4x256xf32, #tpu.memory_space<vmem>>, vector<16xf32>,
      %swap3A_1019 = arith.constant 3 : i32
      %swap3A_1020 = arith.index_cast %swap3A_1019 : i32 to index
      %swap3A_1021 = arith.constant 176 : index
      %swap3A_1022 = tpu.vector_load %arg21[%swap3A_1020, %swap3A_1021] {strides = array<i32>} : memref<4x256xf32, #tpu.memory_space<vmem>>, vector<16xf32>,
      tpu.vector_store %arg21[%swap3A_1020, %swap3A_1021], %add3A_938 {strides = array<i32>} : memref<4x256xf32, #tpu.memory_space<vmem>>, vector<16xf32>,
      %swap3A_1023 = arith.constant 3 : i32
      %swap3A_1024 = arith.index_cast %swap3A_1023 : i32 to index
      %swap3A_1025 = arith.constant 192 : index
      %swap3A_1026 = tpu.vector_load %arg21[%swap3A_1024, %swap3A_1025] {strides = array<i32>} : memref<4x256xf32, #tpu.memory_space<vmem>>, vector<16xf32>,
      tpu.vector_store %arg21[%swap3A_1024, %swap3A_1025], %add3A_953 {strides = array<i32>} : memref<4x256xf32, #tpu.memory_space<vmem>>, vector<16xf32>,
      %swap3A_1027 = arith.constant 3 : i32
      %swap3A_1028 = arith.index_cast %swap3A_1027 : i32 to index
      %swap3A_1029 = arith.constant 208 : index
      %swap3A_1030 = tpu.vector_load %arg21[%swap3A_1028, %swap3A_1029] {strides = array<i32>} : memref<4x256xf32, #tpu.memory_space<vmem>>, vector<16xf32>,
      tpu.vector_store %arg21[%swap3A_1028, %swap3A_1029], %add3A_956 {strides = array<i32>} : memref<4x256xf32, #tpu.memory_space<vmem>>, vector<16xf32>,
      %swap3A_1031 = arith.constant 3 : i32
      %swap3A_1032 = arith.index_cast %swap3A_1031 : i32 to index
      %swap3A_1033 = arith.constant 224 : index
      %swap3A_1034 = tpu.vector_load %arg21[%swap3A_1032, %swap3A_1033] {strides = array<i32>} : memref<4x256xf32, #tpu.memory_space<vmem>>, vector<16xf32>,
      tpu.vector_store %arg21[%swap3A_1032, %swap3A_1033], %add3A_971 {strides = array<i32>} : memref<4x256xf32, #tpu.memory_space<vmem>>, vector<16xf32>,
      %swap3A_1035 = arith.constant 3 : i32
      %swap3A_1036 = arith.index_cast %swap3A_1035 : i32 to index
      %swap3A_1037 = arith.constant 240 : index
      %swap3A_1038 = tpu.vector_load %arg21[%swap3A_1036, %swap3A_1037] {strides = array<i32>} : memref<4x256xf32, #tpu.memory_space<vmem>>, vector<16xf32>,
      tpu.vector_store %arg21[%swap3A_1036, %swap3A_1037], %add3A_974 {strides = array<i32>} : memref<4x256xf32, #tpu.memory_space<vmem>>, vector<16xf32>,
      %add3A_1039 = arith.constant 2 : i32
      %add3A_1040 = arith.addi %add3A_89, %add3A_1039 : i32
      %lt3A_1041 = arith.constant 80 : i32
      %lt3A_1042 = arith.cmpi slt, %add3A_1040, %lt3A_1041 : i32
      %convert_element_type3A_1043 = arith.extui %lt3A_1042 : i1 to i32
      %cond3A_1044 = arith.constant 0 : i32
      %cond3A_1045 = arith.cmpi ne, %convert_element_type3A_1043, %cond3A_1044 : i32
      scf.if %cond3A_1045 {
        %add3A_2039 = arith.constant 2 : i32
        %add3A_2040 = arith.addi %add3A_89, %add3A_2039 : i32
        %dma_start3A_2041 = arith.constant 0 : i32
        %dma_start3A_2042 = tpu.memref_slice %arg12[%add3A_2040, %dma_start3A_2041] : memref<80x64xi32, #tpu.memory_space<vmem>> -> memref<1x64xi32, #tpu.memory_space<vmem>>
        %dma_start3A_2043 = tpu.memref_squeeze %dma_start3A_2042 : memref<1x64xi32, #tpu.memory_space<vmem>> -> memref<64xi32, #tpu.memory_space<vmem>>
        %dma_start3A_2044 = arith.constant 0 : i32
        %dma_start3A_2045 = arith.constant 0 : i32
        %dma_start3A_2046 = tpu.memref_slice %arg29[%dma_start3A_2044, %dma_start3A_2045] : memref<2048x128xi32, #tpu.memory_space<vmem_shared>> -> memref<2048x128xi32, #tpu.memory_space<vmem_shared>>
        tpu.enqueue_indirect_dma source(%dma_start3A_2046 : memref<2048x128xi32, #tpu.memory_space<vmem_shared>>) target(%arg17 : memref<64x128xi32, #tpu.memory_space<vmem>>) offsets(%dma_start3A_2043 : memref<64xi32, #tpu.memory_space<vmem>>) semaphore(%arg23 : memref<!tpu.dma_semaphore, #tpu.memory_space<semaphore_mem>>)
        %mul3A_2047 = arith.constant 4 : i32
        %mul3A_2048 = arith.muli %add3A_2040, %mul3A_2047 : i32
        %add3A_2049 = arith.addi %mul3A_2, %mul3A_2048 : i32
        %dma_start3A_2050 = arith.constant 0 : i32
        %dma_start3A_2051 = tpu.memref_slice %arg2[%add3A_2049, %dma_start3A_2050] : memref<10240x128xi32, #tpu.memory_space<hbm>> -> memref<4x128xi32, #tpu.memory_space<hbm>>
        %dma_start3A_2052 = arith.constant 0 : i32
        %dma_start3A_2053 = tpu.memref_slice %arg2[%add3A_2049, %dma_start3A_2052] : memref<10240x128xi32, #tpu.memory_space<hbm>> -> memref<4x128xi32, #tpu.memory_space<hbm>>
        tpu.enqueue_dma source(%dma_start3A_2053 : memref<4x128xi32, #tpu.memory_space<hbm>>) target(%arg19 : memref<4x128xi32, #tpu.memory_space<vmem>>) target_semaphore(%arg25 : memref<!tpu.dma_semaphore, #tpu.memory_space<semaphore_mem>>)
      } else {
      }
      %mul3A_1046 = arith.constant 4 : i32
      %mul3A_1047 = arith.muli %add3A_89, %mul3A_1046 : i32
      %add3A_1048 = arith.addi %mul3A_2, %mul3A_1047 : i32
      %dma_start3A_1049 = arith.constant 0 : i32
      %dma_start3A_1050 = tpu.memref_slice %arg9[%add3A_1048, %dma_start3A_1049] : memref<10240x256xf32, #tpu.memory_space<hbm>> -> memref<4x256xf32, #tpu.memory_space<hbm>>
      %dma_start3A_1051 = arith.constant 0 : i32
      %dma_start3A_1052 = tpu.memref_slice %arg9[%add3A_1048, %dma_start3A_1051] : memref<10240x256xf32, #tpu.memory_space<hbm>> -> memref<4x256xf32, #tpu.memory_space<hbm>>
      tpu.enqueue_dma source(%arg21 : memref<4x256xf32, #tpu.memory_space<vmem>>) target(%dma_start3A_1052 : memref<4x256xf32, #tpu.memory_space<hbm>>) target_semaphore(%arg27 : memref<!tpu.dma_semaphore, #tpu.memory_space<semaphore_mem>>)
      %add3A_1053 = arith.constant 1 : i32
      %add3A_1054 = arith.addi %mul3A_87, %add3A_1053 : i32
      %jit3A_1055 = arith.constant 4 : i32
      %div3A_1056 = arith.divsi %add3A_1054, %jit3A_1055 : i32
      %sign3A_1057 = arith.constant 0 : i32
      %sign3A_1058 = arith.cmpi sgt, %add3A_1054, %sign3A_1057 : i32
      %sign3A_1059 = arith.extui %sign3A_1058 : i1 to i32
      %sign3A_1060 = arith.constant 0 : i32
      %sign3A_1061 = arith.cmpi slt, %add3A_1054, %sign3A_1060 : i32
      %sign3A_1062 = arith.extui %sign3A_1061 : i1 to i32
      %sign3A_1063 = arith.subi %sign3A_1059, %sign3A_1062 : i32
      %sign3A_1064 = arith.constant 0 : i32
      %sign3A_1065 = arith.cmpi sgt, %jit3A_1055, %sign3A_1064 : i32
      %sign3A_1066 = arith.extui %sign3A_1065 : i1 to i32
      %sign3A_1067 = arith.constant 0 : i32
      %sign3A_1068 = arith.cmpi slt, %jit3A_1055, %sign3A_1067 : i32
      %sign3A_1069 = arith.extui %sign3A_1068 : i1 to i32
      %sign3A_1070 = arith.subi %sign3A_1066, %sign3A_1069 : i32
      %ne3A_1071 = arith.cmpi ne, %sign3A_1063, %sign3A_1070 : i32
      %rem3A_1072 = arith.remsi %add3A_1054, %jit3A_1055 : i32
      %ne3A_1073 = arith.constant 0 : i32
      %ne3A_1074 = arith.cmpi ne, %rem3A_1072, %ne3A_1073 : i32
      %and3A_1075 = arith.andi %ne3A_1071, %ne3A_1074 : i1
      %sub3A_1076 = arith.constant 1 : i32
      %sub3A_1077 = arith.subi %div3A_1056, %sub3A_1076 : i32
      %select_n3A_1078 = arith.select %and3A_1075, %sub3A_1077, %div3A_1056 : i32
      %mul3A_1079 = arith.constant 272 : i32
      %mul3A_1080 = arith.muli %select_n3A_1078, %mul3A_1079 : i32
      %jit3A_1081 = arith.constant 4 : i32
      %eq3A_1082 = arith.constant 0 : i32
      %eq3A_1083 = arith.cmpi eq, %jit3A_1081, %eq3A_1082 : i32
      %jit3A_1084 = arith.constant 1 : i32
      %select_n3A_1085 = arith.select %eq3A_1083, %jit3A_1084, %jit3A_1081 : i32
      %rem3A_1086 = arith.remsi %add3A_1054, %select_n3A_1085 : i32
      %ne3A_1087 = arith.constant 0 : i32
      %ne3A_1088 = arith.cmpi ne, %rem3A_1086, %ne3A_1087 : i32
      %lt3A_1089 = arith.constant 0 : i32
      %lt3A_1090 = arith.cmpi slt, %rem3A_1086, %lt3A_1089 : i32
      %lt3A_1091 = arith.constant 0 : i32
      %lt3A_1092 = arith.cmpi slt, %select_n3A_1085, %lt3A_1091 : i32
      %ne3A_1093 = arith.xori %lt3A_1090, %lt3A_1092 : i1
      %and3A_1094 = arith.andi %ne3A_1093, %ne3A_1088 : i1
      %add3A_1095 = arith.addi %rem3A_1086, %select_n3A_1085 : i32
      %select_n3A_1096 = arith.select %and3A_1094, %add3A_1095, %rem3A_1086 : i32
      %mul3A_1097 = arith.constant 4 : i32
      %mul3A_1098 = arith.muli %select_n3A_1096, %mul3A_1097 : i32
      %dma_wait3A_1099 = arith.constant 0 : i32
      %dma_wait3A_1100 = tpu.memref_slice %arg12[%add3A_1054, %dma_wait3A_1099] : memref<80x64xi32, #tpu.memory_space<vmem>> -> memref<1x64xi32, #tpu.memory_space<vmem>>
      %dma_wait3A_1101 = tpu.memref_squeeze %dma_wait3A_1100 : memref<1x64xi32, #tpu.memory_space<vmem>> -> memref<64xi32, #tpu.memory_space<vmem>>
      %dma_wait3A_1102 = arith.constant 0 : i32
      %dma_wait3A_1103 = arith.constant 0 : i32
      %dma_wait3A_1104 = tpu.memref_slice %arg29[%dma_wait3A_1102, %dma_wait3A_1103] : memref<2048x128xi32, #tpu.memory_space<vmem_shared>> -> memref<2048x128xi32, #tpu.memory_space<vmem_shared>>
      tpu.wait_indirect_dma semaphore(%arg24 : memref<!tpu.dma_semaphore, #tpu.memory_space<semaphore_mem>>) src(%dma_wait3A_1104 : memref<2048x128xi32, #tpu.memory_space<vmem_shared>>) dst(%arg18 : memref<64x128xi32, #tpu.memory_space<vmem>>)
      %mul3A_1105 = arith.constant 4 : i32
      %mul3A_1106 = arith.muli %add3A_1054, %mul3A_1105 : i32
      %add3A_1107 = arith.addi %mul3A_2, %mul3A_1106 : i32
      %dma_wait3A_1108 = arith.constant 0 : i32
      %dma_wait3A_1109 = tpu.memref_slice %arg2[%add3A_1107, %dma_wait3A_1108] : memref<10240x128xi32, #tpu.memory_space<hbm>> -> memref<4x128xi32, #tpu.memory_space<hbm>>
      %dma_wait3A_1110 = arith.constant 0 : i32
      %dma_wait3A_1111 = tpu.memref_slice %arg2[%add3A_1107, %dma_wait3A_1110] : memref<10240x128xi32, #tpu.memory_space<hbm>> -> memref<4x128xi32, #tpu.memory_space<hbm>>
      tpu.wait_dma2 semaphore(%arg26 : memref<!tpu.dma_semaphore, #tpu.memory_space<semaphore_mem>>) src(%dma_wait3A_1111 : memref<4x128xi32, #tpu.memory_space<hbm>>) dst(%arg20 : memref<4x128xi32, #tpu.memory_space<vmem>>)
      %gt3A_1112 = arith.constant 0 : i32
      %gt3A_1113 = arith.cmpi sgt, %scan3A_85, %gt3A_1112 : i32
      %convert_element_type3A_1114 = arith.extui %gt3A_1113 : i1 to i32
      %cond3A_1115 = arith.constant 0 : i32
      %cond3A_1116 = arith.cmpi ne, %convert_element_type3A_1114, %cond3A_1115 : i32
      scf.if %cond3A_1116 {
        %mul3A_2039 = arith.constant 4 : i32
        %mul3A_2040 = arith.muli %add3A_1054, %mul3A_2039 : i32
        %add3A_2041 = arith.addi %mul3A_2, %mul3A_2040 : i32
        %dma_wait3A_2042 = arith.constant 0 : i32
        %dma_wait3A_2043 = tpu.memref_slice %arg9[%add3A_2041, %dma_wait3A_2042] : memref<10240x256xf32, #tpu.memory_space<hbm>> -> memref<4x256xf32, #tpu.memory_space<hbm>>
        %dma_wait3A_2044 = arith.constant 0 : i32
        %dma_wait3A_2045 = tpu.memref_slice %arg9[%add3A_2041, %dma_wait3A_2044] : memref<10240x256xf32, #tpu.memory_space<hbm>> -> memref<4x256xf32, #tpu.memory_space<hbm>>
        tpu.wait_dma2 semaphore(%arg28 : memref<!tpu.dma_semaphore, #tpu.memory_space<semaphore_mem>>) src(%arg22 : memref<4x256xf32, #tpu.memory_space<vmem>>) dst(%dma_wait3A_2045 : memref<4x256xf32, #tpu.memory_space<hbm>>)
      } else {
      }
      %iota3A_1117 = tpu.iota {dimensions = array<i32: 0>} : vector<16xi32>
      %mul3A_1118 = arith.constant 16 : i32
      %mul3A_1119 = vector.broadcast %mul3A_1118 : i32 to vector<16xi32>
      %mul3A_1120 = arith.muli %iota3A_1117, %mul3A_1119 : vector<16xi32>
      %add3A_1121 = arith.addi %mul3A_1080, %mul3A_1098 : i32
      %add3A_1122 = arith.constant 0 : i32
      %add3A_1123 = arith.addi %add3A_1121, %add3A_1122 : i32
      %add3A_1124 = vector.broadcast %add3A_1123 : i32 to vector<16xi32>
      %add3A_1125 = arith.addi %mul3A_1120, %add3A_1124 : vector<16xi32>
      %gather3A_1126 = tpu.vector_load_idx %arg15[%add3A_1125] : memref<5440xf32, #tpu.memory_space<vmem>>[vector<16xi32>], vector<16xf32>,
      %broadcast_in_dim3A_1127 = arith.constant 0 : i32
      %broadcast_in_dim3A_1128 = vector.broadcast %broadcast_in_dim3A_1127 : i32 to vector<16xi32>
      %add3A_1129 = arith.constant 256 : i32
      %add3A_1130 = arith.addi %mul3A_1080, %add3A_1129 : i32
      %add3A_1131 = arith.addi %add3A_1130, %mul3A_1098 : i32
      %add3A_1132 = arith.constant 0 : i32
      %add3A_1133 = arith.addi %add3A_1131, %add3A_1132 : i32
      %add3A_1134 = vector.broadcast %add3A_1133 : i32 to vector<16xi32>
      %add3A_1135 = arith.addi %broadcast_in_dim3A_1128, %add3A_1134 : vector<16xi32>
      %gather3A_1136 = tpu.vector_load_idx %arg15[%add3A_1135] : memref<5440xf32, #tpu.memory_space<vmem>>[vector<16xi32>], vector<16xf32>,
      %slice3A_1137 = vector.extract_strided_slice %gather3A_1136 {offsets = [0], sizes = [1], strides = [1]} : vector<16xf32> to vector<1xf32>
      %squeeze3A_1138 = vector.extract %slice3A_1137[0] : f32 from vector<1xf32>
      %get3A_1139 = arith.constant 0 : i32
      %get3A_1140 = arith.index_cast %get3A_1139 : i32 to index
      %get3A_1141 = arith.constant 0 : index
      %get3A_1142 = tpu.vector_load %arg20[%get3A_1140, %get3A_1141] {strides = array<i32>} : memref<4x128xi32, #tpu.memory_space<vmem>>, vector<16xi32>,
      %shift_left3A_1143 = arith.constant 16 : i32
      %shift_left3A_1144 = vector.broadcast %shift_left3A_1143 : i32 to vector<16xi32>
      %shift_left3A_1145 = arith.shli %get3A_1142, %shift_left3A_1144 : vector<16xi32>
      %bitcast3A_1146 = vector.bitcast %shift_left3A_1145 : vector<16xi32> to vector<16xf32>
      %and3A_1147 = arith.constant -65536 : i32
      %and3A_1148 = vector.broadcast %and3A_1147 : i32 to vector<16xi32>
      %and3A_1149 = arith.andi %get3A_1142, %and3A_1148 : vector<16xi32>
      %bitcast3A_1150 = vector.bitcast %and3A_1149 : vector<16xi32> to vector<16xf32>
      %mul3A_1151 = vector.broadcast %squeeze3A_1138 : f32 to vector<16xf32>
      %mul3A_1152 = arith.mulf %mul3A_1151, %bitcast3A_1146 : vector<16xf32>
      %add3A_1153 = arith.addf %get3A_37, %mul3A_1152 : vector<16xf32>
      %mul3A_1154 = vector.broadcast %squeeze3A_1138 : f32 to vector<16xf32>
      %mul3A_1155 = arith.mulf %mul3A_1154, %bitcast3A_1150 : vector<16xf32>
      %add3A_1156 = arith.addf %get3A_39, %mul3A_1155 : vector<16xf32>
      %get3A_1157 = arith.constant 0 : i32
      %get3A_1158 = arith.index_cast %get3A_1157 : i32 to index
      %get3A_1159 = arith.constant 16 : index
      %get3A_1160 = tpu.vector_load %arg20[%get3A_1158, %get3A_1159] {strides = array<i32>} : memref<4x128xi32, #tpu.memory_space<vmem>>, vector<16xi32>,
      %shift_left3A_1161 = arith.constant 16 : i32
      %shift_left3A_1162 = vector.broadcast %shift_left3A_1161 : i32 to vector<16xi32>
      %shift_left3A_1163 = arith.shli %get3A_1160, %shift_left3A_1162 : vector<16xi32>
      %bitcast3A_1164 = vector.bitcast %shift_left3A_1163 : vector<16xi32> to vector<16xf32>
      %and3A_1165 = arith.constant -65536 : i32
      %and3A_1166 = vector.broadcast %and3A_1165 : i32 to vector<16xi32>
      %and3A_1167 = arith.andi %get3A_1160, %and3A_1166 : vector<16xi32>
      %bitcast3A_1168 = vector.bitcast %and3A_1167 : vector<16xi32> to vector<16xf32>
      %mul3A_1169 = vector.broadcast %squeeze3A_1138 : f32 to vector<16xf32>
      %mul3A_1170 = arith.mulf %mul3A_1169, %bitcast3A_1164 : vector<16xf32>
      %add3A_1171 = arith.addf %get3A_41, %mul3A_1170 : vector<16xf32>
      %mul3A_1172 = vector.broadcast %squeeze3A_1138 : f32 to vector<16xf32>
      %mul3A_1173 = arith.mulf %mul3A_1172, %bitcast3A_1168 : vector<16xf32>
      %add3A_1174 = arith.addf %get3A_43, %mul3A_1173 : vector<16xf32>
      %get3A_1175 = arith.constant 0 : i32
      %get3A_1176 = arith.index_cast %get3A_1175 : i32 to index
      %get3A_1177 = arith.constant 32 : index
      %get3A_1178 = tpu.vector_load %arg20[%get3A_1176, %get3A_1177] {strides = array<i32>} : memref<4x128xi32, #tpu.memory_space<vmem>>, vector<16xi32>,
      %shift_left3A_1179 = arith.constant 16 : i32
      %shift_left3A_1180 = vector.broadcast %shift_left3A_1179 : i32 to vector<16xi32>
      %shift_left3A_1181 = arith.shli %get3A_1178, %shift_left3A_1180 : vector<16xi32>
      %bitcast3A_1182 = vector.bitcast %shift_left3A_1181 : vector<16xi32> to vector<16xf32>
      %and3A_1183 = arith.constant -65536 : i32
      %and3A_1184 = vector.broadcast %and3A_1183 : i32 to vector<16xi32>
      %and3A_1185 = arith.andi %get3A_1178, %and3A_1184 : vector<16xi32>
      %bitcast3A_1186 = vector.bitcast %and3A_1185 : vector<16xi32> to vector<16xf32>
      %mul3A_1187 = vector.broadcast %squeeze3A_1138 : f32 to vector<16xf32>
      %mul3A_1188 = arith.mulf %mul3A_1187, %bitcast3A_1182 : vector<16xf32>
      %add3A_1189 = arith.addf %get3A_45, %mul3A_1188 : vector<16xf32>
      %mul3A_1190 = vector.broadcast %squeeze3A_1138 : f32 to vector<16xf32>
      %mul3A_1191 = arith.mulf %mul3A_1190, %bitcast3A_1186 : vector<16xf32>
      %add3A_1192 = arith.addf %get3A_47, %mul3A_1191 : vector<16xf32>
      %get3A_1193 = arith.constant 0 : i32
      %get3A_1194 = arith.index_cast %get3A_1193 : i32 to index
      %get3A_1195 = arith.constant 48 : index
      %get3A_1196 = tpu.vector_load %arg20[%get3A_1194, %get3A_1195] {strides = array<i32>} : memref<4x128xi32, #tpu.memory_space<vmem>>, vector<16xi32>,
      %shift_left3A_1197 = arith.constant 16 : i32
      %shift_left3A_1198 = vector.broadcast %shift_left3A_1197 : i32 to vector<16xi32>
      %shift_left3A_1199 = arith.shli %get3A_1196, %shift_left3A_1198 : vector<16xi32>
      %bitcast3A_1200 = vector.bitcast %shift_left3A_1199 : vector<16xi32> to vector<16xf32>
      %and3A_1201 = arith.constant -65536 : i32
      %and3A_1202 = vector.broadcast %and3A_1201 : i32 to vector<16xi32>
      %and3A_1203 = arith.andi %get3A_1196, %and3A_1202 : vector<16xi32>
      %bitcast3A_1204 = vector.bitcast %and3A_1203 : vector<16xi32> to vector<16xf32>
      %mul3A_1205 = vector.broadcast %squeeze3A_1138 : f32 to vector<16xf32>
      %mul3A_1206 = arith.mulf %mul3A_1205, %bitcast3A_1200 : vector<16xf32>
      %add3A_1207 = arith.addf %get3A_49, %mul3A_1206 : vector<16xf32>
      %mul3A_1208 = vector.broadcast %squeeze3A_1138 : f32 to vector<16xf32>
      %mul3A_1209 = arith.mulf %mul3A_1208, %bitcast3A_1204 : vector<16xf32>
      %add3A_1210 = arith.addf %get3A_51, %mul3A_1209 : vector<16xf32>
      %get3A_1211 = arith.constant 0 : i32
      %get3A_1212 = arith.index_cast %get3A_1211 : i32 to index
      %get3A_1213 = arith.constant 64 : index
      %get3A_1214 = tpu.vector_load %arg20[%get3A_1212, %get3A_1213] {strides = array<i32>} : memref<4x128xi32, #tpu.memory_space<vmem>>, vector<16xi32>,
      %shift_left3A_1215 = arith.constant 16 : i32
      %shift_left3A_1216 = vector.broadcast %shift_left3A_1215 : i32 to vector<16xi32>
      %shift_left3A_1217 = arith.shli %get3A_1214, %shift_left3A_1216 : vector<16xi32>
      %bitcast3A_1218 = vector.bitcast %shift_left3A_1217 : vector<16xi32> to vector<16xf32>
      %and3A_1219 = arith.constant -65536 : i32
      %and3A_1220 = vector.broadcast %and3A_1219 : i32 to vector<16xi32>
      %and3A_1221 = arith.andi %get3A_1214, %and3A_1220 : vector<16xi32>
      %bitcast3A_1222 = vector.bitcast %and3A_1221 : vector<16xi32> to vector<16xf32>
      %mul3A_1223 = vector.broadcast %squeeze3A_1138 : f32 to vector<16xf32>
      %mul3A_1224 = arith.mulf %mul3A_1223, %bitcast3A_1218 : vector<16xf32>
      %add3A_1225 = arith.addf %get3A_53, %mul3A_1224 : vector<16xf32>
      %mul3A_1226 = vector.broadcast %squeeze3A_1138 : f32 to vector<16xf32>
      %mul3A_1227 = arith.mulf %mul3A_1226, %bitcast3A_1222 : vector<16xf32>
      %add3A_1228 = arith.addf %get3A_55, %mul3A_1227 : vector<16xf32>
      %get3A_1229 = arith.constant 0 : i32
      %get3A_1230 = arith.index_cast %get3A_1229 : i32 to index
      %get3A_1231 = arith.constant 80 : index
      %get3A_1232 = tpu.vector_load %arg20[%get3A_1230, %get3A_1231] {strides = array<i32>} : memref<4x128xi32, #tpu.memory_space<vmem>>, vector<16xi32>,
      %shift_left3A_1233 = arith.constant 16 : i32
      %shift_left3A_1234 = vector.broadcast %shift_left3A_1233 : i32 to vector<16xi32>
      %shift_left3A_1235 = arith.shli %get3A_1232, %shift_left3A_1234 : vector<16xi32>
      %bitcast3A_1236 = vector.bitcast %shift_left3A_1235 : vector<16xi32> to vector<16xf32>
      %and3A_1237 = arith.constant -65536 : i32
      %and3A_1238 = vector.broadcast %and3A_1237 : i32 to vector<16xi32>
      %and3A_1239 = arith.andi %get3A_1232, %and3A_1238 : vector<16xi32>
      %bitcast3A_1240 = vector.bitcast %and3A_1239 : vector<16xi32> to vector<16xf32>
      %mul3A_1241 = vector.broadcast %squeeze3A_1138 : f32 to vector<16xf32>
      %mul3A_1242 = arith.mulf %mul3A_1241, %bitcast3A_1236 : vector<16xf32>
      %add3A_1243 = arith.addf %get3A_57, %mul3A_1242 : vector<16xf32>
      %mul3A_1244 = vector.broadcast %squeeze3A_1138 : f32 to vector<16xf32>
      %mul3A_1245 = arith.mulf %mul3A_1244, %bitcast3A_1240 : vector<16xf32>
      %add3A_1246 = arith.addf %get3A_59, %mul3A_1245 : vector<16xf32>
      %get3A_1247 = arith.constant 0 : i32
      %get3A_1248 = arith.index_cast %get3A_1247 : i32 to index
      %get3A_1249 = arith.constant 96 : index
      %get3A_1250 = tpu.vector_load %arg20[%get3A_1248, %get3A_1249] {strides = array<i32>} : memref<4x128xi32, #tpu.memory_space<vmem>>, vector<16xi32>,
      %shift_left3A_1251 = arith.constant 16 : i32
      %shift_left3A_1252 = vector.broadcast %shift_left3A_1251 : i32 to vector<16xi32>
      %shift_left3A_1253 = arith.shli %get3A_1250, %shift_left3A_1252 : vector<16xi32>
      %bitcast3A_1254 = vector.bitcast %shift_left3A_1253 : vector<16xi32> to vector<16xf32>
      %and3A_1255 = arith.constant -65536 : i32
      %and3A_1256 = vector.broadcast %and3A_1255 : i32 to vector<16xi32>
      %and3A_1257 = arith.andi %get3A_1250, %and3A_1256 : vector<16xi32>
      %bitcast3A_1258 = vector.bitcast %and3A_1257 : vector<16xi32> to vector<16xf32>
      %mul3A_1259 = vector.broadcast %squeeze3A_1138 : f32 to vector<16xf32>
      %mul3A_1260 = arith.mulf %mul3A_1259, %bitcast3A_1254 : vector<16xf32>
      %add3A_1261 = arith.addf %get3A_61, %mul3A_1260 : vector<16xf32>
      %mul3A_1262 = vector.broadcast %squeeze3A_1138 : f32 to vector<16xf32>
      %mul3A_1263 = arith.mulf %mul3A_1262, %bitcast3A_1258 : vector<16xf32>
      %add3A_1264 = arith.addf %get3A_63, %mul3A_1263 : vector<16xf32>
      %get3A_1265 = arith.constant 0 : i32
      %get3A_1266 = arith.index_cast %get3A_1265 : i32 to index
      %get3A_1267 = arith.constant 112 : index
      %get3A_1268 = tpu.vector_load %arg20[%get3A_1266, %get3A_1267] {strides = array<i32>} : memref<4x128xi32, #tpu.memory_space<vmem>>, vector<16xi32>,
      %shift_left3A_1269 = arith.constant 16 : i32
      %shift_left3A_1270 = vector.broadcast %shift_left3A_1269 : i32 to vector<16xi32>
      %shift_left3A_1271 = arith.shli %get3A_1268, %shift_left3A_1270 : vector<16xi32>
      %bitcast3A_1272 = vector.bitcast %shift_left3A_1271 : vector<16xi32> to vector<16xf32>
      %and3A_1273 = arith.constant -65536 : i32
      %and3A_1274 = vector.broadcast %and3A_1273 : i32 to vector<16xi32>
      %and3A_1275 = arith.andi %get3A_1268, %and3A_1274 : vector<16xi32>
      %bitcast3A_1276 = vector.bitcast %and3A_1275 : vector<16xi32> to vector<16xf32>
      %mul3A_1277 = vector.broadcast %squeeze3A_1138 : f32 to vector<16xf32>
      %mul3A_1278 = arith.mulf %mul3A_1277, %bitcast3A_1272 : vector<16xf32>
      %add3A_1279 = arith.addf %get3A_65, %mul3A_1278 : vector<16xf32>
      %mul3A_1280 = vector.broadcast %squeeze3A_1138 : f32 to vector<16xf32>
      %mul3A_1281 = arith.mulf %mul3A_1280, %bitcast3A_1276 : vector<16xf32>
      %add3A_1282 = arith.addf %get3A_67, %mul3A_1281 : vector<16xf32>
      %swap3A_1283 = arith.constant 0 : i32
      %swap3A_1284 = arith.index_cast %swap3A_1283 : i32 to index
      %swap3A_1285 = arith.constant 0 : index
      %swap3A_1286 = tpu.vector_load %arg22[%swap3A_1284, %swap3A_1285] {strides = array<i32>} : memref<4x256xf32, #tpu.memory_space<vmem>>, vector<16xf32>,
      tpu.vector_store %arg22[%swap3A_1284, %swap3A_1285], %add3A_1153 {strides = array<i32>} : memref<4x256xf32, #tpu.memory_space<vmem>>, vector<16xf32>,
      %swap3A_1287 = arith.constant 0 : i32
      %swap3A_1288 = arith.index_cast %swap3A_1287 : i32 to index
      %swap3A_1289 = arith.constant 16 : index
      %swap3A_1290 = tpu.vector_load %arg22[%swap3A_1288, %swap3A_1289] {strides = array<i32>} : memref<4x256xf32, #tpu.memory_space<vmem>>, vector<16xf32>,
      tpu.vector_store %arg22[%swap3A_1288, %swap3A_1289], %add3A_1156 {strides = array<i32>} : memref<4x256xf32, #tpu.memory_space<vmem>>, vector<16xf32>,
      %swap3A_1291 = arith.constant 0 : i32
      %swap3A_1292 = arith.index_cast %swap3A_1291 : i32 to index
      %swap3A_1293 = arith.constant 32 : index
      %swap3A_1294 = tpu.vector_load %arg22[%swap3A_1292, %swap3A_1293] {strides = array<i32>} : memref<4x256xf32, #tpu.memory_space<vmem>>, vector<16xf32>,
      tpu.vector_store %arg22[%swap3A_1292, %swap3A_1293], %add3A_1171 {strides = array<i32>} : memref<4x256xf32, #tpu.memory_space<vmem>>, vector<16xf32>,
      %swap3A_1295 = arith.constant 0 : i32
      %swap3A_1296 = arith.index_cast %swap3A_1295 : i32 to index
      %swap3A_1297 = arith.constant 48 : index
      %swap3A_1298 = tpu.vector_load %arg22[%swap3A_1296, %swap3A_1297] {strides = array<i32>} : memref<4x256xf32, #tpu.memory_space<vmem>>, vector<16xf32>,
      tpu.vector_store %arg22[%swap3A_1296, %swap3A_1297], %add3A_1174 {strides = array<i32>} : memref<4x256xf32, #tpu.memory_space<vmem>>, vector<16xf32>,
      %swap3A_1299 = arith.constant 0 : i32
      %swap3A_1300 = arith.index_cast %swap3A_1299 : i32 to index
      %swap3A_1301 = arith.constant 64 : index
      %swap3A_1302 = tpu.vector_load %arg22[%swap3A_1300, %swap3A_1301] {strides = array<i32>} : memref<4x256xf32, #tpu.memory_space<vmem>>, vector<16xf32>,
      tpu.vector_store %arg22[%swap3A_1300, %swap3A_1301], %add3A_1189 {strides = array<i32>} : memref<4x256xf32, #tpu.memory_space<vmem>>, vector<16xf32>,
      %swap3A_1303 = arith.constant 0 : i32
      %swap3A_1304 = arith.index_cast %swap3A_1303 : i32 to index
      %swap3A_1305 = arith.constant 80 : index
      %swap3A_1306 = tpu.vector_load %arg22[%swap3A_1304, %swap3A_1305] {strides = array<i32>} : memref<4x256xf32, #tpu.memory_space<vmem>>, vector<16xf32>,
      tpu.vector_store %arg22[%swap3A_1304, %swap3A_1305], %add3A_1192 {strides = array<i32>} : memref<4x256xf32, #tpu.memory_space<vmem>>, vector<16xf32>,
      %swap3A_1307 = arith.constant 0 : i32
      %swap3A_1308 = arith.index_cast %swap3A_1307 : i32 to index
      %swap3A_1309 = arith.constant 96 : index
      %swap3A_1310 = tpu.vector_load %arg22[%swap3A_1308, %swap3A_1309] {strides = array<i32>} : memref<4x256xf32, #tpu.memory_space<vmem>>, vector<16xf32>,
      tpu.vector_store %arg22[%swap3A_1308, %swap3A_1309], %add3A_1207 {strides = array<i32>} : memref<4x256xf32, #tpu.memory_space<vmem>>, vector<16xf32>,
      %swap3A_1311 = arith.constant 0 : i32
      %swap3A_1312 = arith.index_cast %swap3A_1311 : i32 to index
      %swap3A_1313 = arith.constant 112 : index
      %swap3A_1314 = tpu.vector_load %arg22[%swap3A_1312, %swap3A_1313] {strides = array<i32>} : memref<4x256xf32, #tpu.memory_space<vmem>>, vector<16xf32>,
      tpu.vector_store %arg22[%swap3A_1312, %swap3A_1313], %add3A_1210 {strides = array<i32>} : memref<4x256xf32, #tpu.memory_space<vmem>>, vector<16xf32>,
      %swap3A_1315 = arith.constant 0 : i32
      %swap3A_1316 = arith.index_cast %swap3A_1315 : i32 to index
      %swap3A_1317 = arith.constant 128 : index
      %swap3A_1318 = tpu.vector_load %arg22[%swap3A_1316, %swap3A_1317] {strides = array<i32>} : memref<4x256xf32, #tpu.memory_space<vmem>>, vector<16xf32>,
      tpu.vector_store %arg22[%swap3A_1316, %swap3A_1317], %add3A_1225 {strides = array<i32>} : memref<4x256xf32, #tpu.memory_space<vmem>>, vector<16xf32>,
      %swap3A_1319 = arith.constant 0 : i32
      %swap3A_1320 = arith.index_cast %swap3A_1319 : i32 to index
      %swap3A_1321 = arith.constant 144 : index
      %swap3A_1322 = tpu.vector_load %arg22[%swap3A_1320, %swap3A_1321] {strides = array<i32>} : memref<4x256xf32, #tpu.memory_space<vmem>>, vector<16xf32>,
      tpu.vector_store %arg22[%swap3A_1320, %swap3A_1321], %add3A_1228 {strides = array<i32>} : memref<4x256xf32, #tpu.memory_space<vmem>>, vector<16xf32>,
      %swap3A_1323 = arith.constant 0 : i32
      %swap3A_1324 = arith.index_cast %swap3A_1323 : i32 to index
      %swap3A_1325 = arith.constant 160 : index
      %swap3A_1326 = tpu.vector_load %arg22[%swap3A_1324, %swap3A_1325] {strides = array<i32>} : memref<4x256xf32, #tpu.memory_space<vmem>>, vector<16xf32>,
      tpu.vector_store %arg22[%swap3A_1324, %swap3A_1325], %add3A_1243 {strides = array<i32>} : memref<4x256xf32, #tpu.memory_space<vmem>>, vector<16xf32>,
      %swap3A_1327 = arith.constant 0 : i32
      %swap3A_1328 = arith.index_cast %swap3A_1327 : i32 to index
      %swap3A_1329 = arith.constant 176 : index
      %swap3A_1330 = tpu.vector_load %arg22[%swap3A_1328, %swap3A_1329] {strides = array<i32>} : memref<4x256xf32, #tpu.memory_space<vmem>>, vector<16xf32>,
      tpu.vector_store %arg22[%swap3A_1328, %swap3A_1329], %add3A_1246 {strides = array<i32>} : memref<4x256xf32, #tpu.memory_space<vmem>>, vector<16xf32>,
      %swap3A_1331 = arith.constant 0 : i32
      %swap3A_1332 = arith.index_cast %swap3A_1331 : i32 to index
      %swap3A_1333 = arith.constant 192 : index
      %swap3A_1334 = tpu.vector_load %arg22[%swap3A_1332, %swap3A_1333] {strides = array<i32>} : memref<4x256xf32, #tpu.memory_space<vmem>>, vector<16xf32>,
      tpu.vector_store %arg22[%swap3A_1332, %swap3A_1333], %add3A_1261 {strides = array<i32>} : memref<4x256xf32, #tpu.memory_space<vmem>>, vector<16xf32>,
      %swap3A_1335 = arith.constant 0 : i32
      %swap3A_1336 = arith.index_cast %swap3A_1335 : i32 to index
      %swap3A_1337 = arith.constant 208 : index
      %swap3A_1338 = tpu.vector_load %arg22[%swap3A_1336, %swap3A_1337] {strides = array<i32>} : memref<4x256xf32, #tpu.memory_space<vmem>>, vector<16xf32>,
      tpu.vector_store %arg22[%swap3A_1336, %swap3A_1337], %add3A_1264 {strides = array<i32>} : memref<4x256xf32, #tpu.memory_space<vmem>>, vector<16xf32>,
      %swap3A_1339 = arith.constant 0 : i32
      %swap3A_1340 = arith.index_cast %swap3A_1339 : i32 to index
      %swap3A_1341 = arith.constant 224 : index
      %swap3A_1342 = tpu.vector_load %arg22[%swap3A_1340, %swap3A_1341] {strides = array<i32>} : memref<4x256xf32, #tpu.memory_space<vmem>>, vector<16xf32>,
      tpu.vector_store %arg22[%swap3A_1340, %swap3A_1341], %add3A_1279 {strides = array<i32>} : memref<4x256xf32, #tpu.memory_space<vmem>>, vector<16xf32>,
      %swap3A_1343 = arith.constant 0 : i32
      %swap3A_1344 = arith.index_cast %swap3A_1343 : i32 to index
      %swap3A_1345 = arith.constant 240 : index
      %swap3A_1346 = tpu.vector_load %arg22[%swap3A_1344, %swap3A_1345] {strides = array<i32>} : memref<4x256xf32, #tpu.memory_space<vmem>>, vector<16xf32>,
      tpu.vector_store %arg22[%swap3A_1344, %swap3A_1345], %add3A_1282 {strides = array<i32>} : memref<4x256xf32, #tpu.memory_space<vmem>>, vector<16xf32>,
      %add3A_1347 = arith.addi %mul3A_1080, %mul3A_1098 : i32
      %add3A_1348 = arith.constant 1 : i32
      %add3A_1349 = arith.addi %add3A_1347, %add3A_1348 : i32
      %add3A_1350 = vector.broadcast %add3A_1349 : i32 to vector<16xi32>
      %add3A_1351 = arith.addi %mul3A_1120, %add3A_1350 : vector<16xi32>
      %gather3A_1352 = tpu.vector_load_idx %arg15[%add3A_1351] : memref<5440xf32, #tpu.memory_space<vmem>>[vector<16xi32>], vector<16xf32>,
      %broadcast_in_dim3A_1353 = arith.constant 0 : i32
      %broadcast_in_dim3A_1354 = vector.broadcast %broadcast_in_dim3A_1353 : i32 to vector<16xi32>
      %add3A_1355 = arith.constant 256 : i32
      %add3A_1356 = arith.addi %mul3A_1080, %add3A_1355 : i32
      %add3A_1357 = arith.addi %add3A_1356, %mul3A_1098 : i32
      %add3A_1358 = arith.constant 1 : i32
      %add3A_1359 = arith.addi %add3A_1357, %add3A_1358 : i32
      %add3A_1360 = vector.broadcast %add3A_1359 : i32 to vector<16xi32>
      %add3A_1361 = arith.addi %broadcast_in_dim3A_1354, %add3A_1360 : vector<16xi32>
      %gather3A_1362 = tpu.vector_load_idx %arg15[%add3A_1361] : memref<5440xf32, #tpu.memory_space<vmem>>[vector<16xi32>], vector<16xf32>,
      %slice3A_1363 = vector.extract_strided_slice %gather3A_1362 {offsets = [0], sizes = [1], strides = [1]} : vector<16xf32> to vector<1xf32>
      %squeeze3A_1364 = vector.extract %slice3A_1363[0] : f32 from vector<1xf32>
      %get3A_1365 = arith.constant 1 : i32
      %get3A_1366 = arith.index_cast %get3A_1365 : i32 to index
      %get3A_1367 = arith.constant 0 : index
      %get3A_1368 = tpu.vector_load %arg20[%get3A_1366, %get3A_1367] {strides = array<i32>} : memref<4x128xi32, #tpu.memory_space<vmem>>, vector<16xi32>,
      %shift_left3A_1369 = arith.constant 16 : i32
      %shift_left3A_1370 = vector.broadcast %shift_left3A_1369 : i32 to vector<16xi32>
      %shift_left3A_1371 = arith.shli %get3A_1368, %shift_left3A_1370 : vector<16xi32>
      %bitcast3A_1372 = vector.bitcast %shift_left3A_1371 : vector<16xi32> to vector<16xf32>
      %and3A_1373 = arith.constant -65536 : i32
      %and3A_1374 = vector.broadcast %and3A_1373 : i32 to vector<16xi32>
      %and3A_1375 = arith.andi %get3A_1368, %and3A_1374 : vector<16xi32>
      %bitcast3A_1376 = vector.bitcast %and3A_1375 : vector<16xi32> to vector<16xf32>
      %mul3A_1377 = vector.broadcast %squeeze3A_1364 : f32 to vector<16xf32>
      %mul3A_1378 = arith.mulf %mul3A_1377, %bitcast3A_1372 : vector<16xf32>
      %add3A_1379 = arith.addf %get3A_37, %mul3A_1378 : vector<16xf32>
      %mul3A_1380 = vector.broadcast %squeeze3A_1364 : f32 to vector<16xf32>
      %mul3A_1381 = arith.mulf %mul3A_1380, %bitcast3A_1376 : vector<16xf32>
      %add3A_1382 = arith.addf %get3A_39, %mul3A_1381 : vector<16xf32>
      %get3A_1383 = arith.constant 1 : i32
      %get3A_1384 = arith.index_cast %get3A_1383 : i32 to index
      %get3A_1385 = arith.constant 16 : index
      %get3A_1386 = tpu.vector_load %arg20[%get3A_1384, %get3A_1385] {strides = array<i32>} : memref<4x128xi32, #tpu.memory_space<vmem>>, vector<16xi32>,
      %shift_left3A_1387 = arith.constant 16 : i32
      %shift_left3A_1388 = vector.broadcast %shift_left3A_1387 : i32 to vector<16xi32>
      %shift_left3A_1389 = arith.shli %get3A_1386, %shift_left3A_1388 : vector<16xi32>
      %bitcast3A_1390 = vector.bitcast %shift_left3A_1389 : vector<16xi32> to vector<16xf32>
      %and3A_1391 = arith.constant -65536 : i32
      %and3A_1392 = vector.broadcast %and3A_1391 : i32 to vector<16xi32>
      %and3A_1393 = arith.andi %get3A_1386, %and3A_1392 : vector<16xi32>
      %bitcast3A_1394 = vector.bitcast %and3A_1393 : vector<16xi32> to vector<16xf32>
      %mul3A_1395 = vector.broadcast %squeeze3A_1364 : f32 to vector<16xf32>
      %mul3A_1396 = arith.mulf %mul3A_1395, %bitcast3A_1390 : vector<16xf32>
      %add3A_1397 = arith.addf %get3A_41, %mul3A_1396 : vector<16xf32>
      %mul3A_1398 = vector.broadcast %squeeze3A_1364 : f32 to vector<16xf32>
      %mul3A_1399 = arith.mulf %mul3A_1398, %bitcast3A_1394 : vector<16xf32>
      %add3A_1400 = arith.addf %get3A_43, %mul3A_1399 : vector<16xf32>
      %get3A_1401 = arith.constant 1 : i32
      %get3A_1402 = arith.index_cast %get3A_1401 : i32 to index
      %get3A_1403 = arith.constant 32 : index
      %get3A_1404 = tpu.vector_load %arg20[%get3A_1402, %get3A_1403] {strides = array<i32>} : memref<4x128xi32, #tpu.memory_space<vmem>>, vector<16xi32>,
      %shift_left3A_1405 = arith.constant 16 : i32
      %shift_left3A_1406 = vector.broadcast %shift_left3A_1405 : i32 to vector<16xi32>
      %shift_left3A_1407 = arith.shli %get3A_1404, %shift_left3A_1406 : vector<16xi32>
      %bitcast3A_1408 = vector.bitcast %shift_left3A_1407 : vector<16xi32> to vector<16xf32>
      %and3A_1409 = arith.constant -65536 : i32
      %and3A_1410 = vector.broadcast %and3A_1409 : i32 to vector<16xi32>
      %and3A_1411 = arith.andi %get3A_1404, %and3A_1410 : vector<16xi32>
      %bitcast3A_1412 = vector.bitcast %and3A_1411 : vector<16xi32> to vector<16xf32>
      %mul3A_1413 = vector.broadcast %squeeze3A_1364 : f32 to vector<16xf32>
      %mul3A_1414 = arith.mulf %mul3A_1413, %bitcast3A_1408 : vector<16xf32>
      %add3A_1415 = arith.addf %get3A_45, %mul3A_1414 : vector<16xf32>
      %mul3A_1416 = vector.broadcast %squeeze3A_1364 : f32 to vector<16xf32>
      %mul3A_1417 = arith.mulf %mul3A_1416, %bitcast3A_1412 : vector<16xf32>
      %add3A_1418 = arith.addf %get3A_47, %mul3A_1417 : vector<16xf32>
      %get3A_1419 = arith.constant 1 : i32
      %get3A_1420 = arith.index_cast %get3A_1419 : i32 to index
      %get3A_1421 = arith.constant 48 : index
      %get3A_1422 = tpu.vector_load %arg20[%get3A_1420, %get3A_1421] {strides = array<i32>} : memref<4x128xi32, #tpu.memory_space<vmem>>, vector<16xi32>,
      %shift_left3A_1423 = arith.constant 16 : i32
      %shift_left3A_1424 = vector.broadcast %shift_left3A_1423 : i32 to vector<16xi32>
      %shift_left3A_1425 = arith.shli %get3A_1422, %shift_left3A_1424 : vector<16xi32>
      %bitcast3A_1426 = vector.bitcast %shift_left3A_1425 : vector<16xi32> to vector<16xf32>
      %and3A_1427 = arith.constant -65536 : i32
      %and3A_1428 = vector.broadcast %and3A_1427 : i32 to vector<16xi32>
      %and3A_1429 = arith.andi %get3A_1422, %and3A_1428 : vector<16xi32>
      %bitcast3A_1430 = vector.bitcast %and3A_1429 : vector<16xi32> to vector<16xf32>
      %mul3A_1431 = vector.broadcast %squeeze3A_1364 : f32 to vector<16xf32>
      %mul3A_1432 = arith.mulf %mul3A_1431, %bitcast3A_1426 : vector<16xf32>
      %add3A_1433 = arith.addf %get3A_49, %mul3A_1432 : vector<16xf32>
      %mul3A_1434 = vector.broadcast %squeeze3A_1364 : f32 to vector<16xf32>
      %mul3A_1435 = arith.mulf %mul3A_1434, %bitcast3A_1430 : vector<16xf32>
      %add3A_1436 = arith.addf %get3A_51, %mul3A_1435 : vector<16xf32>
      %get3A_1437 = arith.constant 1 : i32
      %get3A_1438 = arith.index_cast %get3A_1437 : i32 to index
      %get3A_1439 = arith.constant 64 : index
      %get3A_1440 = tpu.vector_load %arg20[%get3A_1438, %get3A_1439] {strides = array<i32>} : memref<4x128xi32, #tpu.memory_space<vmem>>, vector<16xi32>,
      %shift_left3A_1441 = arith.constant 16 : i32
      %shift_left3A_1442 = vector.broadcast %shift_left3A_1441 : i32 to vector<16xi32>
      %shift_left3A_1443 = arith.shli %get3A_1440, %shift_left3A_1442 : vector<16xi32>
      %bitcast3A_1444 = vector.bitcast %shift_left3A_1443 : vector<16xi32> to vector<16xf32>
      %and3A_1445 = arith.constant -65536 : i32
      %and3A_1446 = vector.broadcast %and3A_1445 : i32 to vector<16xi32>
      %and3A_1447 = arith.andi %get3A_1440, %and3A_1446 : vector<16xi32>
      %bitcast3A_1448 = vector.bitcast %and3A_1447 : vector<16xi32> to vector<16xf32>
      %mul3A_1449 = vector.broadcast %squeeze3A_1364 : f32 to vector<16xf32>
      %mul3A_1450 = arith.mulf %mul3A_1449, %bitcast3A_1444 : vector<16xf32>
      %add3A_1451 = arith.addf %get3A_53, %mul3A_1450 : vector<16xf32>
      %mul3A_1452 = vector.broadcast %squeeze3A_1364 : f32 to vector<16xf32>
      %mul3A_1453 = arith.mulf %mul3A_1452, %bitcast3A_1448 : vector<16xf32>
      %add3A_1454 = arith.addf %get3A_55, %mul3A_1453 : vector<16xf32>
      %get3A_1455 = arith.constant 1 : i32
      %get3A_1456 = arith.index_cast %get3A_1455 : i32 to index
      %get3A_1457 = arith.constant 80 : index
      %get3A_1458 = tpu.vector_load %arg20[%get3A_1456, %get3A_1457] {strides = array<i32>} : memref<4x128xi32, #tpu.memory_space<vmem>>, vector<16xi32>,
      %shift_left3A_1459 = arith.constant 16 : i32
      %shift_left3A_1460 = vector.broadcast %shift_left3A_1459 : i32 to vector<16xi32>
      %shift_left3A_1461 = arith.shli %get3A_1458, %shift_left3A_1460 : vector<16xi32>
      %bitcast3A_1462 = vector.bitcast %shift_left3A_1461 : vector<16xi32> to vector<16xf32>
      %and3A_1463 = arith.constant -65536 : i32
      %and3A_1464 = vector.broadcast %and3A_1463 : i32 to vector<16xi32>
      %and3A_1465 = arith.andi %get3A_1458, %and3A_1464 : vector<16xi32>
      %bitcast3A_1466 = vector.bitcast %and3A_1465 : vector<16xi32> to vector<16xf32>
      %mul3A_1467 = vector.broadcast %squeeze3A_1364 : f32 to vector<16xf32>
      %mul3A_1468 = arith.mulf %mul3A_1467, %bitcast3A_1462 : vector<16xf32>
      %add3A_1469 = arith.addf %get3A_57, %mul3A_1468 : vector<16xf32>
      %mul3A_1470 = vector.broadcast %squeeze3A_1364 : f32 to vector<16xf32>
      %mul3A_1471 = arith.mulf %mul3A_1470, %bitcast3A_1466 : vector<16xf32>
      %add3A_1472 = arith.addf %get3A_59, %mul3A_1471 : vector<16xf32>
      %get3A_1473 = arith.constant 1 : i32
      %get3A_1474 = arith.index_cast %get3A_1473 : i32 to index
      %get3A_1475 = arith.constant 96 : index
      %get3A_1476 = tpu.vector_load %arg20[%get3A_1474, %get3A_1475] {strides = array<i32>} : memref<4x128xi32, #tpu.memory_space<vmem>>, vector<16xi32>,
      %shift_left3A_1477 = arith.constant 16 : i32
      %shift_left3A_1478 = vector.broadcast %shift_left3A_1477 : i32 to vector<16xi32>
      %shift_left3A_1479 = arith.shli %get3A_1476, %shift_left3A_1478 : vector<16xi32>
      %bitcast3A_1480 = vector.bitcast %shift_left3A_1479 : vector<16xi32> to vector<16xf32>
      %and3A_1481 = arith.constant -65536 : i32
      %and3A_1482 = vector.broadcast %and3A_1481 : i32 to vector<16xi32>
      %and3A_1483 = arith.andi %get3A_1476, %and3A_1482 : vector<16xi32>
      %bitcast3A_1484 = vector.bitcast %and3A_1483 : vector<16xi32> to vector<16xf32>
      %mul3A_1485 = vector.broadcast %squeeze3A_1364 : f32 to vector<16xf32>
      %mul3A_1486 = arith.mulf %mul3A_1485, %bitcast3A_1480 : vector<16xf32>
      %add3A_1487 = arith.addf %get3A_61, %mul3A_1486 : vector<16xf32>
      %mul3A_1488 = vector.broadcast %squeeze3A_1364 : f32 to vector<16xf32>
      %mul3A_1489 = arith.mulf %mul3A_1488, %bitcast3A_1484 : vector<16xf32>
      %add3A_1490 = arith.addf %get3A_63, %mul3A_1489 : vector<16xf32>
      %get3A_1491 = arith.constant 1 : i32
      %get3A_1492 = arith.index_cast %get3A_1491 : i32 to index
      %get3A_1493 = arith.constant 112 : index
      %get3A_1494 = tpu.vector_load %arg20[%get3A_1492, %get3A_1493] {strides = array<i32>} : memref<4x128xi32, #tpu.memory_space<vmem>>, vector<16xi32>,
      %shift_left3A_1495 = arith.constant 16 : i32
      %shift_left3A_1496 = vector.broadcast %shift_left3A_1495 : i32 to vector<16xi32>
      %shift_left3A_1497 = arith.shli %get3A_1494, %shift_left3A_1496 : vector<16xi32>
      %bitcast3A_1498 = vector.bitcast %shift_left3A_1497 : vector<16xi32> to vector<16xf32>
      %and3A_1499 = arith.constant -65536 : i32
      %and3A_1500 = vector.broadcast %and3A_1499 : i32 to vector<16xi32>
      %and3A_1501 = arith.andi %get3A_1494, %and3A_1500 : vector<16xi32>
      %bitcast3A_1502 = vector.bitcast %and3A_1501 : vector<16xi32> to vector<16xf32>
      %mul3A_1503 = vector.broadcast %squeeze3A_1364 : f32 to vector<16xf32>
      %mul3A_1504 = arith.mulf %mul3A_1503, %bitcast3A_1498 : vector<16xf32>
      %add3A_1505 = arith.addf %get3A_65, %mul3A_1504 : vector<16xf32>
      %mul3A_1506 = vector.broadcast %squeeze3A_1364 : f32 to vector<16xf32>
      %mul3A_1507 = arith.mulf %mul3A_1506, %bitcast3A_1502 : vector<16xf32>
      %add3A_1508 = arith.addf %get3A_67, %mul3A_1507 : vector<16xf32>
      %swap3A_1509 = arith.constant 1 : i32
      %swap3A_1510 = arith.index_cast %swap3A_1509 : i32 to index
      %swap3A_1511 = arith.constant 0 : index
      %swap3A_1512 = tpu.vector_load %arg22[%swap3A_1510, %swap3A_1511] {strides = array<i32>} : memref<4x256xf32, #tpu.memory_space<vmem>>, vector<16xf32>,
      tpu.vector_store %arg22[%swap3A_1510, %swap3A_1511], %add3A_1379 {strides = array<i32>} : memref<4x256xf32, #tpu.memory_space<vmem>>, vector<16xf32>,
      %swap3A_1513 = arith.constant 1 : i32
      %swap3A_1514 = arith.index_cast %swap3A_1513 : i32 to index
      %swap3A_1515 = arith.constant 16 : index
      %swap3A_1516 = tpu.vector_load %arg22[%swap3A_1514, %swap3A_1515] {strides = array<i32>} : memref<4x256xf32, #tpu.memory_space<vmem>>, vector<16xf32>,
      tpu.vector_store %arg22[%swap3A_1514, %swap3A_1515], %add3A_1382 {strides = array<i32>} : memref<4x256xf32, #tpu.memory_space<vmem>>, vector<16xf32>,
      %swap3A_1517 = arith.constant 1 : i32
      %swap3A_1518 = arith.index_cast %swap3A_1517 : i32 to index
      %swap3A_1519 = arith.constant 32 : index
      %swap3A_1520 = tpu.vector_load %arg22[%swap3A_1518, %swap3A_1519] {strides = array<i32>} : memref<4x256xf32, #tpu.memory_space<vmem>>, vector<16xf32>,
      tpu.vector_store %arg22[%swap3A_1518, %swap3A_1519], %add3A_1397 {strides = array<i32>} : memref<4x256xf32, #tpu.memory_space<vmem>>, vector<16xf32>,
      %swap3A_1521 = arith.constant 1 : i32
      %swap3A_1522 = arith.index_cast %swap3A_1521 : i32 to index
      %swap3A_1523 = arith.constant 48 : index
      %swap3A_1524 = tpu.vector_load %arg22[%swap3A_1522, %swap3A_1523] {strides = array<i32>} : memref<4x256xf32, #tpu.memory_space<vmem>>, vector<16xf32>,
      tpu.vector_store %arg22[%swap3A_1522, %swap3A_1523], %add3A_1400 {strides = array<i32>} : memref<4x256xf32, #tpu.memory_space<vmem>>, vector<16xf32>,
      %swap3A_1525 = arith.constant 1 : i32
      %swap3A_1526 = arith.index_cast %swap3A_1525 : i32 to index
      %swap3A_1527 = arith.constant 64 : index
      %swap3A_1528 = tpu.vector_load %arg22[%swap3A_1526, %swap3A_1527] {strides = array<i32>} : memref<4x256xf32, #tpu.memory_space<vmem>>, vector<16xf32>,
      tpu.vector_store %arg22[%swap3A_1526, %swap3A_1527], %add3A_1415 {strides = array<i32>} : memref<4x256xf32, #tpu.memory_space<vmem>>, vector<16xf32>,
      %swap3A_1529 = arith.constant 1 : i32
      %swap3A_1530 = arith.index_cast %swap3A_1529 : i32 to index
      %swap3A_1531 = arith.constant 80 : index
      %swap3A_1532 = tpu.vector_load %arg22[%swap3A_1530, %swap3A_1531] {strides = array<i32>} : memref<4x256xf32, #tpu.memory_space<vmem>>, vector<16xf32>,
      tpu.vector_store %arg22[%swap3A_1530, %swap3A_1531], %add3A_1418 {strides = array<i32>} : memref<4x256xf32, #tpu.memory_space<vmem>>, vector<16xf32>,
      %swap3A_1533 = arith.constant 1 : i32
      %swap3A_1534 = arith.index_cast %swap3A_1533 : i32 to index
      %swap3A_1535 = arith.constant 96 : index
      %swap3A_1536 = tpu.vector_load %arg22[%swap3A_1534, %swap3A_1535] {strides = array<i32>} : memref<4x256xf32, #tpu.memory_space<vmem>>, vector<16xf32>,
      tpu.vector_store %arg22[%swap3A_1534, %swap3A_1535], %add3A_1433 {strides = array<i32>} : memref<4x256xf32, #tpu.memory_space<vmem>>, vector<16xf32>,
      %swap3A_1537 = arith.constant 1 : i32
      %swap3A_1538 = arith.index_cast %swap3A_1537 : i32 to index
      %swap3A_1539 = arith.constant 112 : index
      %swap3A_1540 = tpu.vector_load %arg22[%swap3A_1538, %swap3A_1539] {strides = array<i32>} : memref<4x256xf32, #tpu.memory_space<vmem>>, vector<16xf32>,
      tpu.vector_store %arg22[%swap3A_1538, %swap3A_1539], %add3A_1436 {strides = array<i32>} : memref<4x256xf32, #tpu.memory_space<vmem>>, vector<16xf32>,
      %swap3A_1541 = arith.constant 1 : i32
      %swap3A_1542 = arith.index_cast %swap3A_1541 : i32 to index
      %swap3A_1543 = arith.constant 128 : index
      %swap3A_1544 = tpu.vector_load %arg22[%swap3A_1542, %swap3A_1543] {strides = array<i32>} : memref<4x256xf32, #tpu.memory_space<vmem>>, vector<16xf32>,
      tpu.vector_store %arg22[%swap3A_1542, %swap3A_1543], %add3A_1451 {strides = array<i32>} : memref<4x256xf32, #tpu.memory_space<vmem>>, vector<16xf32>,
      %swap3A_1545 = arith.constant 1 : i32
      %swap3A_1546 = arith.index_cast %swap3A_1545 : i32 to index
      %swap3A_1547 = arith.constant 144 : index
      %swap3A_1548 = tpu.vector_load %arg22[%swap3A_1546, %swap3A_1547] {strides = array<i32>} : memref<4x256xf32, #tpu.memory_space<vmem>>, vector<16xf32>,
      tpu.vector_store %arg22[%swap3A_1546, %swap3A_1547], %add3A_1454 {strides = array<i32>} : memref<4x256xf32, #tpu.memory_space<vmem>>, vector<16xf32>,
      %swap3A_1549 = arith.constant 1 : i32
      %swap3A_1550 = arith.index_cast %swap3A_1549 : i32 to index
      %swap3A_1551 = arith.constant 160 : index
      %swap3A_1552 = tpu.vector_load %arg22[%swap3A_1550, %swap3A_1551] {strides = array<i32>} : memref<4x256xf32, #tpu.memory_space<vmem>>, vector<16xf32>,
      tpu.vector_store %arg22[%swap3A_1550, %swap3A_1551], %add3A_1469 {strides = array<i32>} : memref<4x256xf32, #tpu.memory_space<vmem>>, vector<16xf32>,
      %swap3A_1553 = arith.constant 1 : i32
      %swap3A_1554 = arith.index_cast %swap3A_1553 : i32 to index
      %swap3A_1555 = arith.constant 176 : index
      %swap3A_1556 = tpu.vector_load %arg22[%swap3A_1554, %swap3A_1555] {strides = array<i32>} : memref<4x256xf32, #tpu.memory_space<vmem>>, vector<16xf32>,
      tpu.vector_store %arg22[%swap3A_1554, %swap3A_1555], %add3A_1472 {strides = array<i32>} : memref<4x256xf32, #tpu.memory_space<vmem>>, vector<16xf32>,
      %swap3A_1557 = arith.constant 1 : i32
      %swap3A_1558 = arith.index_cast %swap3A_1557 : i32 to index
      %swap3A_1559 = arith.constant 192 : index
      %swap3A_1560 = tpu.vector_load %arg22[%swap3A_1558, %swap3A_1559] {strides = array<i32>} : memref<4x256xf32, #tpu.memory_space<vmem>>, vector<16xf32>,
      tpu.vector_store %arg22[%swap3A_1558, %swap3A_1559], %add3A_1487 {strides = array<i32>} : memref<4x256xf32, #tpu.memory_space<vmem>>, vector<16xf32>,
      %swap3A_1561 = arith.constant 1 : i32
      %swap3A_1562 = arith.index_cast %swap3A_1561 : i32 to index
      %swap3A_1563 = arith.constant 208 : index
      %swap3A_1564 = tpu.vector_load %arg22[%swap3A_1562, %swap3A_1563] {strides = array<i32>} : memref<4x256xf32, #tpu.memory_space<vmem>>, vector<16xf32>,
      tpu.vector_store %arg22[%swap3A_1562, %swap3A_1563], %add3A_1490 {strides = array<i32>} : memref<4x256xf32, #tpu.memory_space<vmem>>, vector<16xf32>,
      %swap3A_1565 = arith.constant 1 : i32
      %swap3A_1566 = arith.index_cast %swap3A_1565 : i32 to index
      %swap3A_1567 = arith.constant 224 : index
      %swap3A_1568 = tpu.vector_load %arg22[%swap3A_1566, %swap3A_1567] {strides = array<i32>} : memref<4x256xf32, #tpu.memory_space<vmem>>, vector<16xf32>,
      tpu.vector_store %arg22[%swap3A_1566, %swap3A_1567], %add3A_1505 {strides = array<i32>} : memref<4x256xf32, #tpu.memory_space<vmem>>, vector<16xf32>,
      %swap3A_1569 = arith.constant 1 : i32
      %swap3A_1570 = arith.index_cast %swap3A_1569 : i32 to index
      %swap3A_1571 = arith.constant 240 : index
      %swap3A_1572 = tpu.vector_load %arg22[%swap3A_1570, %swap3A_1571] {strides = array<i32>} : memref<4x256xf32, #tpu.memory_space<vmem>>, vector<16xf32>,
      tpu.vector_store %arg22[%swap3A_1570, %swap3A_1571], %add3A_1508 {strides = array<i32>} : memref<4x256xf32, #tpu.memory_space<vmem>>, vector<16xf32>,
      %add3A_1573 = arith.addi %mul3A_1080, %mul3A_1098 : i32
      %add3A_1574 = arith.constant 2 : i32
      %add3A_1575 = arith.addi %add3A_1573, %add3A_1574 : i32
      %add3A_1576 = vector.broadcast %add3A_1575 : i32 to vector<16xi32>
      %add3A_1577 = arith.addi %mul3A_1120, %add3A_1576 : vector<16xi32>
      %gather3A_1578 = tpu.vector_load_idx %arg15[%add3A_1577] : memref<5440xf32, #tpu.memory_space<vmem>>[vector<16xi32>], vector<16xf32>,
      %broadcast_in_dim3A_1579 = arith.constant 0 : i32
      %broadcast_in_dim3A_1580 = vector.broadcast %broadcast_in_dim3A_1579 : i32 to vector<16xi32>
      %add3A_1581 = arith.constant 256 : i32
      %add3A_1582 = arith.addi %mul3A_1080, %add3A_1581 : i32
      %add3A_1583 = arith.addi %add3A_1582, %mul3A_1098 : i32
      %add3A_1584 = arith.constant 2 : i32
      %add3A_1585 = arith.addi %add3A_1583, %add3A_1584 : i32
      %add3A_1586 = vector.broadcast %add3A_1585 : i32 to vector<16xi32>
      %add3A_1587 = arith.addi %broadcast_in_dim3A_1580, %add3A_1586 : vector<16xi32>
      %gather3A_1588 = tpu.vector_load_idx %arg15[%add3A_1587] : memref<5440xf32, #tpu.memory_space<vmem>>[vector<16xi32>], vector<16xf32>,
      %slice3A_1589 = vector.extract_strided_slice %gather3A_1588 {offsets = [0], sizes = [1], strides = [1]} : vector<16xf32> to vector<1xf32>
      %squeeze3A_1590 = vector.extract %slice3A_1589[0] : f32 from vector<1xf32>
      %get3A_1591 = arith.constant 2 : i32
      %get3A_1592 = arith.index_cast %get3A_1591 : i32 to index
      %get3A_1593 = arith.constant 0 : index
      %get3A_1594 = tpu.vector_load %arg20[%get3A_1592, %get3A_1593] {strides = array<i32>} : memref<4x128xi32, #tpu.memory_space<vmem>>, vector<16xi32>,
      %shift_left3A_1595 = arith.constant 16 : i32
      %shift_left3A_1596 = vector.broadcast %shift_left3A_1595 : i32 to vector<16xi32>
      %shift_left3A_1597 = arith.shli %get3A_1594, %shift_left3A_1596 : vector<16xi32>
      %bitcast3A_1598 = vector.bitcast %shift_left3A_1597 : vector<16xi32> to vector<16xf32>
      %and3A_1599 = arith.constant -65536 : i32
      %and3A_1600 = vector.broadcast %and3A_1599 : i32 to vector<16xi32>
      %and3A_1601 = arith.andi %get3A_1594, %and3A_1600 : vector<16xi32>
      %bitcast3A_1602 = vector.bitcast %and3A_1601 : vector<16xi32> to vector<16xf32>
      %mul3A_1603 = vector.broadcast %squeeze3A_1590 : f32 to vector<16xf32>
      %mul3A_1604 = arith.mulf %mul3A_1603, %bitcast3A_1598 : vector<16xf32>
      %add3A_1605 = arith.addf %get3A_37, %mul3A_1604 : vector<16xf32>
      %mul3A_1606 = vector.broadcast %squeeze3A_1590 : f32 to vector<16xf32>
      %mul3A_1607 = arith.mulf %mul3A_1606, %bitcast3A_1602 : vector<16xf32>
      %add3A_1608 = arith.addf %get3A_39, %mul3A_1607 : vector<16xf32>
      %get3A_1609 = arith.constant 2 : i32
      %get3A_1610 = arith.index_cast %get3A_1609 : i32 to index
      %get3A_1611 = arith.constant 16 : index
      %get3A_1612 = tpu.vector_load %arg20[%get3A_1610, %get3A_1611] {strides = array<i32>} : memref<4x128xi32, #tpu.memory_space<vmem>>, vector<16xi32>,
      %shift_left3A_1613 = arith.constant 16 : i32
      %shift_left3A_1614 = vector.broadcast %shift_left3A_1613 : i32 to vector<16xi32>
      %shift_left3A_1615 = arith.shli %get3A_1612, %shift_left3A_1614 : vector<16xi32>
      %bitcast3A_1616 = vector.bitcast %shift_left3A_1615 : vector<16xi32> to vector<16xf32>
      %and3A_1617 = arith.constant -65536 : i32
      %and3A_1618 = vector.broadcast %and3A_1617 : i32 to vector<16xi32>
      %and3A_1619 = arith.andi %get3A_1612, %and3A_1618 : vector<16xi32>
      %bitcast3A_1620 = vector.bitcast %and3A_1619 : vector<16xi32> to vector<16xf32>
      %mul3A_1621 = vector.broadcast %squeeze3A_1590 : f32 to vector<16xf32>
      %mul3A_1622 = arith.mulf %mul3A_1621, %bitcast3A_1616 : vector<16xf32>
      %add3A_1623 = arith.addf %get3A_41, %mul3A_1622 : vector<16xf32>
      %mul3A_1624 = vector.broadcast %squeeze3A_1590 : f32 to vector<16xf32>
      %mul3A_1625 = arith.mulf %mul3A_1624, %bitcast3A_1620 : vector<16xf32>
      %add3A_1626 = arith.addf %get3A_43, %mul3A_1625 : vector<16xf32>
      %get3A_1627 = arith.constant 2 : i32
      %get3A_1628 = arith.index_cast %get3A_1627 : i32 to index
      %get3A_1629 = arith.constant 32 : index
      %get3A_1630 = tpu.vector_load %arg20[%get3A_1628, %get3A_1629] {strides = array<i32>} : memref<4x128xi32, #tpu.memory_space<vmem>>, vector<16xi32>,
      %shift_left3A_1631 = arith.constant 16 : i32
      %shift_left3A_1632 = vector.broadcast %shift_left3A_1631 : i32 to vector<16xi32>
      %shift_left3A_1633 = arith.shli %get3A_1630, %shift_left3A_1632 : vector<16xi32>
      %bitcast3A_1634 = vector.bitcast %shift_left3A_1633 : vector<16xi32> to vector<16xf32>
      %and3A_1635 = arith.constant -65536 : i32
      %and3A_1636 = vector.broadcast %and3A_1635 : i32 to vector<16xi32>
      %and3A_1637 = arith.andi %get3A_1630, %and3A_1636 : vector<16xi32>
      %bitcast3A_1638 = vector.bitcast %and3A_1637 : vector<16xi32> to vector<16xf32>
      %mul3A_1639 = vector.broadcast %squeeze3A_1590 : f32 to vector<16xf32>
      %mul3A_1640 = arith.mulf %mul3A_1639, %bitcast3A_1634 : vector<16xf32>
      %add3A_1641 = arith.addf %get3A_45, %mul3A_1640 : vector<16xf32>
      %mul3A_1642 = vector.broadcast %squeeze3A_1590 : f32 to vector<16xf32>
      %mul3A_1643 = arith.mulf %mul3A_1642, %bitcast3A_1638 : vector<16xf32>
      %add3A_1644 = arith.addf %get3A_47, %mul3A_1643 : vector<16xf32>
      %get3A_1645 = arith.constant 2 : i32
      %get3A_1646 = arith.index_cast %get3A_1645 : i32 to index
      %get3A_1647 = arith.constant 48 : index
      %get3A_1648 = tpu.vector_load %arg20[%get3A_1646, %get3A_1647] {strides = array<i32>} : memref<4x128xi32, #tpu.memory_space<vmem>>, vector<16xi32>,
      %shift_left3A_1649 = arith.constant 16 : i32
      %shift_left3A_1650 = vector.broadcast %shift_left3A_1649 : i32 to vector<16xi32>
      %shift_left3A_1651 = arith.shli %get3A_1648, %shift_left3A_1650 : vector<16xi32>
      %bitcast3A_1652 = vector.bitcast %shift_left3A_1651 : vector<16xi32> to vector<16xf32>
      %and3A_1653 = arith.constant -65536 : i32
      %and3A_1654 = vector.broadcast %and3A_1653 : i32 to vector<16xi32>
      %and3A_1655 = arith.andi %get3A_1648, %and3A_1654 : vector<16xi32>
      %bitcast3A_1656 = vector.bitcast %and3A_1655 : vector<16xi32> to vector<16xf32>
      %mul3A_1657 = vector.broadcast %squeeze3A_1590 : f32 to vector<16xf32>
      %mul3A_1658 = arith.mulf %mul3A_1657, %bitcast3A_1652 : vector<16xf32>
      %add3A_1659 = arith.addf %get3A_49, %mul3A_1658 : vector<16xf32>
      %mul3A_1660 = vector.broadcast %squeeze3A_1590 : f32 to vector<16xf32>
      %mul3A_1661 = arith.mulf %mul3A_1660, %bitcast3A_1656 : vector<16xf32>
      %add3A_1662 = arith.addf %get3A_51, %mul3A_1661 : vector<16xf32>
      %get3A_1663 = arith.constant 2 : i32
      %get3A_1664 = arith.index_cast %get3A_1663 : i32 to index
      %get3A_1665 = arith.constant 64 : index
      %get3A_1666 = tpu.vector_load %arg20[%get3A_1664, %get3A_1665] {strides = array<i32>} : memref<4x128xi32, #tpu.memory_space<vmem>>, vector<16xi32>,
      %shift_left3A_1667 = arith.constant 16 : i32
      %shift_left3A_1668 = vector.broadcast %shift_left3A_1667 : i32 to vector<16xi32>
      %shift_left3A_1669 = arith.shli %get3A_1666, %shift_left3A_1668 : vector<16xi32>
      %bitcast3A_1670 = vector.bitcast %shift_left3A_1669 : vector<16xi32> to vector<16xf32>
      %and3A_1671 = arith.constant -65536 : i32
      %and3A_1672 = vector.broadcast %and3A_1671 : i32 to vector<16xi32>
      %and3A_1673 = arith.andi %get3A_1666, %and3A_1672 : vector<16xi32>
      %bitcast3A_1674 = vector.bitcast %and3A_1673 : vector<16xi32> to vector<16xf32>
      %mul3A_1675 = vector.broadcast %squeeze3A_1590 : f32 to vector<16xf32>
      %mul3A_1676 = arith.mulf %mul3A_1675, %bitcast3A_1670 : vector<16xf32>
      %add3A_1677 = arith.addf %get3A_53, %mul3A_1676 : vector<16xf32>
      %mul3A_1678 = vector.broadcast %squeeze3A_1590 : f32 to vector<16xf32>
      %mul3A_1679 = arith.mulf %mul3A_1678, %bitcast3A_1674 : vector<16xf32>
      %add3A_1680 = arith.addf %get3A_55, %mul3A_1679 : vector<16xf32>
      %get3A_1681 = arith.constant 2 : i32
      %get3A_1682 = arith.index_cast %get3A_1681 : i32 to index
      %get3A_1683 = arith.constant 80 : index
      %get3A_1684 = tpu.vector_load %arg20[%get3A_1682, %get3A_1683] {strides = array<i32>} : memref<4x128xi32, #tpu.memory_space<vmem>>, vector<16xi32>,
      %shift_left3A_1685 = arith.constant 16 : i32
      %shift_left3A_1686 = vector.broadcast %shift_left3A_1685 : i32 to vector<16xi32>
      %shift_left3A_1687 = arith.shli %get3A_1684, %shift_left3A_1686 : vector<16xi32>
      %bitcast3A_1688 = vector.bitcast %shift_left3A_1687 : vector<16xi32> to vector<16xf32>
      %and3A_1689 = arith.constant -65536 : i32
      %and3A_1690 = vector.broadcast %and3A_1689 : i32 to vector<16xi32>
      %and3A_1691 = arith.andi %get3A_1684, %and3A_1690 : vector<16xi32>
      %bitcast3A_1692 = vector.bitcast %and3A_1691 : vector<16xi32> to vector<16xf32>
      %mul3A_1693 = vector.broadcast %squeeze3A_1590 : f32 to vector<16xf32>
      %mul3A_1694 = arith.mulf %mul3A_1693, %bitcast3A_1688 : vector<16xf32>
      %add3A_1695 = arith.addf %get3A_57, %mul3A_1694 : vector<16xf32>
      %mul3A_1696 = vector.broadcast %squeeze3A_1590 : f32 to vector<16xf32>
      %mul3A_1697 = arith.mulf %mul3A_1696, %bitcast3A_1692 : vector<16xf32>
      %add3A_1698 = arith.addf %get3A_59, %mul3A_1697 : vector<16xf32>
      %get3A_1699 = arith.constant 2 : i32
      %get3A_1700 = arith.index_cast %get3A_1699 : i32 to index
      %get3A_1701 = arith.constant 96 : index
      %get3A_1702 = tpu.vector_load %arg20[%get3A_1700, %get3A_1701] {strides = array<i32>} : memref<4x128xi32, #tpu.memory_space<vmem>>, vector<16xi32>,
      %shift_left3A_1703 = arith.constant 16 : i32
      %shift_left3A_1704 = vector.broadcast %shift_left3A_1703 : i32 to vector<16xi32>
      %shift_left3A_1705 = arith.shli %get3A_1702, %shift_left3A_1704 : vector<16xi32>
      %bitcast3A_1706 = vector.bitcast %shift_left3A_1705 : vector<16xi32> to vector<16xf32>
      %and3A_1707 = arith.constant -65536 : i32
      %and3A_1708 = vector.broadcast %and3A_1707 : i32 to vector<16xi32>
      %and3A_1709 = arith.andi %get3A_1702, %and3A_1708 : vector<16xi32>
      %bitcast3A_1710 = vector.bitcast %and3A_1709 : vector<16xi32> to vector<16xf32>
      %mul3A_1711 = vector.broadcast %squeeze3A_1590 : f32 to vector<16xf32>
      %mul3A_1712 = arith.mulf %mul3A_1711, %bitcast3A_1706 : vector<16xf32>
      %add3A_1713 = arith.addf %get3A_61, %mul3A_1712 : vector<16xf32>
      %mul3A_1714 = vector.broadcast %squeeze3A_1590 : f32 to vector<16xf32>
      %mul3A_1715 = arith.mulf %mul3A_1714, %bitcast3A_1710 : vector<16xf32>
      %add3A_1716 = arith.addf %get3A_63, %mul3A_1715 : vector<16xf32>
      %get3A_1717 = arith.constant 2 : i32
      %get3A_1718 = arith.index_cast %get3A_1717 : i32 to index
      %get3A_1719 = arith.constant 112 : index
      %get3A_1720 = tpu.vector_load %arg20[%get3A_1718, %get3A_1719] {strides = array<i32>} : memref<4x128xi32, #tpu.memory_space<vmem>>, vector<16xi32>,
      %shift_left3A_1721 = arith.constant 16 : i32
      %shift_left3A_1722 = vector.broadcast %shift_left3A_1721 : i32 to vector<16xi32>
      %shift_left3A_1723 = arith.shli %get3A_1720, %shift_left3A_1722 : vector<16xi32>
      %bitcast3A_1724 = vector.bitcast %shift_left3A_1723 : vector<16xi32> to vector<16xf32>
      %and3A_1725 = arith.constant -65536 : i32
      %and3A_1726 = vector.broadcast %and3A_1725 : i32 to vector<16xi32>
      %and3A_1727 = arith.andi %get3A_1720, %and3A_1726 : vector<16xi32>
      %bitcast3A_1728 = vector.bitcast %and3A_1727 : vector<16xi32> to vector<16xf32>
      %mul3A_1729 = vector.broadcast %squeeze3A_1590 : f32 to vector<16xf32>
      %mul3A_1730 = arith.mulf %mul3A_1729, %bitcast3A_1724 : vector<16xf32>
      %add3A_1731 = arith.addf %get3A_65, %mul3A_1730 : vector<16xf32>
      %mul3A_1732 = vector.broadcast %squeeze3A_1590 : f32 to vector<16xf32>
      %mul3A_1733 = arith.mulf %mul3A_1732, %bitcast3A_1728 : vector<16xf32>
      %add3A_1734 = arith.addf %get3A_67, %mul3A_1733 : vector<16xf32>
      %swap3A_1735 = arith.constant 2 : i32
      %swap3A_1736 = arith.index_cast %swap3A_1735 : i32 to index
      %swap3A_1737 = arith.constant 0 : index
      %swap3A_1738 = tpu.vector_load %arg22[%swap3A_1736, %swap3A_1737] {strides = array<i32>} : memref<4x256xf32, #tpu.memory_space<vmem>>, vector<16xf32>,
      tpu.vector_store %arg22[%swap3A_1736, %swap3A_1737], %add3A_1605 {strides = array<i32>} : memref<4x256xf32, #tpu.memory_space<vmem>>, vector<16xf32>,
      %swap3A_1739 = arith.constant 2 : i32
      %swap3A_1740 = arith.index_cast %swap3A_1739 : i32 to index
      %swap3A_1741 = arith.constant 16 : index
      %swap3A_1742 = tpu.vector_load %arg22[%swap3A_1740, %swap3A_1741] {strides = array<i32>} : memref<4x256xf32, #tpu.memory_space<vmem>>, vector<16xf32>,
      tpu.vector_store %arg22[%swap3A_1740, %swap3A_1741], %add3A_1608 {strides = array<i32>} : memref<4x256xf32, #tpu.memory_space<vmem>>, vector<16xf32>,
      %swap3A_1743 = arith.constant 2 : i32
      %swap3A_1744 = arith.index_cast %swap3A_1743 : i32 to index
      %swap3A_1745 = arith.constant 32 : index
      %swap3A_1746 = tpu.vector_load %arg22[%swap3A_1744, %swap3A_1745] {strides = array<i32>} : memref<4x256xf32, #tpu.memory_space<vmem>>, vector<16xf32>,
      tpu.vector_store %arg22[%swap3A_1744, %swap3A_1745], %add3A_1623 {strides = array<i32>} : memref<4x256xf32, #tpu.memory_space<vmem>>, vector<16xf32>,
      %swap3A_1747 = arith.constant 2 : i32
      %swap3A_1748 = arith.index_cast %swap3A_1747 : i32 to index
      %swap3A_1749 = arith.constant 48 : index
      %swap3A_1750 = tpu.vector_load %arg22[%swap3A_1748, %swap3A_1749] {strides = array<i32>} : memref<4x256xf32, #tpu.memory_space<vmem>>, vector<16xf32>,
      tpu.vector_store %arg22[%swap3A_1748, %swap3A_1749], %add3A_1626 {strides = array<i32>} : memref<4x256xf32, #tpu.memory_space<vmem>>, vector<16xf32>,
      %swap3A_1751 = arith.constant 2 : i32
      %swap3A_1752 = arith.index_cast %swap3A_1751 : i32 to index
      %swap3A_1753 = arith.constant 64 : index
      %swap3A_1754 = tpu.vector_load %arg22[%swap3A_1752, %swap3A_1753] {strides = array<i32>} : memref<4x256xf32, #tpu.memory_space<vmem>>, vector<16xf32>,
      tpu.vector_store %arg22[%swap3A_1752, %swap3A_1753], %add3A_1641 {strides = array<i32>} : memref<4x256xf32, #tpu.memory_space<vmem>>, vector<16xf32>,
      %swap3A_1755 = arith.constant 2 : i32
      %swap3A_1756 = arith.index_cast %swap3A_1755 : i32 to index
      %swap3A_1757 = arith.constant 80 : index
      %swap3A_1758 = tpu.vector_load %arg22[%swap3A_1756, %swap3A_1757] {strides = array<i32>} : memref<4x256xf32, #tpu.memory_space<vmem>>, vector<16xf32>,
      tpu.vector_store %arg22[%swap3A_1756, %swap3A_1757], %add3A_1644 {strides = array<i32>} : memref<4x256xf32, #tpu.memory_space<vmem>>, vector<16xf32>,
      %swap3A_1759 = arith.constant 2 : i32
      %swap3A_1760 = arith.index_cast %swap3A_1759 : i32 to index
      %swap3A_1761 = arith.constant 96 : index
      %swap3A_1762 = tpu.vector_load %arg22[%swap3A_1760, %swap3A_1761] {strides = array<i32>} : memref<4x256xf32, #tpu.memory_space<vmem>>, vector<16xf32>,
      tpu.vector_store %arg22[%swap3A_1760, %swap3A_1761], %add3A_1659 {strides = array<i32>} : memref<4x256xf32, #tpu.memory_space<vmem>>, vector<16xf32>,
      %swap3A_1763 = arith.constant 2 : i32
      %swap3A_1764 = arith.index_cast %swap3A_1763 : i32 to index
      %swap3A_1765 = arith.constant 112 : index
      %swap3A_1766 = tpu.vector_load %arg22[%swap3A_1764, %swap3A_1765] {strides = array<i32>} : memref<4x256xf32, #tpu.memory_space<vmem>>, vector<16xf32>,
      tpu.vector_store %arg22[%swap3A_1764, %swap3A_1765], %add3A_1662 {strides = array<i32>} : memref<4x256xf32, #tpu.memory_space<vmem>>, vector<16xf32>,
      %swap3A_1767 = arith.constant 2 : i32
      %swap3A_1768 = arith.index_cast %swap3A_1767 : i32 to index
      %swap3A_1769 = arith.constant 128 : index
      %swap3A_1770 = tpu.vector_load %arg22[%swap3A_1768, %swap3A_1769] {strides = array<i32>} : memref<4x256xf32, #tpu.memory_space<vmem>>, vector<16xf32>,
      tpu.vector_store %arg22[%swap3A_1768, %swap3A_1769], %add3A_1677 {strides = array<i32>} : memref<4x256xf32, #tpu.memory_space<vmem>>, vector<16xf32>,
      %swap3A_1771 = arith.constant 2 : i32
      %swap3A_1772 = arith.index_cast %swap3A_1771 : i32 to index
      %swap3A_1773 = arith.constant 144 : index
      %swap3A_1774 = tpu.vector_load %arg22[%swap3A_1772, %swap3A_1773] {strides = array<i32>} : memref<4x256xf32, #tpu.memory_space<vmem>>, vector<16xf32>,
      tpu.vector_store %arg22[%swap3A_1772, %swap3A_1773], %add3A_1680 {strides = array<i32>} : memref<4x256xf32, #tpu.memory_space<vmem>>, vector<16xf32>,
      %swap3A_1775 = arith.constant 2 : i32
      %swap3A_1776 = arith.index_cast %swap3A_1775 : i32 to index
      %swap3A_1777 = arith.constant 160 : index
      %swap3A_1778 = tpu.vector_load %arg22[%swap3A_1776, %swap3A_1777] {strides = array<i32>} : memref<4x256xf32, #tpu.memory_space<vmem>>, vector<16xf32>,
      tpu.vector_store %arg22[%swap3A_1776, %swap3A_1777], %add3A_1695 {strides = array<i32>} : memref<4x256xf32, #tpu.memory_space<vmem>>, vector<16xf32>,
      %swap3A_1779 = arith.constant 2 : i32
      %swap3A_1780 = arith.index_cast %swap3A_1779 : i32 to index
      %swap3A_1781 = arith.constant 176 : index
      %swap3A_1782 = tpu.vector_load %arg22[%swap3A_1780, %swap3A_1781] {strides = array<i32>} : memref<4x256xf32, #tpu.memory_space<vmem>>, vector<16xf32>,
      tpu.vector_store %arg22[%swap3A_1780, %swap3A_1781], %add3A_1698 {strides = array<i32>} : memref<4x256xf32, #tpu.memory_space<vmem>>, vector<16xf32>,
      %swap3A_1783 = arith.constant 2 : i32
      %swap3A_1784 = arith.index_cast %swap3A_1783 : i32 to index
      %swap3A_1785 = arith.constant 192 : index
      %swap3A_1786 = tpu.vector_load %arg22[%swap3A_1784, %swap3A_1785] {strides = array<i32>} : memref<4x256xf32, #tpu.memory_space<vmem>>, vector<16xf32>,
      tpu.vector_store %arg22[%swap3A_1784, %swap3A_1785], %add3A_1713 {strides = array<i32>} : memref<4x256xf32, #tpu.memory_space<vmem>>, vector<16xf32>,
      %swap3A_1787 = arith.constant 2 : i32
      %swap3A_1788 = arith.index_cast %swap3A_1787 : i32 to index
      %swap3A_1789 = arith.constant 208 : index
      %swap3A_1790 = tpu.vector_load %arg22[%swap3A_1788, %swap3A_1789] {strides = array<i32>} : memref<4x256xf32, #tpu.memory_space<vmem>>, vector<16xf32>,
      tpu.vector_store %arg22[%swap3A_1788, %swap3A_1789], %add3A_1716 {strides = array<i32>} : memref<4x256xf32, #tpu.memory_space<vmem>>, vector<16xf32>,
      %swap3A_1791 = arith.constant 2 : i32
      %swap3A_1792 = arith.index_cast %swap3A_1791 : i32 to index
      %swap3A_1793 = arith.constant 224 : index
      %swap3A_1794 = tpu.vector_load %arg22[%swap3A_1792, %swap3A_1793] {strides = array<i32>} : memref<4x256xf32, #tpu.memory_space<vmem>>, vector<16xf32>,
      tpu.vector_store %arg22[%swap3A_1792, %swap3A_1793], %add3A_1731 {strides = array<i32>} : memref<4x256xf32, #tpu.memory_space<vmem>>, vector<16xf32>,
      %swap3A_1795 = arith.constant 2 : i32
      %swap3A_1796 = arith.index_cast %swap3A_1795 : i32 to index
      %swap3A_1797 = arith.constant 240 : index
      %swap3A_1798 = tpu.vector_load %arg22[%swap3A_1796, %swap3A_1797] {strides = array<i32>} : memref<4x256xf32, #tpu.memory_space<vmem>>, vector<16xf32>,
      tpu.vector_store %arg22[%swap3A_1796, %swap3A_1797], %add3A_1734 {strides = array<i32>} : memref<4x256xf32, #tpu.memory_space<vmem>>, vector<16xf32>,
      %add3A_1799 = arith.addi %mul3A_1080, %mul3A_1098 : i32
      %add3A_1800 = arith.constant 3 : i32
      %add3A_1801 = arith.addi %add3A_1799, %add3A_1800 : i32
      %add3A_1802 = vector.broadcast %add3A_1801 : i32 to vector<16xi32>
      %add3A_1803 = arith.addi %mul3A_1120, %add3A_1802 : vector<16xi32>
      %gather3A_1804 = tpu.vector_load_idx %arg15[%add3A_1803] : memref<5440xf32, #tpu.memory_space<vmem>>[vector<16xi32>], vector<16xf32>,
      %broadcast_in_dim3A_1805 = arith.constant 0 : i32
      %broadcast_in_dim3A_1806 = vector.broadcast %broadcast_in_dim3A_1805 : i32 to vector<16xi32>
      %add3A_1807 = arith.constant 256 : i32
      %add3A_1808 = arith.addi %mul3A_1080, %add3A_1807 : i32
      %add3A_1809 = arith.addi %add3A_1808, %mul3A_1098 : i32
      %add3A_1810 = arith.constant 3 : i32
      %add3A_1811 = arith.addi %add3A_1809, %add3A_1810 : i32
      %add3A_1812 = vector.broadcast %add3A_1811 : i32 to vector<16xi32>
      %add3A_1813 = arith.addi %broadcast_in_dim3A_1806, %add3A_1812 : vector<16xi32>
      %gather3A_1814 = tpu.vector_load_idx %arg15[%add3A_1813] : memref<5440xf32, #tpu.memory_space<vmem>>[vector<16xi32>], vector<16xf32>,
      %slice3A_1815 = vector.extract_strided_slice %gather3A_1814 {offsets = [0], sizes = [1], strides = [1]} : vector<16xf32> to vector<1xf32>
      %squeeze3A_1816 = vector.extract %slice3A_1815[0] : f32 from vector<1xf32>
      %get3A_1817 = arith.constant 3 : i32
      %get3A_1818 = arith.index_cast %get3A_1817 : i32 to index
      %get3A_1819 = arith.constant 0 : index
      %get3A_1820 = tpu.vector_load %arg20[%get3A_1818, %get3A_1819] {strides = array<i32>} : memref<4x128xi32, #tpu.memory_space<vmem>>, vector<16xi32>,
      %shift_left3A_1821 = arith.constant 16 : i32
      %shift_left3A_1822 = vector.broadcast %shift_left3A_1821 : i32 to vector<16xi32>
      %shift_left3A_1823 = arith.shli %get3A_1820, %shift_left3A_1822 : vector<16xi32>
      %bitcast3A_1824 = vector.bitcast %shift_left3A_1823 : vector<16xi32> to vector<16xf32>
      %and3A_1825 = arith.constant -65536 : i32
      %and3A_1826 = vector.broadcast %and3A_1825 : i32 to vector<16xi32>
      %and3A_1827 = arith.andi %get3A_1820, %and3A_1826 : vector<16xi32>
      %bitcast3A_1828 = vector.bitcast %and3A_1827 : vector<16xi32> to vector<16xf32>
      %mul3A_1829 = vector.broadcast %squeeze3A_1816 : f32 to vector<16xf32>
      %mul3A_1830 = arith.mulf %mul3A_1829, %bitcast3A_1824 : vector<16xf32>
      %add3A_1831 = arith.addf %get3A_37, %mul3A_1830 : vector<16xf32>
      %mul3A_1832 = vector.broadcast %squeeze3A_1816 : f32 to vector<16xf32>
      %mul3A_1833 = arith.mulf %mul3A_1832, %bitcast3A_1828 : vector<16xf32>
      %add3A_1834 = arith.addf %get3A_39, %mul3A_1833 : vector<16xf32>
      %get3A_1835 = arith.constant 3 : i32
      %get3A_1836 = arith.index_cast %get3A_1835 : i32 to index
      %get3A_1837 = arith.constant 16 : index
      %get3A_1838 = tpu.vector_load %arg20[%get3A_1836, %get3A_1837] {strides = array<i32>} : memref<4x128xi32, #tpu.memory_space<vmem>>, vector<16xi32>,
      %shift_left3A_1839 = arith.constant 16 : i32
      %shift_left3A_1840 = vector.broadcast %shift_left3A_1839 : i32 to vector<16xi32>
      %shift_left3A_1841 = arith.shli %get3A_1838, %shift_left3A_1840 : vector<16xi32>
      %bitcast3A_1842 = vector.bitcast %shift_left3A_1841 : vector<16xi32> to vector<16xf32>
      %and3A_1843 = arith.constant -65536 : i32
      %and3A_1844 = vector.broadcast %and3A_1843 : i32 to vector<16xi32>
      %and3A_1845 = arith.andi %get3A_1838, %and3A_1844 : vector<16xi32>
      %bitcast3A_1846 = vector.bitcast %and3A_1845 : vector<16xi32> to vector<16xf32>
      %mul3A_1847 = vector.broadcast %squeeze3A_1816 : f32 to vector<16xf32>
      %mul3A_1848 = arith.mulf %mul3A_1847, %bitcast3A_1842 : vector<16xf32>
      %add3A_1849 = arith.addf %get3A_41, %mul3A_1848 : vector<16xf32>
      %mul3A_1850 = vector.broadcast %squeeze3A_1816 : f32 to vector<16xf32>
      %mul3A_1851 = arith.mulf %mul3A_1850, %bitcast3A_1846 : vector<16xf32>
      %add3A_1852 = arith.addf %get3A_43, %mul3A_1851 : vector<16xf32>
      %get3A_1853 = arith.constant 3 : i32
      %get3A_1854 = arith.index_cast %get3A_1853 : i32 to index
      %get3A_1855 = arith.constant 32 : index
      %get3A_1856 = tpu.vector_load %arg20[%get3A_1854, %get3A_1855] {strides = array<i32>} : memref<4x128xi32, #tpu.memory_space<vmem>>, vector<16xi32>,
      %shift_left3A_1857 = arith.constant 16 : i32
      %shift_left3A_1858 = vector.broadcast %shift_left3A_1857 : i32 to vector<16xi32>
      %shift_left3A_1859 = arith.shli %get3A_1856, %shift_left3A_1858 : vector<16xi32>
      %bitcast3A_1860 = vector.bitcast %shift_left3A_1859 : vector<16xi32> to vector<16xf32>
      %and3A_1861 = arith.constant -65536 : i32
      %and3A_1862 = vector.broadcast %and3A_1861 : i32 to vector<16xi32>
      %and3A_1863 = arith.andi %get3A_1856, %and3A_1862 : vector<16xi32>
      %bitcast3A_1864 = vector.bitcast %and3A_1863 : vector<16xi32> to vector<16xf32>
      %mul3A_1865 = vector.broadcast %squeeze3A_1816 : f32 to vector<16xf32>
      %mul3A_1866 = arith.mulf %mul3A_1865, %bitcast3A_1860 : vector<16xf32>
      %add3A_1867 = arith.addf %get3A_45, %mul3A_1866 : vector<16xf32>
      %mul3A_1868 = vector.broadcast %squeeze3A_1816 : f32 to vector<16xf32>
      %mul3A_1869 = arith.mulf %mul3A_1868, %bitcast3A_1864 : vector<16xf32>
      %add3A_1870 = arith.addf %get3A_47, %mul3A_1869 : vector<16xf32>
      %get3A_1871 = arith.constant 3 : i32
      %get3A_1872 = arith.index_cast %get3A_1871 : i32 to index
      %get3A_1873 = arith.constant 48 : index
      %get3A_1874 = tpu.vector_load %arg20[%get3A_1872, %get3A_1873] {strides = array<i32>} : memref<4x128xi32, #tpu.memory_space<vmem>>, vector<16xi32>,
      %shift_left3A_1875 = arith.constant 16 : i32
      %shift_left3A_1876 = vector.broadcast %shift_left3A_1875 : i32 to vector<16xi32>
      %shift_left3A_1877 = arith.shli %get3A_1874, %shift_left3A_1876 : vector<16xi32>
      %bitcast3A_1878 = vector.bitcast %shift_left3A_1877 : vector<16xi32> to vector<16xf32>
      %and3A_1879 = arith.constant -65536 : i32
      %and3A_1880 = vector.broadcast %and3A_1879 : i32 to vector<16xi32>
      %and3A_1881 = arith.andi %get3A_1874, %and3A_1880 : vector<16xi32>
      %bitcast3A_1882 = vector.bitcast %and3A_1881 : vector<16xi32> to vector<16xf32>
      %mul3A_1883 = vector.broadcast %squeeze3A_1816 : f32 to vector<16xf32>
      %mul3A_1884 = arith.mulf %mul3A_1883, %bitcast3A_1878 : vector<16xf32>
      %add3A_1885 = arith.addf %get3A_49, %mul3A_1884 : vector<16xf32>
      %mul3A_1886 = vector.broadcast %squeeze3A_1816 : f32 to vector<16xf32>
      %mul3A_1887 = arith.mulf %mul3A_1886, %bitcast3A_1882 : vector<16xf32>
      %add3A_1888 = arith.addf %get3A_51, %mul3A_1887 : vector<16xf32>
      %get3A_1889 = arith.constant 3 : i32
      %get3A_1890 = arith.index_cast %get3A_1889 : i32 to index
      %get3A_1891 = arith.constant 64 : index
      %get3A_1892 = tpu.vector_load %arg20[%get3A_1890, %get3A_1891] {strides = array<i32>} : memref<4x128xi32, #tpu.memory_space<vmem>>, vector<16xi32>,
      %shift_left3A_1893 = arith.constant 16 : i32
      %shift_left3A_1894 = vector.broadcast %shift_left3A_1893 : i32 to vector<16xi32>
      %shift_left3A_1895 = arith.shli %get3A_1892, %shift_left3A_1894 : vector<16xi32>
      %bitcast3A_1896 = vector.bitcast %shift_left3A_1895 : vector<16xi32> to vector<16xf32>
      %and3A_1897 = arith.constant -65536 : i32
      %and3A_1898 = vector.broadcast %and3A_1897 : i32 to vector<16xi32>
      %and3A_1899 = arith.andi %get3A_1892, %and3A_1898 : vector<16xi32>
      %bitcast3A_1900 = vector.bitcast %and3A_1899 : vector<16xi32> to vector<16xf32>
      %mul3A_1901 = vector.broadcast %squeeze3A_1816 : f32 to vector<16xf32>
      %mul3A_1902 = arith.mulf %mul3A_1901, %bitcast3A_1896 : vector<16xf32>
      %add3A_1903 = arith.addf %get3A_53, %mul3A_1902 : vector<16xf32>
      %mul3A_1904 = vector.broadcast %squeeze3A_1816 : f32 to vector<16xf32>
      %mul3A_1905 = arith.mulf %mul3A_1904, %bitcast3A_1900 : vector<16xf32>
      %add3A_1906 = arith.addf %get3A_55, %mul3A_1905 : vector<16xf32>
      %get3A_1907 = arith.constant 3 : i32
      %get3A_1908 = arith.index_cast %get3A_1907 : i32 to index
      %get3A_1909 = arith.constant 80 : index
      %get3A_1910 = tpu.vector_load %arg20[%get3A_1908, %get3A_1909] {strides = array<i32>} : memref<4x128xi32, #tpu.memory_space<vmem>>, vector<16xi32>,
      %shift_left3A_1911 = arith.constant 16 : i32
      %shift_left3A_1912 = vector.broadcast %shift_left3A_1911 : i32 to vector<16xi32>
      %shift_left3A_1913 = arith.shli %get3A_1910, %shift_left3A_1912 : vector<16xi32>
      %bitcast3A_1914 = vector.bitcast %shift_left3A_1913 : vector<16xi32> to vector<16xf32>
      %and3A_1915 = arith.constant -65536 : i32
      %and3A_1916 = vector.broadcast %and3A_1915 : i32 to vector<16xi32>
      %and3A_1917 = arith.andi %get3A_1910, %and3A_1916 : vector<16xi32>
      %bitcast3A_1918 = vector.bitcast %and3A_1917 : vector<16xi32> to vector<16xf32>
      %mul3A_1919 = vector.broadcast %squeeze3A_1816 : f32 to vector<16xf32>
      %mul3A_1920 = arith.mulf %mul3A_1919, %bitcast3A_1914 : vector<16xf32>
      %add3A_1921 = arith.addf %get3A_57, %mul3A_1920 : vector<16xf32>
      %mul3A_1922 = vector.broadcast %squeeze3A_1816 : f32 to vector<16xf32>
      %mul3A_1923 = arith.mulf %mul3A_1922, %bitcast3A_1918 : vector<16xf32>
      %add3A_1924 = arith.addf %get3A_59, %mul3A_1923 : vector<16xf32>
      %get3A_1925 = arith.constant 3 : i32
      %get3A_1926 = arith.index_cast %get3A_1925 : i32 to index
      %get3A_1927 = arith.constant 96 : index
      %get3A_1928 = tpu.vector_load %arg20[%get3A_1926, %get3A_1927] {strides = array<i32>} : memref<4x128xi32, #tpu.memory_space<vmem>>, vector<16xi32>,
      %shift_left3A_1929 = arith.constant 16 : i32
      %shift_left3A_1930 = vector.broadcast %shift_left3A_1929 : i32 to vector<16xi32>
      %shift_left3A_1931 = arith.shli %get3A_1928, %shift_left3A_1930 : vector<16xi32>
      %bitcast3A_1932 = vector.bitcast %shift_left3A_1931 : vector<16xi32> to vector<16xf32>
      %and3A_1933 = arith.constant -65536 : i32
      %and3A_1934 = vector.broadcast %and3A_1933 : i32 to vector<16xi32>
      %and3A_1935 = arith.andi %get3A_1928, %and3A_1934 : vector<16xi32>
      %bitcast3A_1936 = vector.bitcast %and3A_1935 : vector<16xi32> to vector<16xf32>
      %mul3A_1937 = vector.broadcast %squeeze3A_1816 : f32 to vector<16xf32>
      %mul3A_1938 = arith.mulf %mul3A_1937, %bitcast3A_1932 : vector<16xf32>
      %add3A_1939 = arith.addf %get3A_61, %mul3A_1938 : vector<16xf32>
      %mul3A_1940 = vector.broadcast %squeeze3A_1816 : f32 to vector<16xf32>
      %mul3A_1941 = arith.mulf %mul3A_1940, %bitcast3A_1936 : vector<16xf32>
      %add3A_1942 = arith.addf %get3A_63, %mul3A_1941 : vector<16xf32>
      %get3A_1943 = arith.constant 3 : i32
      %get3A_1944 = arith.index_cast %get3A_1943 : i32 to index
      %get3A_1945 = arith.constant 112 : index
      %get3A_1946 = tpu.vector_load %arg20[%get3A_1944, %get3A_1945] {strides = array<i32>} : memref<4x128xi32, #tpu.memory_space<vmem>>, vector<16xi32>,
      %shift_left3A_1947 = arith.constant 16 : i32
      %shift_left3A_1948 = vector.broadcast %shift_left3A_1947 : i32 to vector<16xi32>
      %shift_left3A_1949 = arith.shli %get3A_1946, %shift_left3A_1948 : vector<16xi32>
      %bitcast3A_1950 = vector.bitcast %shift_left3A_1949 : vector<16xi32> to vector<16xf32>
      %and3A_1951 = arith.constant -65536 : i32
      %and3A_1952 = vector.broadcast %and3A_1951 : i32 to vector<16xi32>
      %and3A_1953 = arith.andi %get3A_1946, %and3A_1952 : vector<16xi32>
      %bitcast3A_1954 = vector.bitcast %and3A_1953 : vector<16xi32> to vector<16xf32>
      %mul3A_1955 = vector.broadcast %squeeze3A_1816 : f32 to vector<16xf32>
      %mul3A_1956 = arith.mulf %mul3A_1955, %bitcast3A_1950 : vector<16xf32>
      %add3A_1957 = arith.addf %get3A_65, %mul3A_1956 : vector<16xf32>
      %mul3A_1958 = vector.broadcast %squeeze3A_1816 : f32 to vector<16xf32>
      %mul3A_1959 = arith.mulf %mul3A_1958, %bitcast3A_1954 : vector<16xf32>
      %add3A_1960 = arith.addf %get3A_67, %mul3A_1959 : vector<16xf32>
      %swap3A_1961 = arith.constant 3 : i32
      %swap3A_1962 = arith.index_cast %swap3A_1961 : i32 to index
      %swap3A_1963 = arith.constant 0 : index
      %swap3A_1964 = tpu.vector_load %arg22[%swap3A_1962, %swap3A_1963] {strides = array<i32>} : memref<4x256xf32, #tpu.memory_space<vmem>>, vector<16xf32>,
      tpu.vector_store %arg22[%swap3A_1962, %swap3A_1963], %add3A_1831 {strides = array<i32>} : memref<4x256xf32, #tpu.memory_space<vmem>>, vector<16xf32>,
      %swap3A_1965 = arith.constant 3 : i32
      %swap3A_1966 = arith.index_cast %swap3A_1965 : i32 to index
      %swap3A_1967 = arith.constant 16 : index
      %swap3A_1968 = tpu.vector_load %arg22[%swap3A_1966, %swap3A_1967] {strides = array<i32>} : memref<4x256xf32, #tpu.memory_space<vmem>>, vector<16xf32>,
      tpu.vector_store %arg22[%swap3A_1966, %swap3A_1967], %add3A_1834 {strides = array<i32>} : memref<4x256xf32, #tpu.memory_space<vmem>>, vector<16xf32>,
      %swap3A_1969 = arith.constant 3 : i32
      %swap3A_1970 = arith.index_cast %swap3A_1969 : i32 to index
      %swap3A_1971 = arith.constant 32 : index
      %swap3A_1972 = tpu.vector_load %arg22[%swap3A_1970, %swap3A_1971] {strides = array<i32>} : memref<4x256xf32, #tpu.memory_space<vmem>>, vector<16xf32>,
      tpu.vector_store %arg22[%swap3A_1970, %swap3A_1971], %add3A_1849 {strides = array<i32>} : memref<4x256xf32, #tpu.memory_space<vmem>>, vector<16xf32>,
      %swap3A_1973 = arith.constant 3 : i32
      %swap3A_1974 = arith.index_cast %swap3A_1973 : i32 to index
      %swap3A_1975 = arith.constant 48 : index
      %swap3A_1976 = tpu.vector_load %arg22[%swap3A_1974, %swap3A_1975] {strides = array<i32>} : memref<4x256xf32, #tpu.memory_space<vmem>>, vector<16xf32>,
      tpu.vector_store %arg22[%swap3A_1974, %swap3A_1975], %add3A_1852 {strides = array<i32>} : memref<4x256xf32, #tpu.memory_space<vmem>>, vector<16xf32>,
      %swap3A_1977 = arith.constant 3 : i32
      %swap3A_1978 = arith.index_cast %swap3A_1977 : i32 to index
      %swap3A_1979 = arith.constant 64 : index
      %swap3A_1980 = tpu.vector_load %arg22[%swap3A_1978, %swap3A_1979] {strides = array<i32>} : memref<4x256xf32, #tpu.memory_space<vmem>>, vector<16xf32>,
      tpu.vector_store %arg22[%swap3A_1978, %swap3A_1979], %add3A_1867 {strides = array<i32>} : memref<4x256xf32, #tpu.memory_space<vmem>>, vector<16xf32>,
      %swap3A_1981 = arith.constant 3 : i32
      %swap3A_1982 = arith.index_cast %swap3A_1981 : i32 to index
      %swap3A_1983 = arith.constant 80 : index
      %swap3A_1984 = tpu.vector_load %arg22[%swap3A_1982, %swap3A_1983] {strides = array<i32>} : memref<4x256xf32, #tpu.memory_space<vmem>>, vector<16xf32>,
      tpu.vector_store %arg22[%swap3A_1982, %swap3A_1983], %add3A_1870 {strides = array<i32>} : memref<4x256xf32, #tpu.memory_space<vmem>>, vector<16xf32>,
      %swap3A_1985 = arith.constant 3 : i32
      %swap3A_1986 = arith.index_cast %swap3A_1985 : i32 to index
      %swap3A_1987 = arith.constant 96 : index
      %swap3A_1988 = tpu.vector_load %arg22[%swap3A_1986, %swap3A_1987] {strides = array<i32>} : memref<4x256xf32, #tpu.memory_space<vmem>>, vector<16xf32>,
      tpu.vector_store %arg22[%swap3A_1986, %swap3A_1987], %add3A_1885 {strides = array<i32>} : memref<4x256xf32, #tpu.memory_space<vmem>>, vector<16xf32>,
      %swap3A_1989 = arith.constant 3 : i32
      %swap3A_1990 = arith.index_cast %swap3A_1989 : i32 to index
      %swap3A_1991 = arith.constant 112 : index
      %swap3A_1992 = tpu.vector_load %arg22[%swap3A_1990, %swap3A_1991] {strides = array<i32>} : memref<4x256xf32, #tpu.memory_space<vmem>>, vector<16xf32>,
      tpu.vector_store %arg22[%swap3A_1990, %swap3A_1991], %add3A_1888 {strides = array<i32>} : memref<4x256xf32, #tpu.memory_space<vmem>>, vector<16xf32>,
      %swap3A_1993 = arith.constant 3 : i32
      %swap3A_1994 = arith.index_cast %swap3A_1993 : i32 to index
      %swap3A_1995 = arith.constant 128 : index
      %swap3A_1996 = tpu.vector_load %arg22[%swap3A_1994, %swap3A_1995] {strides = array<i32>} : memref<4x256xf32, #tpu.memory_space<vmem>>, vector<16xf32>,
      tpu.vector_store %arg22[%swap3A_1994, %swap3A_1995], %add3A_1903 {strides = array<i32>} : memref<4x256xf32, #tpu.memory_space<vmem>>, vector<16xf32>,
      %swap3A_1997 = arith.constant 3 : i32
      %swap3A_1998 = arith.index_cast %swap3A_1997 : i32 to index
      %swap3A_1999 = arith.constant 144 : index
      %swap3A_2000 = tpu.vector_load %arg22[%swap3A_1998, %swap3A_1999] {strides = array<i32>} : memref<4x256xf32, #tpu.memory_space<vmem>>, vector<16xf32>,
      tpu.vector_store %arg22[%swap3A_1998, %swap3A_1999], %add3A_1906 {strides = array<i32>} : memref<4x256xf32, #tpu.memory_space<vmem>>, vector<16xf32>,
      %swap3A_2001 = arith.constant 3 : i32
      %swap3A_2002 = arith.index_cast %swap3A_2001 : i32 to index
      %swap3A_2003 = arith.constant 160 : index
      %swap3A_2004 = tpu.vector_load %arg22[%swap3A_2002, %swap3A_2003] {strides = array<i32>} : memref<4x256xf32, #tpu.memory_space<vmem>>, vector<16xf32>,
      tpu.vector_store %arg22[%swap3A_2002, %swap3A_2003], %add3A_1921 {strides = array<i32>} : memref<4x256xf32, #tpu.memory_space<vmem>>, vector<16xf32>,
      %swap3A_2005 = arith.constant 3 : i32
      %swap3A_2006 = arith.index_cast %swap3A_2005 : i32 to index
      %swap3A_2007 = arith.constant 176 : index
      %swap3A_2008 = tpu.vector_load %arg22[%swap3A_2006, %swap3A_2007] {strides = array<i32>} : memref<4x256xf32, #tpu.memory_space<vmem>>, vector<16xf32>,
      tpu.vector_store %arg22[%swap3A_2006, %swap3A_2007], %add3A_1924 {strides = array<i32>} : memref<4x256xf32, #tpu.memory_space<vmem>>, vector<16xf32>,
      %swap3A_2009 = arith.constant 3 : i32
      %swap3A_2010 = arith.index_cast %swap3A_2009 : i32 to index
      %swap3A_2011 = arith.constant 192 : index
      %swap3A_2012 = tpu.vector_load %arg22[%swap3A_2010, %swap3A_2011] {strides = array<i32>} : memref<4x256xf32, #tpu.memory_space<vmem>>, vector<16xf32>,
      tpu.vector_store %arg22[%swap3A_2010, %swap3A_2011], %add3A_1939 {strides = array<i32>} : memref<4x256xf32, #tpu.memory_space<vmem>>, vector<16xf32>,
      %swap3A_2013 = arith.constant 3 : i32
      %swap3A_2014 = arith.index_cast %swap3A_2013 : i32 to index
      %swap3A_2015 = arith.constant 208 : index
      %swap3A_2016 = tpu.vector_load %arg22[%swap3A_2014, %swap3A_2015] {strides = array<i32>} : memref<4x256xf32, #tpu.memory_space<vmem>>, vector<16xf32>,
      tpu.vector_store %arg22[%swap3A_2014, %swap3A_2015], %add3A_1942 {strides = array<i32>} : memref<4x256xf32, #tpu.memory_space<vmem>>, vector<16xf32>,
      %swap3A_2017 = arith.constant 3 : i32
      %swap3A_2018 = arith.index_cast %swap3A_2017 : i32 to index
      %swap3A_2019 = arith.constant 224 : index
      %swap3A_2020 = tpu.vector_load %arg22[%swap3A_2018, %swap3A_2019] {strides = array<i32>} : memref<4x256xf32, #tpu.memory_space<vmem>>, vector<16xf32>,
      tpu.vector_store %arg22[%swap3A_2018, %swap3A_2019], %add3A_1957 {strides = array<i32>} : memref<4x256xf32, #tpu.memory_space<vmem>>, vector<16xf32>,
      %swap3A_2021 = arith.constant 3 : i32
      %swap3A_2022 = arith.index_cast %swap3A_2021 : i32 to index
      %swap3A_2023 = arith.constant 240 : index
      %swap3A_2024 = tpu.vector_load %arg22[%swap3A_2022, %swap3A_2023] {strides = array<i32>} : memref<4x256xf32, #tpu.memory_space<vmem>>, vector<16xf32>,
      tpu.vector_store %arg22[%swap3A_2022, %swap3A_2023], %add3A_1960 {strides = array<i32>} : memref<4x256xf32, #tpu.memory_space<vmem>>, vector<16xf32>,
      %add3A_2025 = arith.constant 2 : i32
      %add3A_2026 = arith.addi %add3A_1054, %add3A_2025 : i32
      %lt3A_2027 = arith.constant 80 : i32
      %lt3A_2028 = arith.cmpi slt, %add3A_2026, %lt3A_2027 : i32
      %convert_element_type3A_2029 = arith.extui %lt3A_2028 : i1 to i32
      %cond3A_2030 = arith.constant 0 : i32
      %cond3A_2031 = arith.cmpi ne, %convert_element_type3A_2029, %cond3A_2030 : i32
      scf.if %cond3A_2031 {
        %add3A_2039 = arith.constant 2 : i32
        %add3A_2040 = arith.addi %add3A_1054, %add3A_2039 : i32
        %dma_start3A_2041 = arith.constant 0 : i32
        %dma_start3A_2042 = tpu.memref_slice %arg12[%add3A_2040, %dma_start3A_2041] : memref<80x64xi32, #tpu.memory_space<vmem>> -> memref<1x64xi32, #tpu.memory_space<vmem>>
        %dma_start3A_2043 = tpu.memref_squeeze %dma_start3A_2042 : memref<1x64xi32, #tpu.memory_space<vmem>> -> memref<64xi32, #tpu.memory_space<vmem>>
        %dma_start3A_2044 = arith.constant 0 : i32
        %dma_start3A_2045 = arith.constant 0 : i32
        %dma_start3A_2046 = tpu.memref_slice %arg29[%dma_start3A_2044, %dma_start3A_2045] : memref<2048x128xi32, #tpu.memory_space<vmem_shared>> -> memref<2048x128xi32, #tpu.memory_space<vmem_shared>>
        tpu.enqueue_indirect_dma source(%dma_start3A_2046 : memref<2048x128xi32, #tpu.memory_space<vmem_shared>>) target(%arg18 : memref<64x128xi32, #tpu.memory_space<vmem>>) offsets(%dma_start3A_2043 : memref<64xi32, #tpu.memory_space<vmem>>) semaphore(%arg24 : memref<!tpu.dma_semaphore, #tpu.memory_space<semaphore_mem>>)
        %mul3A_2047 = arith.constant 4 : i32
        %mul3A_2048 = arith.muli %add3A_2040, %mul3A_2047 : i32
        %add3A_2049 = arith.addi %mul3A_2, %mul3A_2048 : i32
        %dma_start3A_2050 = arith.constant 0 : i32
        %dma_start3A_2051 = tpu.memref_slice %arg2[%add3A_2049, %dma_start3A_2050] : memref<10240x128xi32, #tpu.memory_space<hbm>> -> memref<4x128xi32, #tpu.memory_space<hbm>>
        %dma_start3A_2052 = arith.constant 0 : i32
        %dma_start3A_2053 = tpu.memref_slice %arg2[%add3A_2049, %dma_start3A_2052] : memref<10240x128xi32, #tpu.memory_space<hbm>> -> memref<4x128xi32, #tpu.memory_space<hbm>>
        tpu.enqueue_dma source(%dma_start3A_2053 : memref<4x128xi32, #tpu.memory_space<hbm>>) target(%arg20 : memref<4x128xi32, #tpu.memory_space<vmem>>) target_semaphore(%arg26 : memref<!tpu.dma_semaphore, #tpu.memory_space<semaphore_mem>>)
      } else {
      }
      %mul3A_2032 = arith.constant 4 : i32
      %mul3A_2033 = arith.muli %add3A_1054, %mul3A_2032 : i32
      %add3A_2034 = arith.addi %mul3A_2, %mul3A_2033 : i32
      %dma_start3A_2035 = arith.constant 0 : i32
      %dma_start3A_2036 = tpu.memref_slice %arg9[%add3A_2034, %dma_start3A_2035] : memref<10240x256xf32, #tpu.memory_space<hbm>> -> memref<4x256xf32, #tpu.memory_space<hbm>>
      %dma_start3A_2037 = arith.constant 0 : i32
      %dma_start3A_2038 = tpu.memref_slice %arg9[%add3A_2034, %dma_start3A_2037] : memref<10240x256xf32, #tpu.memory_space<hbm>> -> memref<4x256xf32, #tpu.memory_space<hbm>>
      tpu.enqueue_dma source(%arg22 : memref<4x256xf32, #tpu.memory_space<vmem>>) target(%dma_start3A_2038 : memref<4x256xf32, #tpu.memory_space<hbm>>) target_semaphore(%arg28 : memref<!tpu.dma_semaphore, #tpu.memory_space<semaphore_mem>>)
    }
    %scan3A_73 = arith.constant 40 : i32
    %add3A_74 = arith.constant 312 : i32
    %add3A_75 = arith.addi %mul3A_2, %add3A_74 : i32
    %dma_wait3A = arith.constant 0 : i32
    %dma_wait3A_76 = tpu.memref_slice %arg9[%add3A_75, %dma_wait3A] : memref<10240x256xf32, #tpu.memory_space<hbm>> -> memref<4x256xf32, #tpu.memory_space<hbm>>
    %dma_wait3A_77 = arith.constant 0 : i32
    %dma_wait3A_78 = tpu.memref_slice %arg9[%add3A_75, %dma_wait3A_77] : memref<10240x256xf32, #tpu.memory_space<hbm>> -> memref<4x256xf32, #tpu.memory_space<hbm>>
    tpu.wait_dma2 semaphore(%arg27 : memref<!tpu.dma_semaphore, #tpu.memory_space<semaphore_mem>>) src(%arg21 : memref<4x256xf32, #tpu.memory_space<vmem>>) dst(%dma_wait3A_78 : memref<4x256xf32, #tpu.memory_space<hbm>>)
    %add3A_79 = arith.constant 316 : i32
    %add3A_80 = arith.addi %mul3A_2, %add3A_79 : i32
    %dma_wait3A_81 = arith.constant 0 : i32
    %dma_wait3A_82 = tpu.memref_slice %arg9[%add3A_80, %dma_wait3A_81] : memref<10240x256xf32, #tpu.memory_space<hbm>> -> memref<4x256xf32, #tpu.memory_space<hbm>>
    %dma_wait3A_83 = arith.constant 0 : i32
    %dma_wait3A_84 = tpu.memref_slice %arg9[%add3A_80, %dma_wait3A_83] : memref<10240x256xf32, #tpu.memory_space<hbm>> -> memref<4x256xf32, #tpu.memory_space<hbm>>
    tpu.wait_dma2 semaphore(%arg28 : memref<!tpu.dma_semaphore, #tpu.memory_space<semaphore_mem>>) src(%arg22 : memref<4x256xf32, #tpu.memory_space<vmem>>) dst(%dma_wait3A_84 : memref<4x256xf32, #tpu.memory_space<hbm>>)
    return
  }
}

module attributes {stable_mosaic.version = 14 : i64} {
  func.func @_tc_stage(%arg0: i32, %arg1: memref<256x512xf32, #tpu.memory_space<vmem>>, %arg2: memref<256x256xf32, #tpu.memory_space<vmem>>, %arg3: memref<256x8xf32, #tpu.memory_space<vmem>>, %arg4: memref<512x256xf32, #tpu.memory_space<vmem>>, %arg5: memref<512x8xf32, #tpu.memory_space<vmem>>) attributes {dimension_semantics = [#tpu.dimension_semantics<arbitrary>], iteration_bounds = array<i64: 20>, scalar_prefetch = 0 : i64, scratch_operands = 0 : i64, tpu.core_type = #tpu.core_type<tc>, window_params = [{transform_indices = @transform_0, window_bounds = array<i64: 256, 512>}, {pipeline_mode = #tpu.pipeline_mode<synchronous>, transform_indices = @transform_1, window_bounds = array<i64: 256, 256>}, {pipeline_mode = #tpu.pipeline_mode<synchronous>, transform_indices = @transform_2, window_bounds = array<i64: 256, 8>}, {transform_indices = @transform_3, window_bounds = array<i64: 512, 256>}, {transform_indices = @transform_4, window_bounds = array<i64: 512, 8>}]} {
    %get3A = arith.constant 0 : index
    %get3A_0 = arith.constant 0 : index
    %get3A_1 = vector.load %arg1[%get3A, %get3A_0] : memref<256x512xf32, #tpu.memory_space<vmem>>, vector<256x512xf32>
    %get3A_2 = arith.constant 0 : index
    %get3A_3 = arith.constant 0 : index
    %get3A_4 = vector.load %arg2[%get3A_2, %get3A_3] : memref<256x256xf32, #tpu.memory_space<vmem>>, vector<256x256xf32>
    %dot_general3A = arith.constant dense<0.000000e+00> : vector<512x256xf32>
    %dot_general3A_5 = tpu.matmul %get3A_1, %get3A_4, %dot_general3A {dimension_numbers = #tpu.dot_dimension_numbers<[0], [1], [1], [0], [0, 1, 1, 0], [], []>, transpose_lhs_hint = false} : vector<256x512xf32>, vector<256x256xf32>, vector<512x256xf32> -> vector<512x256xf32>
    %max3A = arith.constant 0.000000e+00 : f32
    %max3A_6 = vector.broadcast %max3A : f32 to vector<512x256xf32>
    %max3A_7 = arith.maximumf %dot_general3A_5, %max3A_6 : vector<512x256xf32>
    %swap3A = arith.constant 0 : index
    %swap3A_8 = arith.constant 0 : index
    %swap3A_9 = vector.load %arg4[%swap3A, %swap3A_8] : memref<512x256xf32, #tpu.memory_space<vmem>>, vector<512x256xf32>
    tpu.vector_store %arg4[%swap3A, %swap3A_8], %max3A_7 {strides = array<i32>} : memref<512x256xf32, #tpu.memory_space<vmem>>, vector<512x256xf32>,
    %get3A_10 = arith.constant 0 : index
    %get3A_11 = arith.constant 0 : index
    %get3A_12 = vector.load %arg3[%get3A_10, %get3A_11] : memref<256x8xf32, #tpu.memory_space<vmem>>, vector<256x8xf32>
    %dot_general3A_13 = arith.constant dense<0.000000e+00> : vector<512x8xf32>
    %dot_general3A_14 = tpu.matmul %max3A_7, %get3A_12, %dot_general3A_13 {dimension_numbers = #tpu.dot_dimension_numbers<[1], [0], [0], [1], [0, 0, 1, 1], [], []>, transpose_lhs_hint = false} : vector<512x256xf32>, vector<256x8xf32>, vector<512x8xf32> -> vector<512x8xf32>
    %swap3A_15 = arith.constant 0 : index
    %swap3A_16 = arith.constant 0 : index
    %swap3A_17 = vector.load %arg5[%swap3A_15, %swap3A_16] : memref<512x8xf32, #tpu.memory_space<vmem>>, vector<512x8xf32>
    tpu.vector_store %arg5[%swap3A_15, %swap3A_16], %dot_general3A_14 {strides = array<i32>} : memref<512x8xf32, #tpu.memory_space<vmem>>, vector<512x8xf32>,
    return
  }
  func.func @transform_0(%arg0: i32) -> (i32, i32) {
    %c0_i32 = arith.constant 0 : i32
    %c0_i32_0 = arith.constant 0 : i32
    return %c0_i32, %arg0 : i32, i32
  }
  func.func @transform_1(%arg0: i32) -> (i32, i32) {
    %c0_i32 = arith.constant 0 : i32
    %c0_i32_0 = arith.constant 0 : i32
    %c0_i32_1 = arith.constant 0 : i32
    return %c0_i32, %c0_i32_0 : i32, i32
  }
  func.func @transform_2(%arg0: i32) -> (i32, i32) {
    %c0_i32 = arith.constant 0 : i32
    %c0_i32_0 = arith.constant 0 : i32
    %c0_i32_1 = arith.constant 0 : i32
    return %c0_i32, %c0_i32_0 : i32, i32
  }
  func.func @transform_3(%arg0: i32) -> (i32, i32) {
    %c0_i32 = arith.constant 0 : i32
    %c0_i32_0 = arith.constant 0 : i32
    return %arg0, %c0_i32 : i32, i32
  }
  func.func @transform_4(%arg0: i32) -> (i32, i32) {
    %c0_i32 = arith.constant 0 : i32
    %c0_i32_0 = arith.constant 0 : i32
    return %arg0, %c0_i32 : i32, i32
  }
}

</mosaic_0001>

<sc_bundles>
// kernel: kernel.4.cloned.1.call-start
scs
__scs_entry_jumppad:
0x0: {  	(pc) =	sbr.rel $0x88, $3  }
0x1: {  	(tag) =	ssettag $0x0;
	lr =	simm.s32 $0x1  }
0x2: {  	[smem:$0x3F9C] =	sst lr;
	_ =	strace $0xD0000000  }
0x3: {  	_ = 	snop  }
0x4: {  	_ = 	snop  }
0x5: {  	_ = 	snop  }
0x6: {  	_ = 	snop  }
0x7: {  	_ = 	snop  }
__scs_overlays_trampoline_lowered:
0x8: {  	[smem:$0x3FAB] =	sst s0  }
0x9: {  	[smem:$0x3FAC] =	sst s1  }
0xa: {  	[smem:$0x3FAD] =	sst s2  }
0xb: {  	[smem:$0x3FAE] =	sst s3  }
0xc: {  	[smem:$0x3FAF] =	sst s4  }
0xd: {  	[smem:$0x3FB0] =	sst s5  }
0xe: {  	[smem:$0x3FB1] =	sst s6  }
0xf: {  	[smem:$0x3FB2] =	sst s7  }
0x10: {  	[smem:$0x3FB3] =	sst s8  }
0x11: {  	[smem:$0x3FB4] =	sst s9;
	s0 =	simm.s32 @!p0 $0x0  }
0x12: {  	s1 =	sld [smem:$0x3F9A];
	s0 =	simm.s32 @p0 $0x1  }
0x13: {  	[smem:$0x3FB5] =	sst s0;
	s0 =	simm.s32 @!p1 $0x0  }
0x14: {  	s2 =	sld [smem:$0x3F99];
	s0 =	simm.s32 @p1 $0x1  }
0x15: {  	[smem:$0x3FB6] =	sst s0;
	s0 =	simm.s32 @!p2 $0x0  }
0x16: {  	s3 =	sld [smem:$0x3FDB];
	s0 =	simm.s32 @p2 $0x1  }
0x17: {  	s4 =	simm.s32 $0x1BF5;
	[smem:$0x3FB8] =	sst s0  }
0x18: {  	s0 =	sld [smem:$0x3F9B];
	_ =	swait.ge [sflag:s4], $0x0  }
0x19: {  	s7 =	sld [smem:$0x3F9C]  }
0x1a: {  	s8 =	sadd.s32 $0xFFFFE003, lr  }
0x1b: {  	s9 =	sadd.s32 $0xFFFFFEF7, lr;
	s5 =	simm.s32 $0xFFFFFFFF;
	p2 =	slt.u32 s8, $0xFFFFF086  }
0x1c: {  	p1 =	slt.u32 s9, $0xF7A;
	s5 =	simm.s32 @!p2 $0x0  }
0x1d: {  	s5 =	simm.s32 @p1 $0x1;
	p0 =	seq.s32 s7, s2  }
0x1e: {  	s7 =	smul.u32 @!p0 $0xF7A, s2;
	p2 =	seq.s32 @!p0 s5, $0x0  }
0x1f: {  	s9 =	smul.u32 $0xF7A, s1;
	s8 =	simm.s32 @!p0 $0x1BF5;
	p2 =	por !p2, p0  }
0x20: {  	[sflag:s8] =	ssyncset.s32 @!p0 $0xFFFFF086;
	s6 =	sadd.s32 @!p0 s3, s7;
	s7 =	simm.s32 @!p0 $0x108  }
0x21: {  	s3 =	sadd.s32 s3, s9;
	s6 =	sadd.s32 @!p0 $0x88, s6;
	s7 =	simm.s32 @p2 $0x1082  }
0x22: {  	[simem:s7], [sflag:s8] =	dma.local @!p0 [hbm:s6], $0xF7A  }
0x23: {  	s9 =	sor.u32 $0xD0000000, s2;
	s6 =	simm.s32 $0x108;
	_ =	swait.ge @!p0 [sflag:s8], $0x0  }
0x24: {  	s3 =	sadd.s32 $0x88, s3;
	s6 =	simm.s32 @!p1 $0x1082;
	[sflag:s4] =	ssyncset.s32 $0xFFFFF086  }
0x25: {  	[simem:s6], [sflag:s4] =	dma.local [hbm:s3], $0xF7A  }
0x26: {  	[smem:$0x3F9C] =	sst s1;
	(tag) =	ssettag s2;
	_ =	strace s9  }
0x27: {  	s1 =	sld [smem:$0x3FAC]  }
0x28: {  	s2 =	sld [smem:$0x3FAD]  }
0x29: {  	s4 =	sld [smem:$0x3FAF]  }
0x2a: {  	p0 =	seq.s32 s5, $0x0;
	s5 =	sld [smem:$0x3FB0]  }
0x2b: {  	s6 =	sld [smem:$0x3FB1]  }
0x2c: {  	s7 =	sld [smem:$0x3FB2]  }
0x2d: {  	s3 =	simm.s32 $0x108;
	s8 =	sld [smem:$0x3FB3]  }
0x2e: {  	s3 =	simm.s32 @!p0 $0x1082;
	s9 =	sld [smem:$0x3FB4]  }
0x2f: {  	lr =	sadd.s32 s0, s3;
	s0 =	sld [smem:$0x3FAB]  }
0x30: {  	s3 =	sld [smem:$0x3FAE]  }
0x31: {  	[smem:$0x3FB7] =	sst s10  }
0x32: {  	s10 =	sld [smem:$0x3FB5];
	_ =	sdelay $0x3  }
0x33: {  	p0 =	seq.s32 s10, $0x1;
	s10 =	sld [smem:$0x3FB7];
	_ =	sdelay $0x3  }
0x34: {  	[smem:$0x3FB7] =	sst s10  }
0x35: {  	s10 =	sld [smem:$0x3FB6];
	_ =	sdelay $0x3  }
0x36: {  	p1 =	seq.s32 s10, $0x1;
	s10 =	sld [smem:$0x3FB7];
	_ =	sdelay $0x3  }
0x37: {  	[smem:$0x3FB7] =	sst s10  }
0x38: {  	s10 =	sld [smem:$0x3FB8]  }
0x39: {  	_ = 	snop;
	(pc) =	sbr.ind lr, $3  }
0x3a: {  	_ = 	snop  }
0x3b: {  	_ = 	snop  }
0x3c: {  	p2 =	seq.s32 s10, $0x1;
	s10 =	sld [smem:$0x3FB7]  }
0x3d: {  	_ =	shalt  }
0x3e: {  	_ =	shalt  }
0x3f: {  	_ =	shalt  }
0x40: {  	_ =	shalt  }
0x41: {  	_ =	shalt  }
0x42: {  	_ =	shalt  }
0x43: {  	_ =	shalt  }
0x44: {  	_ =	shalt  }
0x45: {  	_ =	shalt  }
0x46: {  	_ =	shalt  }
0x47: {  	_ =	shalt  }
0x48: {  	_ =	shalt  }
0x49: {  	_ =	shalt  }
0x4a: {  	_ =	shalt  }
0x4b: {  	_ =	shalt  }
0x4c: {  	_ =	shalt  }
0x4d: {  	_ =	shalt  }
0x4e: {  	_ =	shalt  }
0x4f: {  	_ =	shalt  }
0x50: {  	_ =	shalt  }
0x51: {  	_ =	shalt  }
0x52: {  	_ =	shalt  }
0x53: {  	_ =	shalt  }
0x54: {  	_ =	shalt  }
0x55: {  	_ =	shalt  }
0x56: {  	_ =	shalt  }
0x57: {  	_ =	shalt  }
0x58: {  	_ =	shalt  }
0x59: {  	_ =	shalt  }
0x5a: {  	_ =	shalt  }
0x5b: {  	_ =	shalt  }
0x5c: {  	_ =	shalt  }
0x5d: {  	_ =	shalt  }
0x5e: {  	_ =	shalt  }
0x5f: {  	_ =	shalt  }
0x60: {  	_ =	shalt  }
0x61: {  	_ =	shalt  }
0x62: {  	_ =	shalt  }
0x63: {  	_ =	shalt  }
0x64: {  	_ =	shalt  }
0x65: {  	_ =	shalt  }
0x66: {  	_ =	shalt  }
0x67: {  	_ =	shalt  }
0x68: {  	_ =	shalt  }
0x69: {  	_ =	shalt  }
0x6a: {  	_ =	shalt  }
0x6b: {  	_ =	shalt  }
0x6c: {  	_ =	shalt  }
0x6d: {  	_ =	shalt  }
0x6e: {  	_ =	shalt  }
0x6f: {  	_ =	shalt  }
0x70: {  	_ =	shalt  }
0x71: {  	_ =	shalt  }
0x72: {  	_ =	shalt  }
0x73: {  	_ =	shalt  }
0x74: {  	_ =	shalt  }
0x75: {  	_ =	shalt  }
0x76: {  	_ =	shalt  }
0x77: {  	_ =	shalt  }
0x78: {  	_ =	shalt  }
0x79: {  	_ =	shalt  }
0x7a: {  	_ =	shalt  }
0x7b: {  	_ =	shalt  }
0x7c: {  	_ =	shalt  }
0x7d: {  	_ =	shalt  }
0x7e: {  	_ =	shalt  }
0x7f: {  	_ =	shalt  }
0x80: {  	_ =	shalt  }
0x81: {  	_ =	shalt  }
0x82: {  	_ =	shalt  }
0x83: {  	_ =	shalt  }
0x84: {  	_ =	shalt  }
0x85: {  	_ =	shalt  }
0x86: {  	_ =	shalt  }
0x87: {  	_ =	shalt  }
.Lfunc_end0:
.L_simem_size_0:
called_computation_lowered:
.L_overlay_start_0:
0x88: {  	s2 =	sld [smem:$0x3FD9]  }
0x89: {  	s3 =	sld [smem:$0x3FFE];
	_ =	sdelay $0x1  }
0x8a: {  	s1 =	srdreg.scid  }
0x8b: {  	s0 =	sand.u32 $0x1, s1  }
0x8c: {  	s17 =	sshll.u32 s0, $0xA;
	s2 =	sadd.s32 s3, s2  }
0x8d: {  	s2 =	sadd.s32 s2, s17  }
0x8e: {  	[smem:$0x3FC3] =	sst s2  }
0x8f: {  	_ = 	snop  }
0x90: {  	s2 =	sld [smem:$0x3FC5]  }
0x91: {  	s18 =	sld [smem:$0x3FD0];
	(tm) =	ssettm $0x1  }
0x92: {  	s4 =	sld [smem:$0x3FFB];
	_ =	sdelay $0x3  }
0x93: {  	_ =	strace s4  }
0x94: {  	s4 =	sld [smem:$0x3FFC];
	_ =	sdelay $0x3  }
0x95: {  	_ =	strace s4  }
0x96: {  	s4 =	sld [smem:$0x3FFD];
	_ =	sdelay $0x3  }
0x97: {  	_ =	strace s4  }
0x98: {  	_ =	strace $0x8FFFFFFF  }
0x99: {  	s19 =	sld [smem:$0x3FDB];
	_ =	sdelay $0x1  }
0x9a: {  	s5 =	simm.s32 $_scs_section_size  }
0x9b: {  	s6 =	simm.s32 $_size__tile_overlayer_lowered;
	s7 =	simm.s32 $_tile_overlayer_lowered  }
0x9c: {  	s22 =	simm.s32 $0x1BFF;
	s21 =	sshll.u32 s7, $0x1;
	s4 =	sadd.s32 s5, s19  }
0x9d: {  	s8 =	simm.s32 $0x0;
	s20 =	sshll.u32 s6, $0x1;
	s6 =	sadd.s32 s21, s4  }
0x9e: {  	[timem:s8], [sflag:s22] =	dma.local [hbm:s6], s20  }
0x9f: {  	_ =	swait.ge [sflag:s22], s20  }
0xa0: {  	s5 =	ssub.s32 $0x0, s20;
	[sflag:s22] =	ssyncset.done $0x0  }
0xa1: {  	[sflag:s22] =	ssyncadd.s32 s5;
	_ =	sdelay $0x1  }
0xa2: {  	s23 =	simm.s32 $0x1B8B  }
0xa3: {  	_ =	swait.ge [sflag:s23], $0x1  }
0xa4: {  	[sflag:s23] =	ssyncset.done $0x0  }
0xa5: {  	s25 =	simm.s32 $0x1B8E;
	s24 =	sld [smem:$0x3FFE];
	[sflag:s23] =	ssyncadd.s32 $0xFFFFFFFF  }
0xa6: {  	s26 =	simm.s32 $execute0_lowered;
	[smem:$0x3FD2] =	sst s25  }
0xa7: {  	s6 =	sshll.u32 s26, $0x1;
	_ =	strace $0x80000046;
	[dreg:$0x1] =	wrdreg $0xFFFFFFFF  }
0xa8: {  	s28 =	simm.s32 $_size_execute0_lowered;
	s4 =	sadd.s32 s4, s6;
	[dreg:$0x0] =	wrdreg $0x0  }
0xa9: {  	s6 =	sshll.u32 s28, $0x1;
	[dreg:$0x2] =	wrdreg s4  }
0xaa: {  	[dreg:$0x3] =	wrdreg s6  }
0xab: {  	[dreg:$0x4] =	wrdreg $0xC0  }
0xac: {  	_ =	task [dreg:s8], $0x5FFFF  }
0xad: {  	[dreg:$0x1] =	wrdreg $0xFFFFFFFF  }
0xae: {  	[dreg:$0x0] =	wrdreg $0x60  }
0xaf: {  	[dreg:$0x2] =	wrdreg s18  }
0xb0: {  	[dreg:$0x3] =	wrdreg s24  }
0xb1: {  	[dreg:$0x4] =	wrdreg s2  }
0xb2: {  	[dreg:$0x5] =	wrdreg $0x105800  }
0xb3: {  	[dreg:$0x6] =	wrdreg $0x9  }
0xb4: {  	_ =	task.clear_ibuf [dreg:s8], $0x7FFFF;
	_ =	strace $0x90000046  }
0xb5: {  	s29 =	simm.s32 $0x9;
	_ =	strace $0x80000048  }
0xb6: {  	_ =	swait.ge [sflag:s29], $0x1  }
0xb7: {  	[sflag:s29] =	ssyncadd.s32 $0xFFFFFFFF  }
0xb8: {  	_ =	strace $0x90000048  }
0xb9: {  	_ =	sfence  }
0xba: {  	s30 =	sld [smem:$0x0];
	_ =	sdelay $0x2  }
0xbb: {  	s31 =	sshll.u32 s1, $0xD;
	s1 =	sshrl.u32 s1, $0x2  }
0xbc: {  	s3 =	sand.u32 $0x4000, s31;
	s1 =	sadd.s32 s1, s30  }
0xbd: {  	s0 =	sor.u32 s3, s0;
	s1 =	sshll.u32 s1, $0x11  }
0xbe: {  	s0 =	sor.u32 s1, s0  }
0xbf: {  	s0 =	sadd.s32 $0x8F2B, s0  }
0xc0: {  	[sflag:s0] =	ssyncadd.remote.s32 $0x1  }
0xc1: {  	_ =	sfence.sel $0xFFFF  }
0xc2: {  	[dreg:$0x0] =	wrdreg $0xFFFFFFFF;
	(pc) =	sbr.abs _section_cstart, $3  }
0xc3: {  	[dreg:$0x1] =	wrdreg $0xFFFFFFFF  }
0xc4: {  	_ =	task.clear_ibuf [dreg:s8], $0x2FFFF;
	_ =	strace $0x9FFFFFFF  }
0xc5: {  	(tm) =	ssettm $0x7FFFFFFF  }
tec
execute0_lowered:
.L_overlay_start_1:
0x0: {  	(tag) =	ssettag $0x1  }
0x1: {  	s0 =	rddreg [dreg:$0x0];
	s1 =	srdreg.scid  }
0x2: {  	s9 =	rddreg [dreg:$0x1];
	s12 =	stileid.u32  }
0x3: {  	s4 =	rddreg [dreg:$0x3];
	s5 =	simm.s32 $0x0;
	s26 =	simm.s32 $0xFD80  }
0x4: {  	s31 =	simm.s32 $0x10180;
	s28 =	simm.s32 $0x5;
	s29 =	simm.s32 $0x6  }
0x5: {  	s30 =	simm.s32 $0x0;
	s1 =	sand.u32 $0x1, s1;
	[smem:$0x7FF] =	sst s5  }
0x6: {  	s6 =	sshll.u32 s12, $0x7;
	s8 =	sadd.s32 $0x600, s9;
	s17 =	smul.u32 $0x14000, s12  }
0x7: {  	s16 =	sshll.u32 s12, $0xE;
	s10 =	sshll.u32 s12, $0xB;
	s21 =	smul.u32 $0xA000, s12  }
0x8: {  	s22 =	smul.u32 $0x2800, s12;
	s2 =	sshll.u32 s1, $0x4;
	_ =	strace $0x80000047  }
0x9: {  	s6 =	sand.u32 $0x380, s6;
	[dreg:$0x9] =	wrdreg s8;
	s15 =	smul.u32 $0x140000, s1  }
0xa: {  	s11 =	ssub.s32 $0x2, s1;
	s18 =	smul.u32 $0x28000, s1;
	[dreg:$0x6] =	wrdreg s26  }
0xb: {  	s10 =	sadd.s32 s0, s10;
	s1 =	smul.u32 $0xA0000, s1;
	[dreg:$0x8] =	wrdreg s31  }
0xc: {  	s26 =	simm.s32 $0x4;
	s2 =	sor.u32 s12, s2;
	s13 =	sshrl.u32 s11, $0x1  }
0xd: {  	[dreg:$0xd] =	wrdreg s10;
	s3 =	sshrl.u32 s2, $0x3;
	s7 =	smul.u32 $0x500, s2  }
0xe: {  	s2 =	smul.u32 $0x1400, s2;
	s1 =	sadd.s32 s21, s1;
	s21 =	simm.s32 $0xA300  }
0xf: {  	s3 =	smul.u32 $0xAC00, s3;
	s24 =	sor.u32 $0x400, s1;
	s1 =	sor.u32 $0x600, s1  }
0x10: {  	s7 =	sadd.s32 s7, s9;
	s25 =	sshrl.u32 s24, $0x3;
	s1 =	sshrl.u32 s1, $0x3  }
0x11: {  	s3 =	sor.u32 s6, s3;
	s6 =	ssub.s32 s11, s13;
	s7 =	sadd.s32 $0x6200, s7  }
0x12: {  	s11 =	sadd.s32 s0, s2;
	s3 =	sshrl.u32 s3, $0x3;
	[dreg:$0xa] =	wrdreg s7  }
0x13: {  	s7 =	sadd.s32 s17, s15;
	s20 =	sadd.s32 $0x40, s11;
	s6 =	smax.u32 s6, $0x1  }
0x14: {  	s17 =	simm.s32 $0x2800;
	s3 =	sadd.s32 s3, s9;
	[dreg:$0xe] =	wrdreg s20  }
0x15: {  	s9 =	sadd.s32 $0x15800, s9;
	s19 =	sshrl.u32 s7, $0x3;
	[dreg:$0xf] =	wrdreg s6  }
0x16: {  	s6 =	sadd.s32 s25, s0;
	s0 =	sadd.s32 s1, s0;
	s20 =	simm.s32 $0x400  }
0x17: {  	s25 =	simm.s32 $0x40;
	s14 =	sadd.s32 $0xC00, s3;
	s3 =	sadd.s32 $0x10200, s3  }
0x18: {  	s2 =	sadd.s32 s19, s9;
	s23 =	sadd.s32 s18, s9;
	[dreg:$0xb] =	wrdreg s14  }
0x19: {  	[dreg:$0xc] =	wrdreg s3;
	s3 =	sadd.s32 s16, s4;
	s2 =	sadd.s32 $0x40, s2  }
0x1a: {  	s16 =	simm.s32 $0x7;
	[dreg:$0x7] =	wrdreg s2;
	s2 =	sadd.s32 s22, s23  }
0x1b: {  	s24 =	sshrl.u32 s3, $0x3;
	s3 =	simm.s32 $0x3;
	s22 =	simm.s32 $0x200  }
0x1c: {  	s23 =	simm.s32 $0x2;
	[dreg:$0x5] =	wrdreg s2;
	s2 =	simm.s32 $0x1  }
.LBB2_1:
0x1d: {  	s1 =	rddreg [dreg:$0x9]  }
0x1e: {  	[tilespmem:s5], [sflag:$0x7] =	stream.linear.gather [hbm4b:s1+s5], $0x2800, $0x38;
	[tilespmem:$0x14580] =	vst v63  }
0x1f: {  	_ =	swait.ge [sflag:s16], $0x2800  }
0x20: {  	[sflag:s16] =	ssyncset.done $0x0  }
0x21: {  	[sflag:s16] =	ssyncadd.s32 $0xFFFFD800  }
0x22: {  	s14 =	rddreg [dreg:$0x1]  }
0x23: {  	[tilespmem:s17], [sflag:$0x7] =	stream.linear.gather [hbm4b:s14+s5], $0x2800, $0x38;
	[tilespmem:$0x14580] =	vst v63  }
0x24: {  	_ =	swait.ge [sflag:s16], $0x2800  }
0x25: {  	[sflag:s16] =	ssyncset.done $0x0  }
0x26: {  	s8 =	simm.s32 $0x5000;
	s15 =	rddreg [dreg:$0xa];
	[sflag:s16] =	ssyncadd.s32 $0xFFFFD800  }
0x27: {  	[tilespmem:s8], [sflag:$0x7] =	stream.linear.gather [hbm4b:s15+s5], $0x2800, $0x38;
	[tilespmem:$0x14580] =	vst v63  }
0x28: {  	_ =	swait.ge [sflag:s16], $0x2800  }
0x29: {  	s7 =	simm.s32 $0x80;
	[sflag:s16] =	ssyncset.done $0x0  }
0x2a: {  	s9 =	simm.s32 $0x7800;
	s18 =	rddreg [dreg:$0xb];
	[sflag:s16] =	ssyncadd.s32 $0xFFFFD800  }
0x2b: {  	[tilespmem:s9], [sflag:$0x7] =	stream.strided.gather [hbm4b:s18+s7], $0x1580, s20, s7, $0x38;
	[tilespmem:$0x14580] =	vst v63  }
0x2c: {  	_ =	swait.ge [sflag:s16], $0x1580  }
0x2d: {  	[sflag:s16] =	ssyncset.done $0x0  }
0x2e: {  	s31 =	simm.s32 $0x8D80;
	s19 =	rddreg [dreg:$0xc];
	[sflag:s16] =	ssyncadd.s32 $0xFFFFEA80  }
0x2f: {  	[tilespmem:s31], [sflag:$0x7] =	stream.strided.gather [hbm4b:s19+s7], $0x1580, s20, s7, $0x38;
	[tilespmem:$0x14580] =	vst v63  }
0x30: {  	_ =	swait.ge [sflag:s16], $0x1580  }
0x31: {  	[sflag:s16] =	ssyncset.done $0x0  }
0x32: {  	[sflag:s16] =	ssyncadd.s32 $0xFFFFEA80  }
0x33: {  	s9 =	simm.s32 $0xB880;
	s7 =	rddreg [dreg:$0x2]  }
0x34: {  	[tilespmem:s9], [sflag:$0x7] =	stream.linear.gather [hbm4b:s7+s5], $0x100, $0x38;
	[tilespmem:$0x14580] =	vst v63  }
0x35: {  	s10 =	stileid.u32;
	_ =	swait.ge [sflag:s16], $0x100  }
0x36: {  	s1 =	sshll.u32 s10, $0x6;
	[sflag:s16] =	ssyncset.done $0x0  }
0x37: {  	s1 =	sor.u32 $0x1C07, s1;
	s12 =	rddreg [dreg:$0xd];
	[sflag:s16] =	ssyncadd.s32 $0xFFFFFF00  }
0x38: {  	[spmem:s24], [sflag:s1] =	dma.local [hbm:s12], $0x800  }
0x39: {  	_ =	swait.ge [sflag:s16], $0x800  }
0x3a: {  	[sflag:s16] =	ssyncset.done $0x0  }
0x3b: {  	[sflag:s16] =	ssyncadd.s32 $0xFFFFF800  }
0x3c: {  	s13 =	simm.s32 $0xB980;
	[bflag:$0x0] =	sbarrier.arrive $0xFFFF  }
0x3d: {  	[tilespmem:s13], [sflag:$0x1] =	stream.indirect.gather [spmem:s4], $0x80, s8, s25, $0xb8;
	[tilespmem:$0x14580] =	vst v63  }
0x3e: {  	s14 =	simm.s32 $0xF980  }
0x3f: {  	[tilespmem:s14], [sflag:$0x3] =	stream.linear.gather [hbm4b:s11+s5], $0x200, $0x38;
	[tilespmem:$0x14580] =	vst v63  }
0x40: {  	s15 =	simm.s32 $0x5080;
	s18 =	simm.s32 $0xD980  }
0x41: {  	[tilespmem:s18], [sflag:$0x2] =	stream.indirect.gather [spmem:s4], $0x80, s15, s25, $0xb8;
	[tilespmem:$0x14580] =	vst v63  }
0x42: {  	s31 =	simm.s32 $0xFB80;
	s1 =	simm.s32 $0x8E10;
	s19 =	rddreg [dreg:$0xe]  }
0x43: {  	[tilespmem:s31], [sflag:$0x4] =	stream.linear.gather [hbm4b:s19+s5], $0x200, $0x38;
	[tilespmem:$0x14580] =	vst v63  }
0x44: {  	v0 =	vld [tilespmem:s1+$0x60]  }
0x45: {  	s7 =	simm.s32 $0x7890;
	v1 =	vld [tilespmem:s1+$0x30]  }
0x46: {  	v2 =	vld [tilespmem:s7+$0x30]  }
0x47: {  	v3 =	vld [tilespmem:s7+$0x60]  }
0x48: {  	v4 =	vld [tilespmem:s1+$0x50]  }
0x49: {  	v5 =	vld [tilespmem:s7+$0xFFFFFFB0]  }
0x4a: {  	v6 =	vld [tilespmem:s7+$0x50]  }
0x4b: {  	v7 =	vld [tilespmem:s1+$0x40]  }
0x4c: {  	v8 =	vld [tilespmem:s7+$0x40]  }
0x4d: {  	v9 =	vld [tilespmem:s7+$0xFFFFFFC0]  }
0x4e: {  	v10 =	vld [tilespmem:s7+$0xFFFFFFA0]  }
0x4f: {  	v11 =	vld [tilespmem:s1+$0x20]  }
0x50: {  	v12 =	vld [tilespmem:s7+$0x20]  }
0x51: {  	v13 =	vld [tilespmem:s1+$0x10]  }
0x52: {  	v14 =	vld [tilespmem:s7+$0x10]  }
0x53: {  	v15 =	vld [tilespmem:s1+$0x0]  }
0x54: {  	s8 =	sand.u32 $0x3FF0, s5;
	v16 =	vld [tilespmem:s7+$0x0]  }
0x55: {  	v17 =	vld [tilespmem:s8+$0x7880]  }
0x56: {  	v18 =	vld [tilespmem:s8+$0x8E00]  }
0x57: {  	v20 =	vld [tilespmem:s1+$0xFFFFFFE0]  }
0x58: {  	v21 =	vld [tilespmem:s7+$0xFFFFFFE0]  }
0x59: {  	v22 =	vld [tilespmem:s1+$0xFFFFFFD0]  }
0x5a: {  	v23 =	vld [tilespmem:s7+$0xFFFFFFD0]  }
0x5b: {  	v24 =	vld [tilespmem:s1+$0xFFFFFFC0]  }
0x5c: {  	v25 =	vld [tilespmem:s7+$0xFFFFFF90]  }
0x5d: {  	v26 =	vld [tilespmem:s1+$0xFFFFFFB0]  }
0x5e: {  	v27 =	vld [tilespmem:s1+$0xFFFFFFA0]  }
0x5f: {  	v28 =	vld [tilespmem:s1+$0xFFFFFF90]  }
0x60: {  	v29 =	vld [tilespmem:s1+$0xFFFFFF80]  }
0x61: {  	v30 =	vld [tilespmem:s7+$0xFFFFFF70]  }
0x62: {  	v31 =	vld [tilespmem:s1+$0xFFFFFF70]  }
0x63: {  	v32 =	vld [tilespmem:s7+$0xFFFFFF80]  }
0x64: {  	v3 =	vld.idx.msk [tilespmem:v3+s17+$0x0], $0xffff  }
0x65: {  	v4 =	vld.idx.msk [tilespmem:v4+s5+$0x0], $0xffff  }
0x66: {  	v6 =	vld.idx.msk [tilespmem:v6+s17+$0x0], $0xffff  }
0x67: {  	v1 =	vld.idx.msk [tilespmem:v1+s5+$0x0], $0xffff  }
0x68: {  	v17 =	vld.idx.msk [tilespmem:v17+s17+$0x0], $0xffff  }
0x69: {  	v18 =	vld.idx.msk [tilespmem:v18+s5+$0x0], $0xffff  }
0x6a: {  	v21 =	vld.idx.msk [tilespmem:v21+s17+$0x0], $0xffff  }
0x6b: {  	v26 =	vld.idx.msk [tilespmem:v26+s5+$0x0], $0xffff  }
0x6c: {  	v5 =	vld.idx.msk [tilespmem:v5+s17+$0x0], $0xffff  }
0x6d: {  	v27 =	vld.idx.msk [tilespmem:v27+s5+$0x0], $0xffff  }
0x6e: {  	v28 =	vld.idx.msk [tilespmem:v28+s5+$0x0], $0xffff  }
0x6f: {  	v29 =	vld.idx.msk [tilespmem:v29+s5+$0x0], $0xffff  }
0x70: {  	v30 =	vld.idx.msk [tilespmem:v30+s17+$0x0], $0xffff  }
0x71: {  	v31 =	vld.idx.msk [tilespmem:v31+s5+$0x0], $0xffff  }
0x72: {  	v32 =	vld.idx.msk [tilespmem:v32+s17+$0x0], $0xffff  }
0x73: {  	v25 =	vld.idx.msk [tilespmem:v25+s17+$0x0], $0xffff  }
0x74: {  	v10 =	vld.idx.msk [tilespmem:v10+s17+$0x0], $0xffff  }
0x75: {  	v22 =	vld.idx.msk [tilespmem:v22+s5+$0x0], $0xffff  }
0x76: {  	v9 =	vld.idx.msk [tilespmem:v9+s17+$0x0], $0xffff  }
0x77: {  	v24 =	vld.idx.msk [tilespmem:v24+s5+$0x0], $0xffff  }
0x78: {  	v23 =	vld.idx.msk [tilespmem:v23+s17+$0x0], $0xffff  }
0x79: {  	v20 =	vld.idx.msk [tilespmem:v20+s5+$0x0], $0xffff  }
0x7a: {  	v14 =	vld.idx.msk [tilespmem:v14+s17+$0x0], $0xffff  }
0x7b: {  	v16 =	vld.idx.msk [tilespmem:v16+s17+$0x0], $0xffff  }
0x7c: {  	v15 =	vld.idx.msk [tilespmem:v15+s5+$0x0], $0xffff  }
0x7d: {  	v13 =	vld.idx.msk [tilespmem:v13+s5+$0x0], $0xffff  }
0x7e: {  	v2 =	vld.idx.msk [tilespmem:v2+s17+$0x0], $0xffff  }
0x7f: {  	v12 =	vld.idx.msk [tilespmem:v12+s17+$0x0], $0xffff  }
0x80: {  	v11 =	vld.idx.msk [tilespmem:v11+s5+$0x0], $0xffff  }
0x81: {  	v7 =	vld.idx.msk [tilespmem:v7+s5+$0x0], $0xffff;
	v30 =	vadd.f32 v30, v31;
	v4 =	vadd.f32 v6, v4  }
0x82: {  	v8 =	vld.idx.msk [tilespmem:v8+s17+$0x0], $0xffff;
	v6 =	vadd.f32 v32, v29;
	v5 =	vadd.f32 v5, v26  }
0x83: {  	v0 =	vld.idx.msk [tilespmem:v0+s5+$0x0], $0xffff;
	v25 =	vadd.f32 v25, v28;
	v10 =	vadd.f32 v10, v27  }
0x84: {  	v9 =	vadd.f32 v9, v24;
	v22 =	vadd.f32 v23, v22  }
0x85: {  	v20 =	vadd.f32 v21, v20;
	v17 =	vadd.f32 v17, v18  }
0x86: {  	v15 =	vadd.f32 v16, v15;
	v13 =	vadd.f32 v14, v13  }
0x87: {  	v19 =	vld [tilespmem:s8+$0x8E80];
	v1 =	vadd.f32 v2, v1;
	v11 =	vadd.f32 v12, v11;
	v48 =	vmul.f32 $2.000000030e-01, v30  }
0x88: {  	v49 =	vld [tilespmem:s8+$0x7900];
	v7 =	vadd.f32 v8, v7;
	v0 =	vadd.f32 v3, v0;
	v50 =	vmul.f32 $2.000000030e-01, v6  }
0x89: {  	v52 =	vmul.f32 $2.000000030e-01, v5;
	v53 =	vmul.f32 $2.000000030e-01, v25;
	v51 =	vmax.f32 v30, v48  }
0x8a: {  	v55 =	vmul.f32 $2.000000030e-01, v10;
	v6 =	vmax.f32 v6, v50;
	v54 =	vmax.f32 v51, $-3.399999950e+38  }
0x8b: {  	v58 =	vmul.f32 $2.000000030e-01, v9;
	v25 =	vmax.f32 v25, v53;
	v56 =	vmax.f32 v54, v6  }
0x8c: {  	v59 =	vmul.f32 $2.000000030e-01, v22;
	v10 =	vmax.f32 v10, v55;
	v57 =	vmax.f32 v56, v25  }
0x8d: {  	v61 =	vmul.f32 $2.000000030e-01, v20;
	v5 =	vmax.f32 v5, v52;
	v23 =	vmax.f32 v57, v10  }
0x8e: {  	v2 =	vmul.f32 $2.000000030e-01, v17;
	v9 =	vmax.f32 v9, v58;
	v23 =	vmax.f32 v23, v5  }
0x8f: {  	v19 =	vld.idx.msk [tilespmem:v19+s5+$0x0], $0xffff;
	v62 =	vmul.f32 $2.000000030e-01, v15;
	v60 =	vmax.f32 v22, v59;
	v18 =	vmax.f32 v23, v9  }
0x90: {  	v16 =	vld.idx.msk [tilespmem:v49+s17+$0x0], $0xffff;
	v63 =	vmul.f32 $2.000000030e-01, v13;
	v14 =	vmax.f32 v18, v60;
	v18 =	vmax.f32 v20, v61  }
0x91: {  	v3 =	vmul.f32 $2.000000030e-01, v7;
	v2 =	vmax.f32 v17, v2;
	v14 =	vmax.f32 v14, v18  }
0x92: {  	v12 =	vmax.f32 v14, v2;
	v14 =	vmax.f32 v15, v62;
	v15 =	vmul.f32 $2.000000030e-01, v11  }
0x93: {  	v13 =	vmax.f32 v13, v63;
	v17 =	vmul.f32 $2.000000030e-01, v1;
	v8 =	vmax.f32 v12, v14  }
0x94: {  	v12 =	vmul.f32 $2.000000030e-01, v4;
	v8 =	vmax.f32 v8, v13;
	v11 =	vmax.f32 v11, v15  }
0x95: {  	v15 =	vadd.f32 v16, v19;
	v16 =	vmax.f32 v1, v17;
	v8 =	vmax.f32 v8, v11  }
0x96: {  	v7 =	vmax.f32 v7, v3;
	v1 =	vmax.f32 v8, v16;
	v8 =	vmul.f32 $2.000000030e-01, v0  }
0x97: {  	v12 =	vmax.f32 v4, v12;
	v3 =	vmul.f32 $2.000000030e-01, v15;
	v1 =	vmax.f32 v1, v7  }
0x98: {  	v8 =	vmax.f32 v0, v8;
	v0 =	vmax.f32 v1, v12  }
0x99: {  	v15 =	vmax.f32 v15, v3;
	v0 =	vmax.f32 v0, v8  }
0x9a: {  	v17 =	vmax.f32 v0, v15  }
0x9b: {  	v0 =	vsub.f32 v51, v17;
	_ =	sdelay $0x1  }
0x9c: {  	v1 =	vsub.f32 v6, v17;
	v0 =	vmul.f32 $1.442695020e+00, v0;
	_ =	sdelay $0x1  }
0x9d: {  	v3 =	vsub.f32 v25, v17;
	v1 =	vmul.f32 $1.442695020e+00, v1;
	(erf) = vpow2.f32 v0;
	_ =	sdelay $0x1  }
0x9e: {  	v3 =	vmul.f32 $1.442695020e+00, v3;
	v0 =	vsub.f32 v10, v17;
	(erf) = vpow2.f32 v1  }
0x9f: {  	v1 =	vsub.f32 v5, v17  }
0xa0: {  	v0 =	vmul.f32 $1.442695020e+00, v0;
	(erf) = vpow2.f32 v3  }
0xa1: {  	v1 =	vmul.f32 $1.442695020e+00, v1  }
0xa2: {  	(erf) = vpow2.f32 v0  }
0xa3: {  	v3 =	vsub.f32 v9, v17;
	v0 =	vsub.f32 v60, v17  }
0xa4: {  	(erf) = vpow2.f32 v1  }
0xa5: {  	v3 =	vmul.f32 $1.442695020e+00, v3;
	v1 =	vpop (erf)  }
0xa6: {  	v4 =	vsub.f32 v18, v17;
	v6 =	vadd.f32 $0.0e+00, v1  }
0xa7: {  	v5 =	vmul.f32 $1.442695020e+00, v0;
	(erf) = vpow2.f32 v3;
	v3 =	vsub.f32 v2, v17;
	v0 =	vpop (erf)  }
0xa8: {  	v6 =	vadd.f32 v6, v0  }
0xa9: {  	v4 =	vmul.f32 $1.442695020e+00, v4;
	(erf) = vpow2.f32 v5;
	v2 =	vpop (erf)  }
0xaa: {  	v5 =	vsub.f32 v14, v17;
	v6 =	vadd.f32 v6, v2  }
0xab: {  	v9 =	vmul.f32 $1.442695020e+00, v3;
	(erf) = vpow2.f32 v4;
	v3 =	vpop (erf)  }
0xac: {  	v5 =	vmul.f32 $1.442695020e+00, v5;
	v6 =	vadd.f32 v6, v3  }
0xad: {  	(erf) = vpow2.f32 v9;
	v4 =	vpop (erf)  }
0xae: {  	v10 =	vsub.f32 v13, v17;
	v6 =	vadd.f32 v6, v4;
	_ =	sdelay $0x1  }
0xaf: {  	v10 =	vmul.f32 $1.442695020e+00, v10;
	v9 =	vsub.f32 v11, v17;
	(erf) = vpow2.f32 v5;
	v5 =	vpop (erf)  }
0xb0: {  	v7 =	vsub.f32 v7, v17;
	v13 =	vadd.f32 v6, v5  }
0xb1: {  	v11 =	vsub.f32 v16, v17;
	v9 =	vmul.f32 $1.442695020e+00, v9;
	(erf) = vpow2.f32 v10;
	v6 =	vpop (erf)  }
0xb2: {  	v13 =	vadd.f32 v13, v6  }
0xb3: {  	v11 =	vmul.f32 $1.442695020e+00, v11;
	(erf) = vpow2.f32 v9;
	v10 =	vpop (erf)  }
0xb4: {  	v13 =	vadd.f32 v13, v10  }
0xb5: {  	v12 =	vsub.f32 v12, v17;
	v9 =	vmul.f32 $1.442695020e+00, v7;
	(erf) = vpow2.f32 v11;
	v7 =	vpop (erf)  }
0xb6: {  	v13 =	vadd.f32 v13, v7  }
0xb7: {  	v12 =	vmul.f32 $1.442695020e+00, v12;
	(erf) = vpow2.f32 v9  }
0xb8: {  	v8 =	vsub.f32 v8, v17;
	v11 =	vpop (erf)  }
0xb9: {  	(erf) = vpow2.f32 v12;
	v14 =	vadd.f32 v13, v11  }
0xba: {  	v8 =	vmul.f32 $1.442695020e+00, v8;
	v9 =	vsub.f32 v15, v17;
	v13 =	vpop (erf)  }
0xbb: {  	v14 =	vadd.f32 v14, v13  }
0xbc: {  	v9 =	vmul.f32 $1.442695020e+00, v9;
	(erf) = vpow2.f32 v8;
	v12 =	vpop (erf)  }
0xbd: {  	v8 =	vadd.f32 v14, v12  }
0xbe: {  	(erf) = vpow2.f32 v9;
	v15 =	vpop (erf)  }
0xbf: {  	v8 =	vadd.f32 v8, v15  }
0xc0: {  	v14 =	vpop (erf)  }
0xc1: {  	v8 =	vadd.f32 v8, v14  }
0xc2: {  	v16 =	vpop (erf)  }
0xc3: {  	v9 =	vadd.f32 v8, v16;
	_ =	sdelay $0x1  }
0xc4: {  	v8 =	vpop (erf)  }
0xc5: {  	v17 =	vadd.f32 v9, v8  }
0xc6: {  	v9 =	vpop (erf)  }
0xc7: {  	v17 =	vadd.f32 v17, v9;
	_ =	sdelay $0x1  }
0xc8: {  	s9 =	simm.s32 $0xA390;
	s14 =	simm.s32 $0xA390;
	s15 =	simm.s32 $0x110;
	(erf) = vrcp.f32 v17  }
.LBB2_2:
0xc9: {  	_ =	sdelay $0x7  }
0xca: {  	s7 =	sadd.s32 $0x110, s7;
	s1 =	sadd.s32 $0x110, s1;
	s14 =	sadd.s32 $0x110, s14;
	v17 =	vpop (erf)  }
0xcb: {  	p0 =	sne.s32 s15, $0x1430;
	s10 =	smov.u32 s15;
	s15 =	sadd.s32 $0x110, s15;
	v1 =	vmul.f32 v17, v1;
	v0 =	vmul.f32 v17, v0  }
0xcc: {  	v2 =	vmul.f32 v17, v2;
	v3 =	vmul.f32 v17, v3  }
0xcd: {  	[tilespmem:s9+$0xFFFFFF70] =	vst v1;
	v1 =	vmul.f32 v17, v4;
	v4 =	vmul.f32 v17, v5  }
0xce: {  	v5 =	vmul.f32 v17, v10;
	[tilespmem:s9+$0xFFFFFFA0] =	vst v3;
	v3 =	vmul.f32 v17, v6  }
0xcf: {  	v6 =	vmul.f32 v17, v13;
	[tilespmem:s9+$0xFFFFFFB0] =	vst v1;
	v1 =	vmul.f32 v17, v11  }
0xd0: {  	v10 =	vmul.f32 v17, v16;
	[tilespmem:s9+$0xFFFFFFC0] =	vst v4;
	v4 =	vmul.f32 v17, v15  }
0xd1: {  	[tilespmem:s9+$0xFFFFFFD0] =	vst v3;
	v3 =	vmul.f32 v17, v7;
	v7 =	vmul.f32 v17, v12  }
0xd2: {  	[tilespmem:s9+$0xFFFFFFE0] =	vst v5;
	v5 =	vmul.f32 v17, v14  }
0xd3: {  	[tilespmem:s9+$0xFFFFFF90] =	vst v2;
	_ =	sdelay $0xe  }
0xd4: {  	[tilespmem:s9+$0xFFFFFF80] =	vst v0  }
0xd5: {  	[tilespmem:s8+$0xA380] =	vst v3  }
0xd6: {  	[tilespmem:s9+$0x0] =	vst v1  }
0xd7: {  	[tilespmem:s9+$0x10] =	vst v6  }
0xd8: {  	[tilespmem:s9+$0x20] =	vst v7  }
0xd9: {  	[tilespmem:s9+$0x30] =	vst v4  }
0xda: {  	v0 =	vmul.f32 v17, v8;
	[tilespmem:s9+$0x40] =	vst v5  }
0xdb: {  	v1 =	vmul.f32 v17, v9;
	[tilespmem:s9+$0x50] =	vst v10  }
0xdc: {  	[tilespmem:s9+$0x60] =	vst v0;
	s9 =	smov.u32 s14  }
0xdd: {  	[tilespmem:s8+$0xA400] =	vst v1  }
0xde: {  	v0 =	vld [tilespmem:s1+$0x60]  }
0xdf: {  	v2 =	vld [tilespmem:s1+$0x30]  }
0xe0: {  	v3 =	vld [tilespmem:s7+$0x30]  }
0xe1: {  	v1 =	vld [tilespmem:s7+$0x60]  }
0xe2: {  	v6 =	vld [tilespmem:s1+$0x50]  }
0xe3: {  	v9 =	vld [tilespmem:s7+$0xFFFFFFB0]  }
0xe4: {  	v7 =	vld [tilespmem:s7+$0x50]  }
0xe5: {  	v5 =	vld [tilespmem:s1+$0x40]  }
0xe6: {  	v4 =	vld [tilespmem:s7+$0x40]  }
0xe7: {  	v10 =	vld [tilespmem:s7+$0xFFFFFFC0]  }
0xe8: {  	v11 =	vld [tilespmem:s7+$0xFFFFFFA0]  }
0xe9: {  	v1 =	vld.idx.msk [tilespmem:v1+s17+$0x0], $0xffff  }
0xea: {  	v6 =	vld.idx.msk [tilespmem:v6+s5+$0x0], $0xffff  }
0xeb: {  	v8 =	vld [tilespmem:s1+$0x20]  }
0xec: {  	v7 =	vld.idx.msk [tilespmem:v7+s17+$0x0], $0xffff  }
0xed: {  	v12 =	vld [tilespmem:s7+$0x20]  }
0xee: {  	v13 =	vld [tilespmem:s1+$0x10]  }
0xef: {  	v14 =	vld [tilespmem:s7+$0x10]  }
0xf0: {  	v15 =	vld [tilespmem:s1+$0x0]  }
0xf1: {  	v16 =	vld.idx.msk [tilespmem:v2+s5+$0x0], $0xffff  }
0xf2: {  	v2 =	vadd.f32 v7, v6;
	v17 =	vld.idx.msk [tilespmem:v3+s17+$0x0], $0xffff  }
0xf3: {  	s8 =	sand.u32 $0x3FF0, s10;
	v18 =	vld [tilespmem:s7+$0x0]  }
0xf4: {  	v3 =	vmul.f32 $2.000000030e-01, v2;
	v19 =	vld [tilespmem:s8+$0x7880]  }
0xf5: {  	v20 =	vld [tilespmem:s8+$0x8E00]  }
0xf6: {  	v21 =	vld [tilespmem:s8+$0x8E80]  }
0xf7: {  	v22 =	vld [tilespmem:s1+$0xFFFFFFE0]  }
0xf8: {  	v6 =	vadd.f32 v17, v16;
	v23 =	vld [tilespmem:s7+$0xFFFFFFE0]  }
0xf9: {  	v16 =	vld [tilespmem:s1+$0xFFFFFFD0]  }
0xfa: {  	v7 =	vmul.f32 $2.000000030e-01, v6;
	v17 =	vld [tilespmem:s7+$0xFFFFFFD0]  }
0xfb: {  	v24 =	vld [tilespmem:s1+$0xFFFFFFC0]  }
0xfc: {  	v19 =	vld.idx.msk [tilespmem:v19+s17+$0x0], $0xffff  }
0xfd: {  	v20 =	vld.idx.msk [tilespmem:v20+s5+$0x0], $0xffff  }
0xfe: {  	v25 =	vld [tilespmem:s7+$0xFFFFFF90]  }
0xff: {  	v26 =	vld [tilespmem:s1+$0xFFFFFFB0]  }
0x100: {  	v23 =	vld.idx.msk [tilespmem:v23+s17+$0x0], $0xffff  }
0x101: {  	v27 =	vld [tilespmem:s1+$0xFFFFFFA0]  }
0x102: {  	v28 =	vld [tilespmem:s1+$0xFFFFFF90]  }
0x103: {  	v19 =	vadd.f32 v19, v20;
	v29 =	vld [tilespmem:s1+$0xFFFFFF80]  }
0x104: {  	v20 =	vld [tilespmem:s7+$0xFFFFFF70]  }
0x105: {  	v31 =	vmul.f32 $2.000000030e-01, v19;
	v30 =	vld [tilespmem:s1+$0xFFFFFF70]  }
0x106: {  	v32 =	vld [tilespmem:s7+$0xFFFFFF80]  }
0x107: {  	v26 =	vld.idx.msk [tilespmem:v26+s5+$0x0], $0xffff  }
0x108: {  	v9 =	vld.idx.msk [tilespmem:v9+s17+$0x0], $0xffff  }
0x109: {  	v27 =	vld.idx.msk [tilespmem:v27+s5+$0x0], $0xffff  }
0x10a: {  	v28 =	vld.idx.msk [tilespmem:v28+s5+$0x0], $0xffff  }
0x10b: {  	v29 =	vld.idx.msk [tilespmem:v29+s5+$0x0], $0xffff  }
0x10c: {  	v20 =	vld.idx.msk [tilespmem:v20+s17+$0x0], $0xffff  }
0x10d: {  	v30 =	vld.idx.msk [tilespmem:v30+s5+$0x0], $0xffff  }
0x10e: {  	v9 =	vadd.f32 v9, v26;
	v32 =	vld.idx.msk [tilespmem:v32+s17+$0x0], $0xffff  }
0x10f: {  	v25 =	vld.idx.msk [tilespmem:v25+s17+$0x0], $0xffff  }
0x110: {  	v26 =	vmul.f32 $2.000000030e-01, v9;
	v11 =	vld.idx.msk [tilespmem:v11+s17+$0x0], $0xffff  }
0x111: {  	v16 =	vld.idx.msk [tilespmem:v16+s5+$0x0], $0xffff  }
0x112: {  	v10 =	vld.idx.msk [tilespmem:v10+s17+$0x0], $0xffff  }
0x113: {  	v20 =	vadd.f32 v20, v30;
	v24 =	vld.idx.msk [tilespmem:v24+s5+$0x0], $0xffff  }
0x114: {  	v29 =	vadd.f32 v32, v29;
	v17 =	vld.idx.msk [tilespmem:v17+s17+$0x0], $0xffff  }
0x115: {  	v30 =	vmul.f32 $2.000000030e-01, v20;
	v25 =	vadd.f32 v25, v28;
	v22 =	vld.idx.msk [tilespmem:v22+s5+$0x0], $0xffff  }
0x116: {  	v28 =	vmul.f32 $2.000000030e-01, v29;
	v11 =	vadd.f32 v11, v27;
	v27 =	vld [tilespmem:s8+$0x7900]  }
0x117: {  	v20 =	vmax.f32 v20, v30;
	v30 =	vmul.f32 $2.000000030e-01, v25;
	v14 =	vld.idx.msk [tilespmem:v14+s17+$0x0], $0xffff  }
0x118: {  	v32 =	vmax.f32 v20, $-3.399999950e+38;
	v28 =	vmax.f32 v29, v28;
	v29 =	vmul.f32 $2.000000030e-01, v11;
	v18 =	vld.idx.msk [tilespmem:v18+s17+$0x0], $0xffff  }
0x119: {  	v32 =	vmax.f32 v32, v28;
	v25 =	vmax.f32 v25, v30;
	v10 =	vadd.f32 v10, v24;
	v15 =	vld.idx.msk [tilespmem:v15+s5+$0x0], $0xffff  }
0x11a: {  	v24 =	vmax.f32 v32, v25;
	v11 =	vmax.f32 v11, v29;
	v16 =	vadd.f32 v17, v16;
	v13 =	vld.idx.msk [tilespmem:v13+s5+$0x0], $0xffff  }
0x11b: {  	v9 =	vmax.f32 v9, v26;
	v17 =	vmax.f32 v24, v11;
	v24 =	vmul.f32 $2.000000030e-01, v10;
	v12 =	vld.idx.msk [tilespmem:v12+s17+$0x0], $0xffff  }
0x11c: {  	v22 =	vadd.f32 v23, v22;
	v17 =	vmax.f32 v17, v9;
	v26 =	vmul.f32 $2.000000030e-01, v16;
	v8 =	vld.idx.msk [tilespmem:v8+s5+$0x0], $0xffff  }
0x11d: {  	v10 =	vmax.f32 v10, v24;
	v5 =	vld.idx.msk [tilespmem:v5+s5+$0x0], $0xffff  }
0x11e: {  	v23 =	vmul.f32 $2.000000030e-01, v22;
	v17 =	vmax.f32 v17, v10;
	v16 =	vmax.f32 v16, v26;
	v4 =	vld.idx.msk [tilespmem:v4+s17+$0x0], $0xffff  }
0x11f: {  	v17 =	vmax.f32 v17, v16;
	v15 =	vadd.f32 v18, v15;
	v18 =	vld.idx.msk [tilespmem:v27+s17+$0x0], $0xffff  }
0x120: {  	v22 =	vmax.f32 v22, v23;
	v13 =	vadd.f32 v14, v13;
	v14 =	vld.idx.msk [tilespmem:v21+s5+$0x0], $0xffff  }
0x121: {  	v19 =	vmax.f32 v19, v31;
	v17 =	vmax.f32 v17, v22;
	v21 =	vmul.f32 $2.000000030e-01, v15;
	v0 =	vld.idx.msk [tilespmem:v0+s5+$0x0], $0xffff  }
0x122: {  	v17 =	vmax.f32 v17, v19;
	v23 =	vmul.f32 $2.000000030e-01, v13;
	v8 =	vadd.f32 v12, v8  }
0x123: {  	v12 =	vmax.f32 v15, v21  }
0x124: {  	v13 =	vmax.f32 v13, v23;
	v15 =	vmul.f32 $2.000000030e-01, v8;
	v4 =	vadd.f32 v4, v5  }
0x125: {  	v5 =	vmax.f32 v17, v12  }
0x126: {  	v5 =	vmax.f32 v5, v13;
	v8 =	vmax.f32 v8, v15;
	v14 =	vadd.f32 v18, v14  }
0x127: {  	v6 =	vmax.f32 v6, v7;
	v5 =	vmax.f32 v5, v8;
	v0 =	vadd.f32 v1, v0  }
0x128: {  	v1 =	vmax.f32 v5, v6;
	v5 =	vmul.f32 $2.000000030e-01, v4;
	v7 =	vmul.f32 $2.000000030e-01, v14  }
0x129: {  	v15 =	vmul.f32 $2.000000030e-01, v0  }
0x12a: {  	v2 =	vmax.f32 v2, v3;
	v4 =	vmax.f32 v4, v5;
	v3 =	vmax.f32 v14, v7  }
0x12b: {  	v1 =	vmax.f32 v1, v4;
	v0 =	vmax.f32 v0, v15  }
0x12c: {  	v1 =	vmax.f32 v1, v2  }
0x12d: {  	v1 =	vmax.f32 v1, v0  }
0x12e: {  	v1 =	vmax.f32 v1, v3  }
0x12f: {  	v5 =	vsub.f32 v20, v1;
	v7 =	vsub.f32 v22, v1  }
0x130: {  	v12 =	vsub.f32 v12, v1;
	v13 =	vsub.f32 v13, v1  }
0x131: {  	v14 =	vsub.f32 v28, v1;
	v11 =	vsub.f32 v11, v1;
	v5 =	vmul.f32 $1.442695020e+00, v5  }
0x132: {  	v15 =	vsub.f32 v25, v1;
	v8 =	vsub.f32 v8, v1;
	v13 =	vmul.f32 $1.442695020e+00, v13  }
0x133: {  	v4 =	vsub.f32 v4, v1;
	v14 =	vmul.f32 $1.442695020e+00, v14;
	(erf) = vpow2.f32 v5  }
0x134: {  	v8 =	vmul.f32 $1.442695020e+00, v8;
	v5 =	vmul.f32 $1.442695020e+00, v15;
	v15 =	vsub.f32 v19, v1  }
0x135: {  	v9 =	vsub.f32 v9, v1;
	v7 =	vmul.f32 $1.442695020e+00, v7;
	(erf) = vpow2.f32 v14  }
0x136: {  	v10 =	vsub.f32 v10, v1;
	v14 =	vsub.f32 v16, v1;
	v16 =	vmul.f32 $1.442695020e+00, v4  }
0x137: {  	v4 =	vmul.f32 $1.442695020e+00, v11;
	v11 =	vsub.f32 v6, v1;
	(erf) = vpow2.f32 v5  }
0x138: {  	v2 =	vsub.f32 v2, v1;
	v5 =	vmul.f32 $1.442695020e+00, v10;
	v6 =	vmul.f32 $1.442695020e+00, v14  }
0x139: {  	v0 =	vsub.f32 v0, v1;
	v9 =	vmul.f32 $1.442695020e+00, v9;
	(erf) = vpow2.f32 v4  }
0x13a: {  	v14 =	vmul.f32 $1.442695020e+00, v2;
	v2 =	vsub.f32 v3, v1  }
0x13b: {  	v17 =	vmul.f32 $1.442695020e+00, v0;
	(erf) = vpow2.f32 v9  }
0x13c: {  	v9 =	vmul.f32 $1.442695020e+00, v2;
	v1 =	vpop (erf)  }
0x13d: {  	v4 =	vadd.f32 $0.0e+00, v1;
	(erf) = vpow2.f32 v5  }
0x13e: {  	v0 =	vpop (erf)  }
0x13f: {  	v10 =	vadd.f32 v4, v0;
	(erf) = vpow2.f32 v6  }
0x140: {  	v2 =	vpop (erf)  }
0x141: {  	v5 =	vmul.f32 $1.442695020e+00, v15;
	v10 =	vadd.f32 v10, v2;
	(erf) = vpow2.f32 v7  }
0x142: {  	v3 =	vpop (erf)  }
0x143: {  	v7 =	vmul.f32 $1.442695020e+00, v12;
	v6 =	vadd.f32 v10, v3;
	(erf) = vpow2.f32 v5  }
0x144: {  	v4 =	vpop (erf)  }
0x145: {  	v10 =	vadd.f32 v6, v4;
	(erf) = vpow2.f32 v7  }
0x146: {  	v5 =	vpop (erf)  }
0x147: {  	v7 =	vadd.f32 v10, v5;
	(erf) = vpow2.f32 v13  }
0x148: {  	v6 =	vpop (erf)  }
0x149: {  	v11 =	vmul.f32 $1.442695020e+00, v11;
	v12 =	vadd.f32 v7, v6;
	(erf) = vpow2.f32 v8  }
0x14a: {  	v10 =	vpop (erf)  }
0x14b: {  	v8 =	vadd.f32 v12, v10;
	(erf) = vpow2.f32 v11  }
0x14c: {  	v7 =	vpop (erf)  }
0x14d: {  	v8 =	vadd.f32 v8, v7;
	(erf) = vpow2.f32 v16  }
0x14e: {  	v11 =	vpop (erf)  }
0x14f: {  	v8 =	vadd.f32 v8, v11;
	(erf) = vpow2.f32 v14  }
0x150: {  	v13 =	vpop (erf)  }
0x151: {  	v8 =	vadd.f32 v8, v13;
	(erf) = vpow2.f32 v17  }
0x152: {  	v12 =	vpop (erf)  }
0x153: {  	v8 =	vadd.f32 v8, v12;
	(erf) = vpow2.f32 v9  }
0x154: {  	v15 =	vpop (erf)  }
0x155: {  	v8 =	vadd.f32 v8, v15  }
0x156: {  	v14 =	vpop (erf)  }
0x157: {  	v17 =	vadd.f32 v8, v14  }
0x158: {  	v16 =	vpop (erf)  }
0x159: {  	v18 =	vadd.f32 v17, v16  }
0x15a: {  	v8 =	vpop (erf)  }
.Ltmp0:
0x15b: {  	v17 =	vadd.f32 v18, v8;
	(pc) =	sbr.rel @p0 .LBB2_2-.Ltmp0, $3  }
0x15c: {  	v9 =	vpop (erf)  }
0x15d: {  	v17 =	vadd.f32 v17, v9;
	_ =	sdelay $0x1  }
0x15e: {  	(erf) = vrcp.f32 v17  }
0x15f: {  	_ =	sdelay $0x7  }
0x160: {  	v17 =	vpop (erf)  }
0x161: {  	v1 =	vmul.f32 v17, v1  }
0x162: {  	v3 =	vmul.f32 v17, v3  }
0x163: {  	v2 =	vmul.f32 v17, v2;
	[tilespmem:s9+$0xFFFFFF70] =	vst v1  }
0x164: {  	v0 =	vmul.f32 v17, v0;
	[tilespmem:s9+$0xFFFFFFA0] =	vst v3  }
0x165: {  	v1 =	vmul.f32 v17, v4;
	[tilespmem:s9+$0xFFFFFF90] =	vst v2  }
0x166: {  	v4 =	vmul.f32 v17, v5;
	[tilespmem:s9+$0xFFFFFF80] =	vst v0  }
0x167: {  	[tilespmem:s9+$0xFFFFFFB0] =	vst v1;
	v1 =	vmul.f32 v17, v10  }
0x168: {  	v3 =	vmul.f32 v17, v6;
	[tilespmem:s9+$0xFFFFFFC0] =	vst v4  }
0x169: {  	[tilespmem:s9+$0xFFFFFFE0] =	vst v1;
	v1 =	vmul.f32 v17, v7  }
0x16a: {  	v2 =	vmul.f32 v17, v11;
	[tilespmem:s9+$0xFFFFFFD0] =	vst v3  }
0x16b: {  	v0 =	vmul.f32 v17, v13;
	[tilespmem:s8+$0xA380] =	vst v1  }
0x16c: {  	v1 =	vmul.f32 v17, v12;
	[tilespmem:s9+$0x0] =	vst v2  }
0x16d: {  	v2 =	vmul.f32 v17, v15;
	[tilespmem:s9+$0x10] =	vst v0  }
0x16e: {  	v0 =	vmul.f32 v17, v14;
	[tilespmem:s9+$0x20] =	vst v1  }
0x16f: {  	v1 =	vmul.f32 v17, v16;
	[tilespmem:s9+$0x30] =	vst v2  }
0x170: {  	[tilespmem:s9+$0x40] =	vst v0;
	v0 =	vmul.f32 v17, v8  }
0x171: {  	[tilespmem:s9+$0x50] =	vst v1;
	v1 =	vmul.f32 v17, v9  }
0x172: {  	[tilespmem:s9+$0x60] =	vst v0  }
0x173: {  	[tilespmem:s8+$0xA400] =	vst v1  }
0x174: {  	v0 =	vld [tilespmem:$0xB880]  }
0x175: {  	v1 =	vld [tilespmem:$0xB890]  }
0x176: {  	v2 =	vld [tilespmem:$0xB8A0]  }
0x177: {  	v3 =	vld [tilespmem:$0xB8B0]  }
0x178: {  	v4 =	vld [tilespmem:$0xB8C0]  }
0x179: {  	v5 =	vld [tilespmem:$0xB8D0]  }
0x17a: {  	v6 =	vld [tilespmem:$0xB8E0]  }
0x17b: {  	v7 =	vld [tilespmem:$0xB8F0]  }
0x17c: {  	v8 =	vld [tilespmem:$0xB900]  }
0x17d: {  	v9 =	vld [tilespmem:$0xB910]  }
0x17e: {  	v10 =	vld [tilespmem:$0xB920]  }
0x17f: {  	v11 =	vld [tilespmem:$0xB930]  }
0x180: {  	v12 =	vld [tilespmem:$0xB940]  }
0x181: {  	v13 =	vld [tilespmem:$0xB950]  }
0x182: {  	s31 =	simm.s32 $0x5100;
	s1 =	simm.s32 $0x0;
	s15 =	smov.u32 s0;
	v14 =	vld [tilespmem:$0xB960]  }
0x183: {  	s14 =	smov.u32 s6;
	s7 =	simm.s32 $0x0;
	s8 =	simm.s32 $0x0;
	v15 =	vld [tilespmem:$0xB970]  }
.LBB2_4:
0x184: {  	s9 =	sshrl.u32 s8, $0x1  }
0x185: {  	s9 =	smul.u32 $0x110, s9  }
0x186: {  	s10 =	sand.u32 $0x8, s1  }
0x187: {  	s10 =	sadd.s32 s10, s9  }
0x188: {  	_ =	swait.ge [sflag:s2], $0x2000;
	s9 =	sadd.s32 $0x100, s10  }
0x189: {  	[sflag:s2] =	ssyncset.done $0x0;
	v16 =	vmov s9  }
0x18a: {  	[sflag:s2] =	ssyncadd.s32 $0xFFFFE000;
	v16 =	vand.u32 $0xFFFFFFF8, v16  }
0x18b: {  	_ =	swait.ge [sflag:s3], $0x200;
	v16 =	vbroadcast v16, $0x0  }
0x18c: {  	p0 =	seq.s32 s7, $0x0;
	[sflag:s3] =	ssyncset.done $0x0  }
0x18d: {  	s18 =	simm.s32 @!p0 $0x5;
	[sflag:s3] =	ssyncadd.s32 $0xFFFFFE00  }
0x18e: {  	_ =	swait.ge @!p0 [sflag:s18], $0x400  }
0x18f: {  	[sflag:s18] =	ssyncset.done @!p0 $0x0  }
0x190: {  	[sflag:s18] =	ssyncadd.s32 @!p0 $0xFFFFFC00  }
0x191: {  	v16 =	vld.idx.msk [tilespmem:v16+s21+$0x0], $0xffff  }
0x192: {  	v17 =	vld [tilespmem:$0xF980]  }
0x193: {  	v18 =	vld [tilespmem:$0xF990]  }
0x194: {  	v19 =	vld [tilespmem:$0xF9A0]  }
0x195: {  	v21 =	vld [tilespmem:$0xF9B0]  }
0x196: {  	v16 =	vbroadcast v16, $0x0  }
0x197: {  	v23 =	vld [tilespmem:$0xF9C0];
	v20 =	vshll.u32 v17, $0x10;
	v17 =	vand.u32 $0xFFFF0000, v17  }
0x198: {  	v22 =	vshll.u32 v18, $0x10;
	v18 =	vand.u32 $0xFFFF0000, v18;
	v20 =	vmul.f32 v20, v16  }
0x199: {  	v26 =	vld [tilespmem:$0xF9D0];
	v24 =	vshll.u32 v19, $0x10;
	v19 =	vand.u32 $0xFFFF0000, v19;
	v17 =	vmul.f32 v17, v16  }
0x19a: {  	v25 =	vshll.u32 v21, $0x10;
	v22 =	vmul.f32 v22, v16;
	v20 =	vadd.f32 v20, v0  }
0x19b: {  	v27 =	vld [tilespmem:$0xF9E0];
	v21 =	vand.u32 $0xFFFF0000, v21;
	v18 =	vmul.f32 v18, v16;
	v17 =	vadd.f32 v17, v1  }
0x19c: {  	v61 =	vshll.u32 v23, $0x10;
	v24 =	vmul.f32 v24, v16;
	v22 =	vadd.f32 v22, v2;
	[tilespmem:$0xFD80] =	vst v20  }
0x19d: {  	v31 =	vld [tilespmem:$0xF9F0];
	v62 =	vand.u32 $0xFFFF0000, v23;
	v25 =	vmul.f32 v25, v16;
	v18 =	vadd.f32 v18, v3;
	[tilespmem:$0xFD90] =	vst v17  }
0x19e: {  	v29 =	vshll.u32 v26, $0x10;
	v19 =	vmul.f32 v19, v16;
	v59 =	vadd.f32 v24, v4;
	[tilespmem:$0xFDA0] =	vst v22  }
0x19f: {  	v30 =	vand.u32 $0xFFFF0000, v26;
	v21 =	vmul.f32 v21, v16;
	v60 =	vadd.f32 v25, v6;
	[tilespmem:$0xFDB0] =	vst v18  }
0x1a0: {  	v34 =	vshll.u32 v27, $0x10;
	v63 =	vmul.f32 v61, v16;
	v17 =	vadd.f32 v19, v5;
	[tilespmem:$0xFDC0] =	vst v59  }
0x1a1: {  	v38 =	vand.u32 $0xFFFF0000, v27;
	v32 =	vmul.f32 v29, v16;
	v21 =	vadd.f32 v21, v7;
	[tilespmem:$0xFDE0] =	vst v60  }
0x1a2: {  	v40 =	vshll.u32 v31, $0x10;
	v33 =	vmul.f32 v30, v16;
	[tilespmem:$0xFDD0] =	vst v17;
	v17 =	vadd.f32 v63, v8  }
0x1a3: {  	s12 =	sadd.s32 $0x101, s10;
	v41 =	vand.u32 $0xFFFF0000, v31;
	v35 =	vmul.f32 v34, v16;
	v36 =	vadd.f32 v32, v10;
	[tilespmem:$0xFDF0] =	vst v21  }
0x1a4: {  	v23 =	vmul.f32 v40, v16;
	v37 =	vadd.f32 v33, v11;
	[tilespmem:$0xFF80] =	vst v17;
	v17 =	vmov s12  }
0x1a5: {  	v28 =	vmul.f32 v62, v16;
	v39 =	vadd.f32 v35, v12;
	[tilespmem:$0xFFA0] =	vst v36;
	v17 =	vand.u32 $0xFFFFFFF9, v17  }
0x1a6: {  	v43 =	vadd.f32 v23, v14;
	v21 =	vmul.f32 v38, v16;
	[tilespmem:$0xFFB0] =	vst v37;
	v17 =	vbroadcast v17, $0x0  }
0x1a7: {  	v18 =	vadd.f32 v28, v9;
	v16 =	vmul.f32 v41, v16;
	[tilespmem:$0xFFC0] =	vst v39  }
0x1a8: {  	[tilespmem:$0xFFE0] =	vst v43;
	v42 =	vadd.f32 v21, v13  }
0x1a9: {  	[tilespmem:$0xFF90] =	vst v18;
	v16 =	vadd.f32 v16, v15  }
0x1aa: {  	v44 =	vld [tilespmem:$0xFA10];
	[tilespmem:$0xFFD0] =	vst v42  }
0x1ab: {  	v45 =	vld [tilespmem:$0xFA20];
	[tilespmem:$0xFFF0] =	vst v16  }
0x1ac: {  	v16 =	vld.idx.msk [tilespmem:v17+s21+$0x0], $0xffff  }
0x1ad: {  	v17 =	vld [tilespmem:$0xFA00]  }
0x1ae: {  	v47 =	vld [tilespmem:$0xFA30]  }
0x1af: {  	v49 =	vld [tilespmem:$0xFA40];
	_ =	sdelay $0x1  }
0x1b0: {  	v16 =	vbroadcast v16, $0x0  }
0x1b1: {  	v52 =	vld [tilespmem:$0xFA50];
	v48 =	vshll.u32 v44, $0x10;
	v46 =	vshll.u32 v17, $0x10  }
0x1b2: {  	v50 =	vshll.u32 v45, $0x10;
	v17 =	vand.u32 $0xFFFF0000, v17;
	v20 =	vmul.f32 v46, v16  }
0x1b3: {  	v51 =	vshll.u32 v47, $0x10;
	v56 =	vshll.u32 v49, $0x10;
	v17 =	vmul.f32 v17, v16  }
0x1b4: {  	v53 =	vld [tilespmem:$0xFA60];
	v18 =	vand.u32 $0xFFFF0000, v44;
	v22 =	vmul.f32 v48, v16;
	v20 =	vadd.f32 v20, v0  }
0x1b5: {  	v57 =	vand.u32 $0xFFFF0000, v49;
	v18 =	vmul.f32 v18, v16;
	v17 =	vadd.f32 v17, v1  }
0x1b6: {  	v61 =	vand.u32 $0xFFFF0000, v52;
	v24 =	vmul.f32 v50, v16;
	v22 =	vadd.f32 v22, v2;
	[tilespmem:$0xFE00] =	vst v20  }
0x1b7: {  	v62 =	vld [tilespmem:$0xFA70];
	v19 =	vand.u32 $0xFFFF0000, v45;
	v25 =	vmul.f32 v51, v16;
	v18 =	vadd.f32 v18, v3;
	[tilespmem:$0xFE10] =	vst v17  }
0x1b8: {  	v21 =	vand.u32 $0xFFFF0000, v47;
	v19 =	vmul.f32 v19, v16;
	v54 =	vadd.f32 v24, v4;
	[tilespmem:$0xFE20] =	vst v22  }
0x1b9: {  	v29 =	vshll.u32 v53, $0x10;
	v21 =	vmul.f32 v21, v16;
	v55 =	vadd.f32 v25, v6;
	[tilespmem:$0xFE30] =	vst v18  }
0x1ba: {  	v60 =	vshll.u32 v52, $0x10;
	v58 =	vmul.f32 v56, v16;
	v17 =	vadd.f32 v19, v5;
	[tilespmem:$0xFE40] =	vst v54  }
0x1bb: {  	v33 =	vand.u32 $0xFFFF0000, v53;
	v63 =	vmul.f32 v60, v16;
	v21 =	vadd.f32 v21, v7;
	[tilespmem:$0xFE60] =	vst v55  }
0x1bc: {  	v35 =	vshll.u32 v62, $0x10;
	v28 =	vmul.f32 v61, v16;
	[tilespmem:$0xFE50] =	vst v17;
	v17 =	vadd.f32 v58, v8  }
0x1bd: {  	s13 =	sadd.s32 $0x102, s10;
	v36 =	vand.u32 $0xFFFF0000, v62;
	v30 =	vmul.f32 v29, v16;
	v31 =	vadd.f32 v63, v10;
	[tilespmem:$0xFE70] =	vst v21  }
0x1be: {  	v23 =	vmul.f32 v35, v16;
	v32 =	vadd.f32 v28, v11;
	[tilespmem:$0x10000] =	vst v17;
	v17 =	vmov s13  }
0x1bf: {  	v59 =	vmul.f32 v57, v16;
	v34 =	vadd.f32 v30, v12;
	[tilespmem:$0x10020] =	vst v31;
	v17 =	vand.u32 $0xFFFFFFFA, v17  }
0x1c0: {  	v38 =	vadd.f32 v23, v14;
	v21 =	vmul.f32 v33, v16;
	[tilespmem:$0x10030] =	vst v32;
	v17 =	vbroadcast v17, $0x0  }
0x1c1: {  	v18 =	vadd.f32 v59, v9;
	v16 =	vmul.f32 v36, v16;
	[tilespmem:$0x10040] =	vst v34  }
0x1c2: {  	[tilespmem:$0x10060] =	vst v38;
	v37 =	vadd.f32 v21, v13  }
0x1c3: {  	[tilespmem:$0x10010] =	vst v18;
	v16 =	vadd.f32 v16, v15  }
0x1c4: {  	v40 =	vld [tilespmem:$0xFAA0];
	[tilespmem:$0x10050] =	vst v37  }
0x1c5: {  	v39 =	vld [tilespmem:$0xFA90];
	[tilespmem:$0x10070] =	vst v16  }
0x1c6: {  	v16 =	vld.idx.msk [tilespmem:v17+s21+$0x0], $0xffff  }
0x1c7: {  	v17 =	vld [tilespmem:$0xFA80]  }
0x1c8: {  	v44 =	vld [tilespmem:$0xFAC0]  }
0x1c9: {  	v42 =	vld [tilespmem:$0xFAB0];
	_ =	sdelay $0x1  }
0x1ca: {  	v16 =	vbroadcast v16, $0x0  }
0x1cb: {  	v45 =	vshll.u32 v40, $0x10;
	v47 =	vld [tilespmem:$0xFAD0];
	v41 =	vshll.u32 v17, $0x10  }
0x1cc: {  	v43 =	vshll.u32 v39, $0x10;
	v17 =	vand.u32 $0xFFFF0000, v17;
	v20 =	vmul.f32 v41, v16  }
0x1cd: {  	v52 =	vand.u32 $0xFFFF0000, v44;
	v46 =	vshll.u32 v42, $0x10;
	v17 =	vmul.f32 v17, v16  }
0x1ce: {  	v18 =	vand.u32 $0xFFFF0000, v39;
	v22 =	vmul.f32 v43, v16;
	v20 =	vadd.f32 v20, v0  }
0x1cf: {  	v48 =	vld [tilespmem:$0xFAE0];
	v51 =	vshll.u32 v44, $0x10;
	v18 =	vmul.f32 v18, v16;
	v17 =	vadd.f32 v17, v1  }
0x1d0: {  	v56 =	vand.u32 $0xFFFF0000, v47;
	v57 =	vld [tilespmem:$0xFAF0];
	v24 =	vmul.f32 v45, v16;
	v22 =	vadd.f32 v22, v2;
	[tilespmem:$0xFE80] =	vst v20  }
0x1d1: {  	v19 =	vand.u32 $0xFFFF0000, v40;
	v25 =	vmul.f32 v46, v16;
	v18 =	vadd.f32 v18, v3;
	[tilespmem:$0xFE90] =	vst v17  }
0x1d2: {  	v21 =	vand.u32 $0xFFFF0000, v42;
	v19 =	vmul.f32 v19, v16;
	v49 =	vadd.f32 v24, v4;
	[tilespmem:$0xFEA0] =	vst v22  }
0x1d3: {  	v55 =	vshll.u32 v47, $0x10;
	v21 =	vmul.f32 v21, v16;
	v50 =	vadd.f32 v25, v6;
	[tilespmem:$0xFEB0] =	vst v18  }
0x1d4: {  	v60 =	vshll.u32 v48, $0x10;
	v53 =	vmul.f32 v51, v16;
	v17 =	vadd.f32 v19, v5;
	[tilespmem:$0xFEC0] =	vst v49  }
0x1d5: {  	v27 =	vshll.u32 v57, $0x10;
	v58 =	vmul.f32 v55, v16;
	v21 =	vadd.f32 v21, v7;
	[tilespmem:$0xFEE0] =	vst v50  }
0x1d6: {  	v28 =	vand.u32 $0xFFFF0000, v57;
	v59 =	vmul.f32 v56, v16;
	[tilespmem:$0xFED0] =	vst v17;
	v17 =	vadd.f32 v53, v8  }
0x1d7: {  	s10 =	sadd.s32 $0x103, s10;
	v54 =	vmul.f32 v52, v16;
	v61 =	vmul.f32 v60, v16;
	v62 =	vadd.f32 v58, v10;
	[tilespmem:$0xFEF0] =	vst v21  }
0x1d8: {  	v23 =	vmul.f32 v27, v16;
	v63 =	vadd.f32 v59, v11;
	[tilespmem:$0x10080] =	vst v17;
	v17 =	vmov s10  }
0x1d9: {  	v24 =	vand.u32 $0xFFFF0000, v48;
	v26 =	vadd.f32 v61, v12;
	[tilespmem:$0x100A0] =	vst v62;
	v17 =	vand.u32 $0xFFFFFFFB, v17  }
0x1da: {  	v30 =	vadd.f32 v23, v14;
	v21 =	vmul.f32 v24, v16;
	[tilespmem:$0x100B0] =	vst v63;
	v17 =	vbroadcast v17, $0x0  }
0x1db: {  	v18 =	vadd.f32 v54, v9;
	v16 =	vmul.f32 v28, v16;
	[tilespmem:$0x100C0] =	vst v26  }
0x1dc: {  	[tilespmem:$0x100E0] =	vst v30;
	v29 =	vadd.f32 v21, v13  }
0x1dd: {  	[tilespmem:$0x10090] =	vst v18;
	v16 =	vadd.f32 v16, v15  }
0x1de: {  	[tilespmem:$0x100D0] =	vst v29  }
0x1df: {  	[tilespmem:$0x100F0] =	vst v16  }
0x1e0: {  	v16 =	vld.idx.msk [tilespmem:v17+s21+$0x0], $0xffff  }
0x1e1: {  	v17 =	vld [tilespmem:$0xFB00];
	_ =	sdelay $0x1  }
0x1e2: {  	v31 =	vld [tilespmem:$0xFB10];
	_ =	sdelay $0x1  }
0x1e3: {  	v32 =	vld [tilespmem:$0xFB20];
	v16 =	vbroadcast v16, $0x0  }
0x1e4: {  	v38 =	vld [tilespmem:$0xFB50];
	v33 =	vshll.u32 v17, $0x10  }
0x1e5: {  	v17 =	vand.u32 $0xFFFF0000, v17;
	v20 =	vmul.f32 v33, v16  }
0x1e6: {  	v34 =	vld [tilespmem:$0xFB30];
	v35 =	vshll.u32 v31, $0x10;
	v17 =	vmul.f32 v17, v16  }
0x1e7: {  	v18 =	vand.u32 $0xFFFF0000, v31;
	v22 =	vmul.f32 v35, v16;
	v20 =	vadd.f32 v20, v0  }
0x1e8: {  	v36 =	vld [tilespmem:$0xFB40];
	v19 =	vand.u32 $0xFFFF0000, v32;
	v18 =	vmul.f32 v18, v16;
	v17 =	vadd.f32 v17, v1  }
0x1e9: {  	v47 =	vand.u32 $0xFFFF0000, v38;
	v19 =	vmul.f32 v19, v16;
	v22 =	vadd.f32 v22, v2;
	[tilespmem:$0xFF00] =	vst v20  }
0x1ea: {  	v37 =	vshll.u32 v32, $0x10;
	v49 =	vmul.f32 v47, v16;
	v18 =	vadd.f32 v18, v3;
	[tilespmem:$0xFF10] =	vst v17  }
0x1eb: {  	v40 =	vld [tilespmem:$0xFB60];
	v39 =	vshll.u32 v34, $0x10;
	v24 =	vmul.f32 v37, v16;
	v19 =	vadd.f32 v19, v5;
	[tilespmem:$0xFF20] =	vst v22  }
0x1ec: {  	v21 =	vand.u32 $0xFFFF0000, v34;
	v52 =	vadd.f32 v49, v11;
	v20 =	vmul.f32 v39, v16;
	[tilespmem:$0xFF30] =	vst v18  }
0x1ed: {  	v44 =	vld [tilespmem:$0xFB70];
	v41 =	vshll.u32 v36, $0x10;
	v21 =	vmul.f32 v21, v16;
	v17 =	vadd.f32 v24, v4;
	[tilespmem:$0xFF50] =	vst v19  }
0x1ee: {  	v43 =	vand.u32 $0xFFFF0000, v36;
	v22 =	vmul.f32 v41, v16;
	[tilespmem:$0x10130] =	vst v52;
	v42 =	vadd.f32 v20, v6  }
0x1ef: {  	v45 =	vshll.u32 v38, $0x10;
	[tilespmem:$0xFF40] =	vst v17;
	v17 =	vadd.f32 v21, v7;
	v20 =	vmul.f32 v43, v16  }
0x1f0: {  	v50 =	vshll.u32 v40, $0x10;
	v46 =	vadd.f32 v22, v8;
	v21 =	vmul.f32 v45, v16;
	[tilespmem:$0xFF60] =	vst v42  }
0x1f1: {  	v51 =	vand.u32 $0xFFFF0000, v40;
	v22 =	vmul.f32 v50, v16;
	v48 =	vadd.f32 v20, v9;
	[tilespmem:$0xFF70] =	vst v17  }
0x1f2: {  	v54 =	vshll.u32 v44, $0x10;
	v53 =	vmul.f32 v51, v16;
	v17 =	vadd.f32 v21, v10;
	[tilespmem:$0x10100] =	vst v46  }
0x1f3: {  	v56 =	vand.u32 $0xFFFF0000, v44;
	v55 =	vadd.f32 v22, v12;
	v21 =	vmul.f32 v54, v16;
	[tilespmem:$0x10110] =	vst v48  }
0x1f4: {  	v16 =	vmul.f32 v56, v16;
	[tilespmem:$0x10120] =	vst v17;
	v17 =	vadd.f32 v53, v13  }
0x1f5: {  	v57 =	vadd.f32 v21, v14;
	[tilespmem:$0x10140] =	vst v55  }
0x1f6: {  	v16 =	vadd.f32 v16, v15;
	[tilespmem:$0x10150] =	vst v17  }
0x1f7: {  	p1 =	seq.s32 s7, $0x2700;
	[tilespmem:$0x10160] =	vst v57  }
0x1f8: {  	s18 =	simm.s32 @!p1 $0xB980;
	s10 =	simm.s32 @!p1 $0x40;
	[tilespmem:$0x10170] =	vst v16  }
0x1f9: {  	[tilespmem:s18], [sflag:$0x1] =	stream.indirect.gather @!p1 [spmem:s4], $0x80, s31, s10, $0xb8;
	[tilespmem:$0x14580] =	vst v63  }
0x1fa: {  	s19 =	rddreg [dreg:$0x5];
	s12 =	simm.s32 @!p1 $0xF980;
	s18 =	simm.s32 @!p1 $0x0  }
0x1fb: {  	[tilespmem:s12], [sflag:$0x3] =	stream.linear.gather @!p1 [hbm4b:s14+s18], $0x200, $0x38;
	[tilespmem:$0x14580] =	vst v63  }
0x1fc: {  	s19 =	sadd.s32 s7, s19;
	s13 =	rddreg [dreg:$0x6]  }
0x1fd: {  	[hbm4b:s19+s22] =	stream.strided.scatter [tilespmem:s13], [sflag:$0x5], $0x400, s20, s22, $0x38;
	[tilespmem:$0x14580] =	vst v63  }
0x1fe: {  	s19 =	sor.u32 $0x4, s9;
	_ =	swait.ge [sflag:s23], $0x2000  }
0x1ff: {  	v16 =	vmov s19;
	[sflag:s23] =	ssyncset.done $0x0  }
0x200: {  	v16 =	vand.u32 $0xFFFFFFFC, v16;
	[sflag:s23] =	ssyncadd.s32 $0xFFFFE000  }
0x201: {  	v16 =	vbroadcast v16, $0x0;
	_ =	swait.ge [sflag:s26], $0x200  }
0x202: {  	[sflag:s26] =	ssyncset.done $0x0  }
0x203: {  	s12 =	simm.s32 @!p0 $0x6;
	[sflag:s26] =	ssyncadd.s32 $0xFFFFFE00  }
0x204: {  	_ =	swait.ge @!p0 [sflag:s12], $0x400  }
0x205: {  	[sflag:s12] =	ssyncset.done @!p0 $0x0  }
0x206: {  	[sflag:s12] =	ssyncadd.s32 @!p0 $0xFFFFFC00  }
0x207: {  	v16 =	vld.idx.msk [tilespmem:v16+s21+$0x0], $0xffff  }
0x208: {  	v17 =	vld [tilespmem:$0xFB80]  }
0x209: {  	v58 =	vld [tilespmem:$0xFB90]  }
0x20a: {  	v59 =	vld [tilespmem:$0xFBA0]  }
0x20b: {  	v61 =	vld [tilespmem:$0xFBB0]  }
0x20c: {  	v16 =	vbroadcast v16, $0x0  }
0x20d: {  	v63 =	vld [tilespmem:$0xFBC0];
	v60 =	vshll.u32 v17, $0x10;
	v17 =	vand.u32 $0xFFFF0000, v17  }
0x20e: {  	v62 =	vshll.u32 v58, $0x10;
	v18 =	vand.u32 $0xFFFF0000, v58;
	v20 =	vmul.f32 v60, v16  }
0x20f: {  	v30 =	vld [tilespmem:$0xFBD0];
	v28 =	vshll.u32 v59, $0x10;
	v19 =	vand.u32 $0xFFFF0000, v59;
	v17 =	vmul.f32 v17, v16  }
0x210: {  	v29 =	vshll.u32 v61, $0x10;
	v22 =	vmul.f32 v62, v16;
	v20 =	vadd.f32 v20, v0  }
0x211: {  	v31 =	vld [tilespmem:$0xFBE0];
	v21 =	vand.u32 $0xFFFF0000, v61;
	v18 =	vmul.f32 v18, v16;
	v17 =	vadd.f32 v17, v1  }
0x212: {  	v34 =	vshll.u32 v63, $0x10;
	v24 =	vmul.f32 v28, v16;
	v22 =	vadd.f32 v22, v2;
	[tilespmem:$0x10180] =	vst v20  }
0x213: {  	v40 =	vld [tilespmem:$0xFBF0];
	v35 =	vand.u32 $0xFFFF0000, v63;
	v25 =	vmul.f32 v29, v16;
	v18 =	vadd.f32 v18, v3;
	[tilespmem:$0x10190] =	vst v17  }
0x214: {  	v38 =	vshll.u32 v30, $0x10;
	v19 =	vmul.f32 v19, v16;
	v32 =	vadd.f32 v24, v4;
	[tilespmem:$0x101A0] =	vst v22  }
0x215: {  	v39 =	vand.u32 $0xFFFF0000, v30;
	v21 =	vmul.f32 v21, v16;
	v33 =	vadd.f32 v25, v6;
	[tilespmem:$0x101B0] =	vst v18  }
0x216: {  	v43 =	vshll.u32 v31, $0x10;
	v36 =	vmul.f32 v34, v16;
	v17 =	vadd.f32 v19, v5;
	[tilespmem:$0x101C0] =	vst v32  }
0x217: {  	v47 =	vand.u32 $0xFFFF0000, v31;
	v41 =	vmul.f32 v38, v16;
	v21 =	vadd.f32 v21, v7;
	[tilespmem:$0x101E0] =	vst v33  }
0x218: {  	v49 =	vshll.u32 v40, $0x10;
	v42 =	vmul.f32 v39, v16;
	[tilespmem:$0x101D0] =	vst v17;
	v17 =	vadd.f32 v36, v8  }
0x219: {  	s13 =	sor.u32 $0x5, s9;
	v50 =	vand.u32 $0xFFFF0000, v40;
	v44 =	vmul.f32 v43, v16;
	v45 =	vadd.f32 v41, v10;
	[tilespmem:$0x101F0] =	vst v21  }
0x21a: {  	v23 =	vmul.f32 v49, v16;
	v46 =	vadd.f32 v42, v11;
	[tilespmem:$0x10380] =	vst v17;
	v17 =	vmov s13  }
0x21b: {  	v37 =	vmul.f32 v35, v16;
	v48 =	vadd.f32 v44, v12;
	[tilespmem:$0x103A0] =	vst v45;
	v17 =	vand.u32 $0xFFFFFFFD, v17  }
0x21c: {  	v52 =	vadd.f32 v23, v14;
	v21 =	vmul.f32 v47, v16;
	[tilespmem:$0x103B0] =	vst v46;
	v17 =	vbroadcast v17, $0x0  }
0x21d: {  	v18 =	vadd.f32 v37, v9;
	v16 =	vmul.f32 v50, v16;
	[tilespmem:$0x103C0] =	vst v48  }
0x21e: {  	[tilespmem:$0x103E0] =	vst v52;
	v51 =	vadd.f32 v21, v13  }
0x21f: {  	[tilespmem:$0x10390] =	vst v18;
	v16 =	vadd.f32 v16, v15  }
0x220: {  	v53 =	vld [tilespmem:$0xFC10];
	[tilespmem:$0x103D0] =	vst v51  }
0x221: {  	v54 =	vld [tilespmem:$0xFC20];
	[tilespmem:$0x103F0] =	vst v16  }
0x222: {  	v16 =	vld.idx.msk [tilespmem:v17+s21+$0x0], $0xffff  }
0x223: {  	v17 =	vld [tilespmem:$0xFC00]  }
0x224: {  	v56 =	vld [tilespmem:$0xFC30]  }
0x225: {  	v58 =	vld [tilespmem:$0xFC40];
	_ =	sdelay $0x1  }
0x226: {  	v16 =	vbroadcast v16, $0x0  }
0x227: {  	v57 =	vshll.u32 v53, $0x10;
	v61 =	vld [tilespmem:$0xFC50];
	v55 =	vshll.u32 v17, $0x10  }
0x228: {  	v59 =	vshll.u32 v54, $0x10;
	v17 =	vand.u32 $0xFFFF0000, v17;
	v20 =	vmul.f32 v55, v16  }
0x229: {  	v60 =	vshll.u32 v56, $0x10;
	v29 =	vshll.u32 v58, $0x10;
	v17 =	vmul.f32 v17, v16  }
0x22a: {  	v18 =	vand.u32 $0xFFFF0000, v53;
	v22 =	vmul.f32 v57, v16;
	v20 =	vadd.f32 v20, v0  }
0x22b: {  	v62 =	vld [tilespmem:$0xFC60];
	v30 =	vand.u32 $0xFFFF0000, v58;
	v18 =	vmul.f32 v18, v16;
	v17 =	vadd.f32 v17, v1  }
0x22c: {  	v34 =	vand.u32 $0xFFFF0000, v61;
	v24 =	vmul.f32 v59, v16;
	v22 =	vadd.f32 v22, v2;
	[tilespmem:$0x10200] =	vst v20  }
0x22d: {  	v35 =	vld [tilespmem:$0xFC70];
	v19 =	vand.u32 $0xFFFF0000, v54;
	v25 =	vmul.f32 v60, v16;
	v18 =	vadd.f32 v18, v3;
	[tilespmem:$0x10210] =	vst v17  }
0x22e: {  	v21 =	vand.u32 $0xFFFF0000, v56;
	v19 =	vmul.f32 v19, v16;
	v63 =	vadd.f32 v24, v4;
	[tilespmem:$0x10220] =	vst v22  }
0x22f: {  	v33 =	vshll.u32 v61, $0x10;
	v21 =	vmul.f32 v21, v16;
	v28 =	vadd.f32 v25, v6;
	[tilespmem:$0x10230] =	vst v18  }
0x230: {  	v38 =	vshll.u32 v62, $0x10;
	v31 =	vmul.f32 v29, v16;
	v17 =	vadd.f32 v19, v5;
	[tilespmem:$0x10240] =	vst v63  }
0x231: {  	v42 =	vand.u32 $0xFFFF0000, v62;
	v36 =	vmul.f32 v33, v16;
	v21 =	vadd.f32 v21, v7;
	[tilespmem:$0x10260] =	vst v28  }
0x232: {  	v44 =	vshll.u32 v35, $0x10;
	v37 =	vmul.f32 v34, v16;
	[tilespmem:$0x10250] =	vst v17;
	v17 =	vadd.f32 v31, v8  }
0x233: {  	s19 =	sor.u32 $0x6, s9;
	v45 =	vand.u32 $0xFFFF0000, v35;
	v39 =	vmul.f32 v38, v16;
	v40 =	vadd.f32 v36, v10;
	[tilespmem:$0x10270] =	vst v21  }
0x234: {  	v23 =	vmul.f32 v44, v16;
	v41 =	vadd.f32 v37, v11;
	[tilespmem:$0x10400] =	vst v17;
	v17 =	vmov s19  }
0x235: {  	v32 =	vmul.f32 v30, v16;
	v43 =	vadd.f32 v39, v12;
	[tilespmem:$0x10420] =	vst v40;
	v17 =	vand.u32 $0xFFFFFFFE, v17  }
0x236: {  	v47 =	vadd.f32 v23, v14;
	v21 =	vmul.f32 v42, v16;
	[tilespmem:$0x10430] =	vst v41;
	v17 =	vbroadcast v17, $0x0  }
0x237: {  	v18 =	vadd.f32 v32, v9;
	v16 =	vmul.f32 v45, v16;
	[tilespmem:$0x10440] =	vst v43  }
0x238: {  	[tilespmem:$0x10460] =	vst v47;
	v46 =	vadd.f32 v21, v13  }
0x239: {  	[tilespmem:$0x10410] =	vst v18;
	v16 =	vadd.f32 v16, v15  }
0x23a: {  	[tilespmem:$0x10450] =	vst v46  }
0x23b: {  	[tilespmem:$0x10470] =	vst v16  }
0x23c: {  	v16 =	vld.idx.msk [tilespmem:v17+s21+$0x0], $0xffff  }
0x23d: {  	v17 =	vld [tilespmem:$0xFC80];
	_ =	sdelay $0x1  }
0x23e: {  	v48 =	vld [tilespmem:$0xFC90];
	_ =	sdelay $0x1  }
0x23f: {  	v49 =	vld [tilespmem:$0xFCA0];
	v16 =	vbroadcast v16, $0x0  }
0x240: {  	v55 =	vld [tilespmem:$0xFCD0];
	v50 =	vshll.u32 v17, $0x10  }
0x241: {  	v17 =	vand.u32 $0xFFFF0000, v17;
	v20 =	vmul.f32 v50, v16  }
0x242: {  	v51 =	vld [tilespmem:$0xFCB0];
	v52 =	vshll.u32 v48, $0x10;
	v17 =	vmul.f32 v17, v16  }
0x243: {  	v18 =	vand.u32 $0xFFFF0000, v48;
	v22 =	vmul.f32 v52, v16;
	v20 =	vadd.f32 v20, v0  }
0x244: {  	v53 =	vld [tilespmem:$0xFCC0];
	v19 =	vand.u32 $0xFFFF0000, v49;
	v18 =	vmul.f32 v18, v16;
	v17 =	vadd.f32 v17, v1  }
0x245: {  	v25 =	vand.u32 $0xFFFF0000, v55;
	v19 =	vmul.f32 v19, v16;
	v22 =	vadd.f32 v22, v2;
	[tilespmem:$0x10280] =	vst v20  }
0x246: {  	v54 =	vshll.u32 v49, $0x10;
	v27 =	vmul.f32 v25, v16;
	v18 =	vadd.f32 v18, v3;
	[tilespmem:$0x10290] =	vst v17  }
0x247: {  	v56 =	vshll.u32 v51, $0x10;
	v57 =	vld [tilespmem:$0xFCE0];
	v24 =	vmul.f32 v54, v16;
	v19 =	vadd.f32 v19, v5;
	[tilespmem:$0x102A0] =	vst v22  }
0x248: {  	v21 =	vand.u32 $0xFFFF0000, v51;
	v30 =	vadd.f32 v27, v11;
	v20 =	vmul.f32 v56, v16;
	[tilespmem:$0x102B0] =	vst v18  }
0x249: {  	v61 =	vld [tilespmem:$0xFCF0];
	v58 =	vshll.u32 v53, $0x10;
	v21 =	vmul.f32 v21, v16;
	v17 =	vadd.f32 v24, v4;
	[tilespmem:$0x102D0] =	vst v19  }
0x24a: {  	v60 =	vand.u32 $0xFFFF0000, v53;
	v22 =	vmul.f32 v58, v16;
	[tilespmem:$0x104B0] =	vst v30;
	v59 =	vadd.f32 v20, v6  }
0x24b: {  	v62 =	vshll.u32 v55, $0x10;
	[tilespmem:$0x102C0] =	vst v17;
	v17 =	vadd.f32 v21, v7;
	v20 =	vmul.f32 v60, v16  }
0x24c: {  	v28 =	vshll.u32 v57, $0x10;
	v63 =	vadd.f32 v22, v8;
	v21 =	vmul.f32 v62, v16;
	[tilespmem:$0x102E0] =	vst v59  }
0x24d: {  	v29 =	vand.u32 $0xFFFF0000, v57;
	v22 =	vmul.f32 v28, v16;
	v26 =	vadd.f32 v20, v9;
	[tilespmem:$0x102F0] =	vst v17  }
0x24e: {  	v32 =	vshll.u32 v61, $0x10;
	v31 =	vmul.f32 v29, v16;
	v17 =	vadd.f32 v21, v10;
	[tilespmem:$0x10480] =	vst v63  }
0x24f: {  	s9 =	sor.u32 $0x7, s9;
	v34 =	vand.u32 $0xFFFF0000, v61;
	v33 =	vadd.f32 v22, v12;
	v21 =	vmul.f32 v32, v16;
	[tilespmem:$0x10490] =	vst v26  }
0x250: {  	v35 =	vmov s9;
	v16 =	vmul.f32 v34, v16;
	[tilespmem:$0x104A0] =	vst v17;
	v17 =	vadd.f32 v31, v13  }
0x251: {  	v36 =	vadd.f32 v21, v14;
	[tilespmem:$0x104C0] =	vst v33  }
0x252: {  	v16 =	vadd.f32 v16, v15;
	[tilespmem:$0x104D0] =	vst v17  }
0x253: {  	[tilespmem:$0x104E0] =	vst v36  }
0x254: {  	[tilespmem:$0x104F0] =	vst v16  }
0x255: {  	v16 =	vld.idx.msk [tilespmem:v35+s21+$0x0], $0xffff  }
0x256: {  	v17 =	vld [tilespmem:$0xFD00];
	_ =	sdelay $0x1  }
0x257: {  	v37 =	vld [tilespmem:$0xFD10];
	_ =	sdelay $0x1  }
0x258: {  	v38 =	vld [tilespmem:$0xFD20];
	v16 =	vbroadcast v16, $0x0  }
0x259: {  	v44 =	vld [tilespmem:$0xFD50];
	v39 =	vshll.u32 v17, $0x10  }
0x25a: {  	v17 =	vand.u32 $0xFFFF0000, v17;
	v20 =	vmul.f32 v39, v16  }
0x25b: {  	v40 =	vld [tilespmem:$0xFD30];
	v41 =	vshll.u32 v37, $0x10;
	v17 =	vmul.f32 v17, v16  }
0x25c: {  	v18 =	vand.u32 $0xFFFF0000, v37;
	v22 =	vmul.f32 v41, v16;
	v20 =	vadd.f32 v20, v0  }
0x25d: {  	v42 =	vld [tilespmem:$0xFD40];
	v19 =	vand.u32 $0xFFFF0000, v38;
	v18 =	vmul.f32 v18, v16;
	v17 =	vadd.f32 v17, v1  }
0x25e: {  	v53 =	vand.u32 $0xFFFF0000, v44;
	v19 =	vmul.f32 v19, v16;
	v22 =	vadd.f32 v22, v2;
	[tilespmem:$0x10300] =	vst v20  }
0x25f: {  	v43 =	vshll.u32 v38, $0x10;
	v55 =	vmul.f32 v53, v16;
	v18 =	vadd.f32 v18, v3;
	[tilespmem:$0x10310] =	vst v17  }
0x260: {  	v46 =	vld [tilespmem:$0xFD60];
	v45 =	vshll.u32 v40, $0x10;
	v24 =	vmul.f32 v43, v16;
	v19 =	vadd.f32 v19, v5;
	[tilespmem:$0x10320] =	vst v22  }
0x261: {  	v21 =	vand.u32 $0xFFFF0000, v40;
	v58 =	vadd.f32 v55, v11;
	v20 =	vmul.f32 v45, v16;
	[tilespmem:$0x10330] =	vst v18  }
0x262: {  	v47 =	vshll.u32 v42, $0x10;
	v50 =	vld [tilespmem:$0xFD70];
	v21 =	vmul.f32 v21, v16;
	v17 =	vadd.f32 v24, v4;
	[tilespmem:$0x10350] =	vst v19  }
0x263: {  	v49 =	vand.u32 $0xFFFF0000, v42;
	v22 =	vmul.f32 v47, v16;
	[tilespmem:$0x10530] =	vst v58;
	v48 =	vadd.f32 v20, v6  }
0x264: {  	v51 =	vshll.u32 v44, $0x10;
	[tilespmem:$0x10340] =	vst v17;
	v17 =	vadd.f32 v21, v7;
	v20 =	vmul.f32 v49, v16  }
0x265: {  	v56 =	vshll.u32 v46, $0x10;
	v52 =	vadd.f32 v22, v8;
	v21 =	vmul.f32 v51, v16;
	[tilespmem:$0x10360] =	vst v48  }
0x266: {  	v57 =	vand.u32 $0xFFFF0000, v46;
	v22 =	vmul.f32 v56, v16;
	v54 =	vadd.f32 v20, v9;
	[tilespmem:$0x10370] =	vst v17  }
0x267: {  	v60 =	vshll.u32 v50, $0x10;
	v59 =	vmul.f32 v57, v16;
	v17 =	vadd.f32 v21, v10;
	[tilespmem:$0x10500] =	vst v52  }
0x268: {  	v62 =	vand.u32 $0xFFFF0000, v50;
	v61 =	vadd.f32 v22, v12;
	v21 =	vmul.f32 v60, v16;
	[tilespmem:$0x10510] =	vst v54  }
0x269: {  	v16 =	vmul.f32 v62, v16;
	[tilespmem:$0x10520] =	vst v17;
	v17 =	vadd.f32 v59, v13  }
0x26a: {  	v63 =	vadd.f32 v21, v14;
	[tilespmem:$0x10540] =	vst v61  }
0x26b: {  	v16 =	vadd.f32 v16, v15;
	[tilespmem:$0x10550] =	vst v17  }
0x26c: {  	[tilespmem:$0x10560] =	vst v63  }
0x26d: {  	s12 =	simm.s32 @!p1 $0xD980;
	s9 =	sadd.s32 @!p1 $0x80, s31;
	s13 =	rddreg [dreg:$0x7];
	[tilespmem:$0x10570] =	vst v16  }
0x26e: {  	[tilespmem:s12], [sflag:$0x2] =	stream.indirect.gather @!p1 [spmem:s4], $0x80, s9, s10, $0xb8;
	[tilespmem:$0x14580] =	vst v63  }
0x26f: {  	s9 =	sadd.s32 s7, s13;
	s7 =	sadd.s32 $0x100, s7  }
0x270: {  	p0 =	sne.s32 s7, $0x2800  }
.Ltmp1:
0x271: {  	s8 =	sadd.s32 $0x1, s8;
	(pc) =	sbr.rel @p0 .LBB2_4-.Ltmp1, $4  }
0x272: {  	s1 =	sadd.s32 $0x8, s1;
	s14 =	sadd.s32 $0x80, s14;
	s10 =	simm.s32 @!p1 $0xFB80  }
0x273: {  	[tilespmem:s10], [sflag:$0x4] =	stream.linear.gather @!p1 [hbm4b:s15+s18], $0x200, $0x38;
	[tilespmem:$0x14580] =	vst v63  }
0x274: {  	s31 =	sadd.s32 $0x100, s31;
	s19 =	rddreg [dreg:$0x8];
	s15 =	sadd.s32 $0x80, s15  }
0x275: {  	[hbm4b:s9+s22] =	stream.strided.scatter [tilespmem:s19], [sflag:$0x6], $0x400, s20, s22, $0x38;
	[tilespmem:$0x14580] =	vst v63  }
0x276: {  	_ =	swait.ge [sflag:s28], $0x400  }
0x277: {  	[sflag:s28] =	ssyncset.done $0x0  }
0x278: {  	[sflag:s28] =	ssyncadd.s32 $0xFFFFFC00  }
0x279: {  	_ =	swait.ge [sflag:s29], $0x400  }
0x27a: {  	s30 =	sadd.s32 $0x1, s30;
	s1 =	rddreg [dreg:$0xf]  }
0x27b: {  	p0 =	sne.s32 s30, s1  }
.Ltmp2:
0x27c: {  	_ = 	snop;
	(pc) =	sbr.rel @p0 .LBB2_1-.Ltmp2, $3  }
0x27d: {  	_ =	sdelay $0x1  }
0x27e: {  	[sflag:s29] =	ssyncset.done $0x0  }
0x27f: {  	[sflag:s29] =	ssyncadd.s32 $0xFFFFFC00  }
0x280: {  	_ =	sfence.sel $0x180000  }
0x281: {  	[bflag:$0x0] =	sbarrier.arrive $0xFFFF  }
0x282: {  	_ =	strace $0x90000047  }
0x283: {  	s0 =	stileid.u32;
	[bflag:$0x2] =	sbarrier.arrive $0xFFFF  }
0x284: {  	p0 =	sne.s32 s0, $0x0;
	s0 =	rddreg [dreg:$0x4]  }
0x285: {  	s0 =	sadd.s32 @!p0 $0x100000, s0  }
0x286: {  	[sflag:s0] =	ssyncadd.tile.s32 @!p0 $0x1;
	_ =	shalt  }
.Lfunc_end2:
_tile_overlayer_lowered:
.L_overlay_start_2:
0x287: {  	(tag) =	ssettag $0x2  }
0x288: {  	s0 =	rddreg [dreg:$0x0];
	s2 =	stileid.u32  }
0x289: {  	s1 =	rddreg [dreg:$0x1];
	p0 =	sne.s32 s2, $0x0  }
0x28a: {  	s3 =	rddreg [dreg:$0x2];
	[bflag:$0x3] =	sbarrier.arrive $0xFFFF;
	s2 =	simm.s32 @!p0 $0x1C07  }
0x28b: {  	[timem:s3], [sflag:s2] =	dma.local @!p0 [hbm:s0], s1  }
0x28c: {  	s0 =	simm.s32 @!p0 $0x7  }
0x28d: {  	_ =	swait.ge @!p0 [sflag:s0], s1  }
0x28e: {  	s1 =	ssub.s32 @!p0 $0x0, s1;
	[sflag:s0] =	ssyncset.done @!p0 $0x0  }
0x28f: {  	[sflag:s0] =	ssyncadd.s32 @!p0 s1  }
0x290: {  	[bflag:$0x3] =	sbarrier.arrive $0xFFFF  }
0x291: {  	_ =	shalt  }

</sc_bundles>
